<compile_context>
chip_gen: v7x
topology: tpu7x:2x2x1
jax: 0.10.2.dev20260603
libtpu: 0.0.44.dev20260713+nightly
codegen_flags: <defaults>
</compile_context>

<pallas_src>
import functools

import jax
import jax.numpy as jnp
from jax import lax
from jax.experimental import pallas as pl
from jax.experimental.pallas import tpu as pltpu
from jax.experimental.pallas import tpu_sc as plsc

NC = 2
NS = 16
NW = NC * NS
K = 128
B = 2000

THETA = ((3.0, -3.0, 0.75), (0.0, 3.0, -1.5), (0.0, 0.0, 0.75))
DEG_W = 16


def _round8(v):
    return ((v + 7) // 8) * 8


def _seg_sum_sc(n_nodes, n_chunks, width, ring=True):
    cpw = n_chunks // NW
    nbuf = 4 if ring else 1
    ra = _round8(-(-n_nodes // NS))
    rb = n_nodes - ra * (NS - 1)
    acc_rows = n_nodes + 16
    mesh = plsc.VectorSubcoreMesh(
        core_axis_name="c", subcore_axis_name="s",
        num_cores=NC, num_subcores=NS)

    @functools.partial(
        pl.kernel,
        out_type=jax.ShapeDtypeStruct((NC * n_nodes, width), jnp.float32),
        mesh=mesh,
        compiler_params=pltpu.CompilerParams(use_tc_tiling_on_sc=False),
        scratch_types=[
            pltpu.VMEM((cpw, K), jnp.int32),
            pltpu.VMEM((cpw, K), jnp.int32),
            [pltpu.VMEM((K, width), jnp.float32) for _ in range(nbuf)],
            [pltpu.SemaphoreType.DMA for _ in range(nbuf)],
            [pltpu.SemaphoreType.DMA for _ in range(nbuf)],
            pltpu.VMEM_SHARED((acc_rows, width), jnp.float32),
        ],
    )
    def seg(table_hbm, src_hbm, dst_hbm, zeros_hbm, out_hbm,
            src_v, dst_v, rows, gsem, ssem, acc_sh):
        c = lax.axis_index("c")
        s = lax.axis_index("s")
        w = s * NC + c
        pltpu.sync_copy(src_hbm.at[pl.ds(w * cpw, cpw)], src_v)
        pltpu.sync_copy(dst_hbm.at[pl.ds(w * cpw, cpw)], dst_v)
        @pl.when(s < NS - 1)
        def _():
            pltpu.sync_copy(zeros_hbm.at[pl.ds(0, ra)],
                            acc_sh.at[pl.ds(s * ra, ra)])

        @pl.when(s == NS - 1)
        def _():
            pltpu.sync_copy(zeros_hbm.at[pl.ds(0, rb)],
                            acc_sh.at[pl.ds((NS - 1) * ra, rb)])

        @pl.when(s == 0)
        def _():
            pltpu.sync_copy(zeros_hbm.at[pl.ds(0, 16)],
                            acc_sh.at[pl.ds(n_nodes, 16)])

        plsc.subcore_barrier()

        if ring:
            pltpu.async_copy(table_hbm.at[src_v.at[0]], rows[0], gsem[0])
            pltpu.async_copy(table_hbm.at[src_v.at[1]], rows[1], gsem[1])

            def body(jj, carry):
                for b in range(4):
                    j = jj * 4 + b
                    bn = (b + 2) % 4
                    pltpu.make_async_copy(
                        table_hbm.at[pl.ds(0, K)], rows[b], gsem[b]).wait()
                    pltpu.async_copy(
                        rows[b], acc_sh.at[dst_v.at[j]], ssem[b], add=True)

                    @pl.when(j >= 2)
                    def _():
                        pltpu.make_async_copy(
                            rows[bn], acc_sh.at[pl.ds(0, K)],
                            ssem[bn]).wait()

                    @pl.when(j + 2 < cpw)
                    def _():
                        pltpu.async_copy(
                            table_hbm.at[src_v.at[j + 2]], rows[bn],
                            gsem[bn])
                return carry

            lax.fori_loop(0, cpw // 4, body, 0)
            pltpu.make_async_copy(
                rows[(cpw - 2) % 4], acc_sh.at[pl.ds(0, K)],
                ssem[(cpw - 2) % 4]).wait()
            pltpu.make_async_copy(
                rows[(cpw - 1) % 4], acc_sh.at[pl.ds(0, K)],
                ssem[(cpw - 1) % 4]).wait()
        else:
            def body(j, carry):
                pltpu.async_copy(
                    table_hbm.at[src_v.at[j]], rows[0], gsem[0]).wait()
                pltpu.sync_copy(rows[0], acc_sh.at[dst_v.at[j]], add=True)
                return carry

            lax.fori_loop(0, cpw, body, 0)
        plsc.subcore_barrier()

        @pl.when(s < NS - 1)
        def _():
            pltpu.sync_copy(acc_sh.at[pl.ds(s * ra, ra)],
                            out_hbm.at[pl.ds(c * n_nodes + s * ra, ra)])

        @pl.when(s == NS - 1)
        def _():
            pltpu.sync_copy(
                acc_sh.at[pl.ds((NS - 1) * ra, rb)],
                out_hbm.at[pl.ds(c * n_nodes + (NS - 1) * ra, rb)])

    return seg


def _deg_sc(n_nodes, n_chunks):
    cpw = n_chunks // NW
    ra = _round8(-(-n_nodes // NS))
    rb = n_nodes - ra * (NS - 1)
    acc_rows = n_nodes + 16
    mesh = plsc.VectorSubcoreMesh(
        core_axis_name="c", subcore_axis_name="s",
        num_cores=NC, num_subcores=NS)

    @functools.partial(
        pl.kernel,
        out_type=jax.ShapeDtypeStruct((NC * n_nodes, DEG_W), jnp.float32),
        mesh=mesh,
        compiler_params=pltpu.CompilerParams(use_tc_tiling_on_sc=False),
        scratch_types=[
            pltpu.VMEM((cpw, K), jnp.int32),
            pltpu.VMEM((K, DEG_W), jnp.float32),
            pltpu.VMEM_SHARED((acc_rows, DEG_W), jnp.float32),
        ],
    )
    def deg(dst_hbm, zeros_hbm, ones_hbm, out_hbm, dst_v, ones_v, acc_sh):
        c = lax.axis_index("c")
        s = lax.axis_index("s")
        w = s * NC + c
        pltpu.sync_copy(dst_hbm.at[pl.ds(w * cpw, cpw)], dst_v)
        pltpu.sync_copy(ones_hbm, ones_v)

        @pl.when(s < NS - 1)
        def _():
            pltpu.sync_copy(zeros_hbm.at[pl.ds(0, ra)],
                            acc_sh.at[pl.ds(s * ra, ra)])

        @pl.when(s == NS - 1)
        def _():
            pltpu.sync_copy(zeros_hbm.at[pl.ds(0, rb)],
                            acc_sh.at[pl.ds((NS - 1) * ra, rb)])

        @pl.when(s == 0)
        def _():
            pltpu.sync_copy(zeros_hbm.at[pl.ds(0, 16)],
                            acc_sh.at[pl.ds(n_nodes, 16)])

        plsc.subcore_barrier()

        def body(j, carry):
            pltpu.sync_copy(ones_v, acc_sh.at[dst_v.at[j]], add=True)
            return carry

        lax.fori_loop(0, cpw, body, 0)
        plsc.subcore_barrier()

        @pl.when(s < NS - 1)
        def _():
            pltpu.sync_copy(acc_sh.at[pl.ds(s * ra, ra)],
                            out_hbm.at[pl.ds(c * n_nodes + s * ra, ra)])

        @pl.when(s == NS - 1)
        def _():
            pltpu.sync_copy(
                acc_sh.at[pl.ds((NS - 1) * ra, rb)],
                out_hbm.at[pl.ds(c * n_nodes + (NS - 1) * ra, rb)])

    return deg


def _tc1(n, in_f, h):
    nblk = n // B

    def body(p0, p1, feat, w1, b1, x_ref, g0_ref, dinv_ref):
        deg = p0[:, 0:1] + p1[:, 0:1]
        dinv = lax.rsqrt(jnp.maximum(deg, 1.0))
        x = jnp.maximum(
            jnp.dot(feat[...], w1[...], preferred_element_type=jnp.float32)
            + b1[...], 0.0)
        x_ref[...] = x
        g0_ref[...] = x * dinv
        dinv_ref[...] = jnp.broadcast_to(dinv, (B, DEG_W))

    return pl.pallas_call(
        body,
        grid=(nblk,),
        in_specs=[
            pl.BlockSpec((B, DEG_W), lambda i: (i, 0)),
            pl.BlockSpec((B, DEG_W), lambda i, _n=nblk: (i + _n, 0)),
            pl.BlockSpec((B, in_f), lambda i: (i, 0)),
            pl.BlockSpec((in_f, h), lambda i: (0, 0)),
            pl.BlockSpec((1, h), lambda i: (0, 0)),
        ],
        out_specs=[
            pl.BlockSpec((B, h), lambda i: (i, 0)),
            pl.BlockSpec((B, h), lambda i: (i, 0)),
            pl.BlockSpec((B, DEG_W), lambda i: (i, 0)),
        ],
        out_shape=[
            jax.ShapeDtypeStruct((n, h), jnp.float32),
            jax.ShapeDtypeStruct((n, h), jnp.float32),
            jax.ShapeDtypeStruct((n, DEG_W), jnp.float32),
        ],
    )


def _tc_mid(n, d):
    nblk = n // B

    def body(p0, p1, f, dinv16, ad_ref, g_ref):
        dinv = dinv16[:, 0:1]
        ad = (p0[...] + p1[...]) * dinv
        ad_ref[...] = ad
        g_ref[...] = (f[...] - ad) * dinv

    return pl.pallas_call(
        body,
        grid=(nblk,),
        in_specs=[
            pl.BlockSpec((B, d), lambda i: (i, 0)),
            pl.BlockSpec((B, d), lambda i, _n=nblk: (i + _n, 0)),
            pl.BlockSpec((B, d), lambda i: (i, 0)),
            pl.BlockSpec((B, DEG_W), lambda i: (i, 0)),
        ],
        out_specs=[
            pl.BlockSpec((B, d), lambda i: (i, 0)),
            pl.BlockSpec((B, d), lambda i: (i, 0)),
        ],
        out_shape=[
            jax.ShapeDtypeStruct((n, d), jnp.float32),
            jax.ShapeDtypeStruct((n, d), jnp.float32),
        ],
    )


def _tc3(n, h, z, in_f):
    nblk = n // B
    assert in_f == 2 * h

    def body(p0, p1, x, a1d, dinv16, eps, vsum, v12, v2, b2, repw, repb,
             wf, bf, y_ref, gy_ref, kl_ref):
        i = pl.program_id(0)
        dinv = dinv16[:, 0:1]
        a2d = (p0[...] + p1[...]) * dinv
        dot = functools.partial(jnp.dot, preferred_element_type=jnp.float32)
        pos = (dot(x[...], vsum[...]) - dot(a1d[...], v12[...])
               - dot(a2d, v2[...]) + b2[...])
        mu = dot(pos, repw[...]) + repb[...]
        zz = mu + eps[...] * jnp.exp(mu * 0.5)
        y = jnp.maximum(dot(zz, wf[...]) + bf[...], 0.0)
        y_ref[...] = y
        gy_ref[...] = y * dinv

        @pl.when(i == 0)
        def _():
            kl_ref[...] = jnp.zeros((1, 1), jnp.float32)

        kl_ref[...] += jnp.sum(1.0 + mu - mu * mu - jnp.exp(mu)).reshape(1, 1)

    return pl.pallas_call(
        body,
        grid=(nblk,),
        in_specs=[
            pl.BlockSpec((B, h), lambda i: (i, 0)),
            pl.BlockSpec((B, h), lambda i, _n=nblk: (i + _n, 0)),
            pl.BlockSpec((B, h), lambda i: (i, 0)),
            pl.BlockSpec((B, h), lambda i: (i, 0)),
            pl.BlockSpec((B, DEG_W), lambda i: (i, 0)),
            pl.BlockSpec((B, z), lambda i: (i, 0)),
            pl.BlockSpec((h, h), lambda i: (0, 0)),
            pl.BlockSpec((h, h), lambda i: (0, 0)),
            pl.BlockSpec((h, h), lambda i: (0, 0)),
            pl.BlockSpec((1, h), lambda i: (0, 0)),
            pl.BlockSpec((h, z), lambda i: (0, 0)),
            pl.BlockSpec((1, z), lambda i: (0, 0)),
            pl.BlockSpec((z, in_f), lambda i: (0, 0)),
            pl.BlockSpec((1, in_f), lambda i: (0, 0)),
        ],
        out_specs=[
            pl.BlockSpec((B, in_f), lambda i: (i, 0)),
            pl.BlockSpec((B, in_f), lambda i: (i, 0)),
            pl.BlockSpec((1, 1), lambda i: (0, 0)),
        ],
        out_shape=[
            jax.ShapeDtypeStruct((n, in_f), jnp.float32),
            jax.ShapeDtypeStruct((n, in_f), jnp.float32),
            jax.ShapeDtypeStruct((1, 1), jnp.float32),
        ],
    )


def _tc5(n, in_f):
    nblk = n // B

    def body(p0, p1, y, b1d, dinv16, feat, usum, u12, u2, db2, kl, out_ref):
        i = pl.program_id(0)
        dinv = dinv16[:, 0:1]
        b2d = (p0[...] + p1[...]) * dinv
        dot = functools.partial(jnp.dot, preferred_element_type=jnp.float32)
        xr = (dot(y[...], usum[...]) - dot(b1d[...], u12[...])
              - dot(b2d, u2[...]) + db2[...])
        d = xr - feat[...]

        @pl.when(i == 0)
        def _():
            out_ref[...] = -0.5 * kl[...]

        out_ref[...] += jnp.sum(d * d).reshape(1, 1)

    return pl.pallas_call(
        body,
        grid=(nblk,),
        in_specs=[
            pl.BlockSpec((B, in_f), lambda i: (i, 0)),
            pl.BlockSpec((B, in_f), lambda i, _n=nblk: (i + _n, 0)),
            pl.BlockSpec((B, in_f), lambda i: (i, 0)),
            pl.BlockSpec((B, in_f), lambda i: (i, 0)),
            pl.BlockSpec((B, DEG_W), lambda i: (i, 0)),
            pl.BlockSpec((B, in_f), lambda i: (i, 0)),
            pl.BlockSpec((in_f, in_f), lambda i: (0, 0)),
            pl.BlockSpec((in_f, in_f), lambda i: (0, 0)),
            pl.BlockSpec((in_f, in_f), lambda i: (0, 0)),
            pl.BlockSpec((1, in_f), lambda i: (0, 0)),
            pl.BlockSpec((1, 1), lambda i: (0, 0)),
        ],
        out_specs=pl.BlockSpec((1, 1), lambda i: (0, 0)),
        out_shape=jax.ShapeDtypeStruct((1, 1), jnp.float32),
    )


def _fold_theta(w2, d):
    w2r = w2.reshape(3, d, w2.shape[1])

    def mix(coefs):
        return (coefs[0] * w2r[0] + coefs[1] * w2r[1] + coefs[2] * w2r[2])

    vs = [mix([THETA[i][k] for i in range(3)]) for k in range(3)]
    return vs[0] + vs[1] + vs[2], vs[1] + vs[2], vs[2]


def kernel(features, edge_index, enc_W1, enc_b1, enc_W2, enc_b2, rep_W,
           rep_b, rec_W, rec_b, dec_W1, dec_b1, dec_W2, dec_b2, disc_W):
    n, in_f = features.shape
    h = enc_W1.shape[1]
    z = rep_W.shape[1]
    e = edge_index.shape[1]

    n_chunks = -(-e // K)
    n_chunks = ((n_chunks + NW * 8 - 1) // (NW * 8)) * (NW * 8)
    pad = n_chunks * K - e
    src = jnp.concatenate(
        [edge_index[0].astype(jnp.int32), jnp.zeros((pad,), jnp.int32)]
    ).reshape(n_chunks, K)
    dst = jnp.concatenate(
        [edge_index[1].astype(jnp.int32), jnp.full((pad,), n, jnp.int32)]
    ).reshape(n_chunks, K)

    ra = _round8(-(-n // NS))
    zeros_h = jnp.zeros((ra, h), jnp.float32)
    zeros_f = jnp.zeros((ra, in_f), jnp.float32)
    zeros_d = jnp.zeros((ra, DEG_W), jnp.float32)
    ones_d = jnp.ones((K, DEG_W), jnp.float32)

    vsum, v12, v2 = _fold_theta(enc_W2, h)
    usum, u12, u2 = _fold_theta(dec_W2, in_f)
    wf = rec_W @ dec_W1
    bf = (rec_b @ dec_W1 + dec_b1).reshape(1, in_f)
    b1r = enc_b1.reshape(1, h)
    b2r = enc_b2.reshape(1, h)
    db2r = dec_b2.reshape(1, in_f)
    repbr = rep_b.reshape(1, z)

    keps = jax.random.split(jax.random.key(42))[1]
    eps = jax.random.normal(keps, (n, z), dtype=jnp.float32)

    seg_h = _seg_sum_sc(n, n_chunks, h, ring=False)
    seg_f = _seg_sum_sc(n, n_chunks, in_f, ring=False)

    deg_p = _deg_sc(n, n_chunks)(dst, zeros_d, ones_d)
    x, g0, dinv16 = _tc1(n, in_f, h)(deg_p, deg_p, features, enc_W1, b1r)
    a1_p = seg_h(g0, src, dst, zeros_h)
    a1d, g1 = _tc_mid(n, h)(a1_p, a1_p, x, dinv16)
    a2_p = seg_h(g1, src, dst, zeros_h)
    y, gy0, kl = _tc3(n, h, z, in_f)(
        a2_p, a2_p, x, a1d, dinv16, eps, vsum, v12, v2, b2r, rep_W, repbr,
        wf, bf)
    b1_p = seg_f(gy0, src, dst, zeros_f)
    b1d, gy1 = _tc_mid(n, in_f)(b1_p, b1_p, y, dinv16)
    b2_p = seg_f(gy1, src, dst, zeros_f)
    out = _tc5(n, in_f)(b2_p, b2_p, y, b1d, dinv16, features, usum, u12,
                        u2, db2r, kl)
    return out[0, 0]

# --- scband reference (transcript-rebuilt; emitter-appended) ---
"""Pipeline reference for scband-lg-vgae-1245540516299 (READ-ONLY COPY).

The authoritative reference and input builder live on the scoring server;
editing this copy changes nothing except your own understanding.
"""

import jax, jax.numpy as jnp
import numpy as np

N = 10000
E = 320000
IN_FEATS = 128
H = 64
Z = 32
B_COEF = 0.2
# calculate_theta2(d=2) evaluated analytically (Bernstein basis / Beta normalization)
THETAS = [[3.0, -3.0, 0.75], [0.0, 3.0, -1.5], [0.0, 0.0, 0.75]]


def _poly(feat, theta, src, dst, dinv):
    # PolyConv with lin=False: h = sum_k theta[k] * L^k feat, L = I - D^-1/2 A D^-1/2
    h = theta[0] * feat
    f = feat
    for k in range(1, len(theta)):
        msg = (f * dinv)[src]
        agg = jax.ops.segment_sum(msg, dst, num_segments=N)
        f = f - agg * dinv
        h = h + theta[k] * f
    return h


def _block(x, W1, b1, W2, b2, src, dst, dinv):
    # shared Encoder/Decoder structure: linear1 -> relu -> [PolyConv x3] -> concat -> linear2
    x = jax.nn.relu(x @ W1 + b1)
    hs = [_poly(x, t, src, dst, dinv) for t in THETAS]
    return jnp.concatenate(hs, axis=-1) @ W2 + b2


def _bce_ones(x):
    return jnp.mean(jax.nn.softplus(-x))


def _bce_zeros(x):
    return jnp.mean(jax.nn.softplus(x))


def setup_inputs(seed: int = 0):
    key = jax.random.key(seed)
    ks = jax.random.split(key, 16)
    s = 0.05
    return {
        "features": jax.random.normal(ks[0], (N, IN_FEATS), dtype=jnp.float32),
        "edge_index": jax.random.randint(ks[1], (2, E), 0, N),
        "enc_W1": jax.random.normal(ks[2], (IN_FEATS, H), dtype=jnp.float32) * s,
        "enc_b1": jnp.zeros((H,), dtype=jnp.float32),
        "enc_W2": jax.random.normal(ks[3], (3 * H, H), dtype=jnp.float32) * s,
        "enc_b2": jnp.zeros((H,), dtype=jnp.float32),
        "rep_W": jax.random.normal(ks[4], (H, Z), dtype=jnp.float32) * s,
        "rep_b": jnp.zeros((Z,), dtype=jnp.float32),
        "rec_W": jax.random.normal(ks[5], (Z, H), dtype=jnp.float32) * s,
        "rec_b": jnp.zeros((H,), dtype=jnp.float32),
        "dec_W1": jax.random.normal(ks[6], (H, IN_FEATS), dtype=jnp.float32) * s,
        "dec_b1": jnp.zeros((IN_FEATS,), dtype=jnp.float32),
        "dec_W2": jax.random.normal(ks[7], (3 * IN_FEATS, IN_FEATS), dtype=jnp.float32) * s,
        "dec_b2": jnp.zeros((IN_FEATS,), dtype=jnp.float32),
        "disc_W": jax.random.normal(ks[8], (H, H), dtype=jnp.float32) * s,
    }


def reference(features, edge_index, enc_W1, enc_b1, enc_W2, enc_b2, rep_W, rep_b, rec_W, rec_b, dec_W1, dec_b1, dec_W2, dec_b2, disc_W):
    src = edge_index[0]
    dst = edge_index[1]
    deg = jnp.bincount(dst, length=N).astype(jnp.float32)
    dinv = jnp.power(jnp.clip(deg, 1.0, None), -0.5)[:, None]
    rkey = jax.random.key(42)
    kperm, keps = jax.random.split(rkey)
    # Encoder (positive / negative=corrupted)
    positive = _block(features, enc_W1, enc_b1, enc_W2, enc_b2, src, dst, dinv)
    perm = jax.random.permutation(kperm, N)
    negative = _block(features[perm], enc_W1, enc_b1, enc_W2, enc_b2, src, dst, dinv)
    # DGI discriminator
    summary = jax.nn.sigmoid(jnp.mean(positive, axis=0))
    pos_dis = positive @ (disc_W @ summary)
    neg_dis = negative @ (disc_W @ summary)
    dgi_loss = _bce_ones(pos_dis) + _bce_zeros(neg_dis)
    # VGAE branch (mu and log_var share the same linear in the original code)
    mu = positive @ rep_W + rep_b
    log_var = mu
    eps = jax.random.normal(keps, mu.shape, dtype=jnp.float32)
    z = mu + eps * jnp.exp(log_var / 2.0)
    x_rec = _block(z @ rec_W + rec_b, dec_W1, dec_b1, dec_W2, dec_b2, src, dst, dinv)
    reconst_loss = jnp.sum((x_rec - features) ** 2)
    kl_div = -0.5 * jnp.sum(1.0 + log_var - mu ** 2 - jnp.exp(log_var))
    vgae_loss = reconst_loss + kl_div
    joint = B_COEF * dgi_loss / jax.lax.stop_gradient(dgi_loss / vgae_loss) + (1.0 - B_COEF) * vgae_loss
    return joint

if __name__ == "__main__":
    import jax
    _d = setup_inputs()
    print(jax.jit(kernel)(*tuple(_d.values())))

</pallas_src>

<mosaic_0001>
#map = affine_map<(d0, d1) -> (0, 0)>
module attributes {stable_mosaic.version = 14 : i64} {
  func.func @seg(%arg0: i32, %arg1: i32, %arg2: memref<10000x128xf32, #tpu.memory_space<hbm>>, %arg3: memref<2560x128xi32, #tpu.memory_space<hbm>>, %arg4: memref<2560x128xi32, #tpu.memory_space<hbm>>, %arg5: memref<632x128xf32, #tpu.memory_space<hbm>>, %arg6: memref<20000x128xf32, #tpu.memory_space<hbm>>, %arg7: memref<80x128xi32, #tpu.memory_space<vmem>>, %arg8: memref<80x128xi32, #tpu.memory_space<vmem>>, %arg9: memref<128x128xf32, #tpu.memory_space<vmem>>, %arg10: memref<!tpu.dma_semaphore, #tpu.memory_space<semaphore_mem>>, %arg11: memref<!tpu.dma_semaphore, #tpu.memory_space<semaphore_mem>>, %arg12: memref<10016x128xf32, #tpu.memory_space<vmem_shared>>) attributes {dimension_semantics = [#tpu.dimension_semantics<core_parallel>, #tpu.dimension_semantics<subcore_parallel>], iteration_bounds = array<i64: 2, 16>, scalar_prefetch = 0 : i64, scratch_operands = 6 : i64, tpu.core_type = #tpu.core_type<sc_vector_subcore>, window_params = [{transform_indices = #map}, {transform_indices = #map}, {transform_indices = #map}, {transform_indices = #map}, {transform_indices = #map}]} {
    %mul3A = arith.constant 2 : i32
    %mul3A_0 = arith.muli %arg1, %mul3A : i32
    %add3A = arith.addi %mul3A_0, %arg0 : i32
    %mul3A_1 = arith.constant 80 : i32
    %mul3A_2 = arith.muli %add3A, %mul3A_1 : i32
    "tpu.region"() ({
      %run_scoped3A = tpu.sem_alloc : memref<!tpu.dma_semaphore, #tpu.memory_space<semaphore_mem>>
      %dma_start3A = arith.constant 0 : i32
      %dma_start3A_32 = tpu.memref_slice %arg3[%mul3A_2, %dma_start3A] : memref<2560x128xi32, #tpu.memory_space<hbm>> -> memref<80x128xi32, #tpu.memory_space<hbm>>
      %dma_start3A_33 = arith.constant 0 : i32
      %dma_start3A_34 = tpu.memref_slice %arg3[%mul3A_2, %dma_start3A_33] : memref<2560x128xi32, #tpu.memory_space<hbm>> -> memref<80x128xi32, #tpu.memory_space<hbm>>
      tpu.enqueue_dma source(%dma_start3A_34 : memref<80x128xi32, #tpu.memory_space<hbm>>) target(%arg7 : memref<80x128xi32, #tpu.memory_space<vmem>>) target_semaphore(%run_scoped3A : memref<!tpu.dma_semaphore, #tpu.memory_space<semaphore_mem>>)
      %dma_wait3A = arith.constant 0 : i32
      %dma_wait3A_35 = tpu.memref_slice %arg3[%mul3A_2, %dma_wait3A] : memref<2560x128xi32, #tpu.memory_space<hbm>> -> memref<80x128xi32, #tpu.memory_space<hbm>>
      %dma_wait3A_36 = arith.constant 0 : i32
      %dma_wait3A_37 = tpu.memref_slice %arg3[%mul3A_2, %dma_wait3A_36] : memref<2560x128xi32, #tpu.memory_space<hbm>> -> memref<80x128xi32, #tpu.memory_space<hbm>>
      tpu.wait_dma2 semaphore(%run_scoped3A : memref<!tpu.dma_semaphore, #tpu.memory_space<semaphore_mem>>) src(%dma_wait3A_37 : memref<80x128xi32, #tpu.memory_space<hbm>>) dst(%arg7 : memref<80x128xi32, #tpu.memory_space<vmem>>)
      tpu.yield
    }) : () -> ()
    %mul3A_3 = arith.constant 80 : i32
    %mul3A_4 = arith.muli %add3A, %mul3A_3 : i32
    "tpu.region"() ({
      %run_scoped3A = tpu.sem_alloc : memref<!tpu.dma_semaphore, #tpu.memory_space<semaphore_mem>>
      %dma_start3A = arith.constant 0 : i32
      %dma_start3A_32 = tpu.memref_slice %arg4[%mul3A_4, %dma_start3A] : memref<2560x128xi32, #tpu.memory_space<hbm>> -> memref<80x128xi32, #tpu.memory_space<hbm>>
      %dma_start3A_33 = arith.constant 0 : i32
      %dma_start3A_34 = tpu.memref_slice %arg4[%mul3A_4, %dma_start3A_33] : memref<2560x128xi32, #tpu.memory_space<hbm>> -> memref<80x128xi32, #tpu.memory_space<hbm>>
      tpu.enqueue_dma source(%dma_start3A_34 : memref<80x128xi32, #tpu.memory_space<hbm>>) target(%arg8 : memref<80x128xi32, #tpu.memory_space<vmem>>) target_semaphore(%run_scoped3A : memref<!tpu.dma_semaphore, #tpu.memory_space<semaphore_mem>>)
      %dma_wait3A = arith.constant 0 : i32
      %dma_wait3A_35 = tpu.memref_slice %arg4[%mul3A_4, %dma_wait3A] : memref<2560x128xi32, #tpu.memory_space<hbm>> -> memref<80x128xi32, #tpu.memory_space<hbm>>
      %dma_wait3A_36 = arith.constant 0 : i32
      %dma_wait3A_37 = tpu.memref_slice %arg4[%mul3A_4, %dma_wait3A_36] : memref<2560x128xi32, #tpu.memory_space<hbm>> -> memref<80x128xi32, #tpu.memory_space<hbm>>
      tpu.wait_dma2 semaphore(%run_scoped3A : memref<!tpu.dma_semaphore, #tpu.memory_space<semaphore_mem>>) src(%dma_wait3A_37 : memref<80x128xi32, #tpu.memory_space<hbm>>) dst(%arg8 : memref<80x128xi32, #tpu.memory_space<vmem>>)
      tpu.yield
    }) : () -> ()
    %lt3A = arith.constant 15 : i32
    %lt3A_5 = arith.cmpi slt, %arg1, %lt3A : i32
    %convert_element_type3A = arith.extui %lt3A_5 : i1 to i32
    %cond3A = arith.constant 0 : i32
    %cond3A_6 = arith.cmpi ne, %convert_element_type3A, %cond3A : i32
    scf.if %cond3A_6 {
      %mul3A_32 = arith.constant 632 : i32
      %mul3A_33 = arith.muli %arg1, %mul3A_32 : i32
      "tpu.region"() ({
        %run_scoped3A = tpu.sem_alloc : memref<!tpu.dma_semaphore, #tpu.memory_space<semaphore_mem>>
        %dma_start3A = arith.constant 0 : i32
        %dma_start3A_34 = tpu.memref_slice %arg12[%mul3A_33, %dma_start3A] : memref<10016x128xf32, #tpu.memory_space<vmem_shared>> -> memref<632x128xf32, #tpu.memory_space<vmem_shared>>
        %dma_start3A_35 = arith.constant 0 : i32
        %dma_start3A_36 = arith.constant 0 : i32
        %dma_start3A_37 = tpu.memref_slice %arg5[%dma_start3A_35, %dma_start3A_36] : memref<632x128xf32, #tpu.memory_space<hbm>> -> memref<632x128xf32, #tpu.memory_space<hbm>>
        tpu.enqueue_dma source(%dma_start3A_37 : memref<632x128xf32, #tpu.memory_space<hbm>>) target(%dma_start3A_34 : memref<632x128xf32, #tpu.memory_space<vmem_shared>>) target_semaphore(%run_scoped3A : memref<!tpu.dma_semaphore, #tpu.memory_space<semaphore_mem>>)
        %dma_wait3A = arith.constant 0 : i32
        %dma_wait3A_38 = tpu.memref_slice %arg12[%mul3A_33, %dma_wait3A] : memref<10016x128xf32, #tpu.memory_space<vmem_shared>> -> memref<632x128xf32, #tpu.memory_space<vmem_shared>>
        %dma_wait3A_39 = arith.constant 0 : i32
        %dma_wait3A_40 = arith.constant 0 : i32
        %dma_wait3A_41 = tpu.memref_slice %arg5[%dma_wait3A_39, %dma_wait3A_40] : memref<632x128xf32, #tpu.memory_space<hbm>> -> memref<632x128xf32, #tpu.memory_space<hbm>>
        tpu.wait_dma2 semaphore(%run_scoped3A : memref<!tpu.dma_semaphore, #tpu.memory_space<semaphore_mem>>) src(%dma_wait3A_41 : memref<632x128xf32, #tpu.memory_space<hbm>>) dst(%dma_wait3A_38 : memref<632x128xf32, #tpu.memory_space<vmem_shared>>)
        tpu.yield
      }) : () -> ()
    } else {
    }
    %eq3A = arith.constant 15 : i32
    %eq3A_7 = arith.cmpi eq, %arg1, %eq3A : i32
    %convert_element_type3A_8 = arith.extui %eq3A_7 : i1 to i32
    %cond3A_9 = arith.constant 0 : i32
    %cond3A_10 = arith.cmpi ne, %convert_element_type3A_8, %cond3A_9 : i32
    scf.if %cond3A_10 {
      "tpu.region"() ({
        %run_scoped3A = tpu.sem_alloc : memref<!tpu.dma_semaphore, #tpu.memory_space<semaphore_mem>>
        %dma_start3A = arith.constant 9480 : i32
        %dma_start3A_32 = arith.constant 0 : i32
        %dma_start3A_33 = tpu.memref_slice %arg12[%dma_start3A, %dma_start3A_32] : memref<10016x128xf32, #tpu.memory_space<vmem_shared>> -> memref<520x128xf32, #tpu.memory_space<vmem_shared>>
        %dma_start3A_34 = arith.constant 0 : i32
        %dma_start3A_35 = arith.constant 0 : i32
        %dma_start3A_36 = tpu.memref_slice %arg5[%dma_start3A_34, %dma_start3A_35] : memref<632x128xf32, #tpu.memory_space<hbm>> -> memref<520x128xf32, #tpu.memory_space<hbm>>
        tpu.enqueue_dma source(%dma_start3A_36 : memref<520x128xf32, #tpu.memory_space<hbm>>) target(%dma_start3A_33 : memref<520x128xf32, #tpu.memory_space<vmem_shared>>) target_semaphore(%run_scoped3A : memref<!tpu.dma_semaphore, #tpu.memory_space<semaphore_mem>>)
        %dma_wait3A = arith.constant 9480 : i32
        %dma_wait3A_37 = arith.constant 0 : i32
        %dma_wait3A_38 = tpu.memref_slice %arg12[%dma_wait3A, %dma_wait3A_37] : memref<10016x128xf32, #tpu.memory_space<vmem_shared>> -> memref<520x128xf32, #tpu.memory_space<vmem_shared>>
        %dma_wait3A_39 = arith.constant 0 : i32
        %dma_wait3A_40 = arith.constant 0 : i32
        %dma_wait3A_41 = tpu.memref_slice %arg5[%dma_wait3A_39, %dma_wait3A_40] : memref<632x128xf32, #tpu.memory_space<hbm>> -> memref<520x128xf32, #tpu.memory_space<hbm>>
        tpu.wait_dma2 semaphore(%run_scoped3A : memref<!tpu.dma_semaphore, #tpu.memory_space<semaphore_mem>>) src(%dma_wait3A_41 : memref<520x128xf32, #tpu.memory_space<hbm>>) dst(%dma_wait3A_38 : memref<520x128xf32, #tpu.memory_space<vmem_shared>>)
        tpu.yield
      }) : () -> ()
    } else {
    }
    %eq3A_11 = arith.constant 0 : i32
    %eq3A_12 = arith.cmpi eq, %arg1, %eq3A_11 : i32
    %convert_element_type3A_13 = arith.extui %eq3A_12 : i1 to i32
    %cond3A_14 = arith.constant 0 : i32
    %cond3A_15 = arith.cmpi ne, %convert_element_type3A_13, %cond3A_14 : i32
    scf.if %cond3A_15 {
      "tpu.region"() ({
        %run_scoped3A = tpu.sem_alloc : memref<!tpu.dma_semaphore, #tpu.memory_space<semaphore_mem>>
        %dma_start3A = arith.constant 10000 : i32
        %dma_start3A_32 = arith.constant 0 : i32
        %dma_start3A_33 = tpu.memref_slice %arg12[%dma_start3A, %dma_start3A_32] : memref<10016x128xf32, #tpu.memory_space<vmem_shared>> -> memref<16x128xf32, #tpu.memory_space<vmem_shared>>
        %dma_start3A_34 = arith.constant 0 : i32
        %dma_start3A_35 = arith.constant 0 : i32
        %dma_start3A_36 = tpu.memref_slice %arg5[%dma_start3A_34, %dma_start3A_35] : memref<632x128xf32, #tpu.memory_space<hbm>> -> memref<16x128xf32, #tpu.memory_space<hbm>>
        tpu.enqueue_dma source(%dma_start3A_36 : memref<16x128xf32, #tpu.memory_space<hbm>>) target(%dma_start3A_33 : memref<16x128xf32, #tpu.memory_space<vmem_shared>>) target_semaphore(%run_scoped3A : memref<!tpu.dma_semaphore, #tpu.memory_space<semaphore_mem>>)
        %dma_wait3A = arith.constant 10000 : i32
        %dma_wait3A_37 = arith.constant 0 : i32
        %dma_wait3A_38 = tpu.memref_slice %arg12[%dma_wait3A, %dma_wait3A_37] : memref<10016x128xf32, #tpu.memory_space<vmem_shared>> -> memref<16x128xf32, #tpu.memory_space<vmem_shared>>
        %dma_wait3A_39 = arith.constant 0 : i32
        %dma_wait3A_40 = arith.constant 0 : i32
        %dma_wait3A_41 = tpu.memref_slice %arg5[%dma_wait3A_39, %dma_wait3A_40] : memref<632x128xf32, #tpu.memory_space<hbm>> -> memref<16x128xf32, #tpu.memory_space<hbm>>
        tpu.wait_dma2 semaphore(%run_scoped3A : memref<!tpu.dma_semaphore, #tpu.memory_space<semaphore_mem>>) src(%dma_wait3A_41 : memref<16x128xf32, #tpu.memory_space<hbm>>) dst(%dma_wait3A_38 : memref<16x128xf32, #tpu.memory_space<vmem_shared>>)
        tpu.yield
      }) : () -> ()
    } else {
    }
    %barrier3A = arith.constant 0 : index
    tpu.barrier barrier_id(%barrier3A)
    %scan3A = arith.constant 0 : i32
    %scan3A_16 = arith.constant 0 : i32
    %scan3A_17 = arith.constant 80 : i32
    %scan3A_18 = arith.addi %scan3A_16, %scan3A_17 : i32
    %scan3A_19 = arith.constant 1 : i32
    scf.for %scan3A_32 = %scan3A_16 to %scan3A_18 step %scan3A_19  : i32 {
      %dma_start3A = arith.constant 0 : i32
      %dma_start3A_33 = tpu.memref_slice %arg7[%scan3A_32, %dma_start3A] : memref<80x128xi32, #tpu.memory_space<vmem>> -> memref<1x128xi32, #tpu.memory_space<vmem>>
      %dma_start3A_34 = tpu.memref_squeeze %dma_start3A_33 : memref<1x128xi32, #tpu.memory_space<vmem>> -> memref<128xi32, #tpu.memory_space<vmem>>
      %dma_start3A_35 = arith.constant 0 : i32
      %dma_start3A_36 = arith.constant 0 : i32
      %dma_start3A_37 = tpu.memref_slice %arg2[%dma_start3A_35, %dma_start3A_36] : memref<10000x128xf32, #tpu.memory_space<hbm>> -> memref<10000x128xf32, #tpu.memory_space<hbm>>
      tpu.enqueue_indirect_dma source(%dma_start3A_37 : memref<10000x128xf32, #tpu.memory_space<hbm>>) target(%arg9 : memref<128x128xf32, #tpu.memory_space<vmem>>) offsets(%dma_start3A_34 : memref<128xi32, #tpu.memory_space<vmem>>) semaphore(%arg10 : memref<!tpu.dma_semaphore, #tpu.memory_space<semaphore_mem>>)
      %dma_wait3A = arith.constant 0 : i32
      %dma_wait3A_38 = tpu.memref_slice %arg7[%scan3A_32, %dma_wait3A] : memref<80x128xi32, #tpu.memory_space<vmem>> -> memref<1x128xi32, #tpu.memory_space<vmem>>
      %dma_wait3A_39 = tpu.memref_squeeze %dma_wait3A_38 : memref<1x128xi32, #tpu.memory_space<vmem>> -> memref<128xi32, #tpu.memory_space<vmem>>
      %dma_wait3A_40 = arith.constant 0 : i32
      %dma_wait3A_41 = arith.constant 0 : i32
      %dma_wait3A_42 = tpu.memref_slice %arg2[%dma_wait3A_40, %dma_wait3A_41] : memref<10000x128xf32, #tpu.memory_space<hbm>> -> memref<10000x128xf32, #tpu.memory_space<hbm>>
      tpu.wait_indirect_dma semaphore(%arg10 : memref<!tpu.dma_semaphore, #tpu.memory_space<semaphore_mem>>) src(%dma_wait3A_42 : memref<10000x128xf32, #tpu.memory_space<hbm>>) dst(%arg9 : memref<128x128xf32, #tpu.memory_space<vmem>>)
      "tpu.region"() ({
        %run_scoped3A = tpu.sem_alloc : memref<!tpu.dma_semaphore, #tpu.memory_space<semaphore_mem>>
        %dma_start3A_43 = arith.constant 0 : i32
        %dma_start3A_44 = tpu.memref_slice %arg8[%scan3A_32, %dma_start3A_43] : memref<80x128xi32, #tpu.memory_space<vmem>> -> memref<1x128xi32, #tpu.memory_space<vmem>>
        %dma_start3A_45 = tpu.memref_squeeze %dma_start3A_44 : memref<1x128xi32, #tpu.memory_space<vmem>> -> memref<128xi32, #tpu.memory_space<vmem>>
        %dma_start3A_46 = arith.constant 0 : i32
        %dma_start3A_47 = arith.constant 0 : i32
        %dma_start3A_48 = tpu.memref_slice %arg12[%dma_start3A_46, %dma_start3A_47] : memref<10016x128xf32, #tpu.memory_space<vmem_shared>> -> memref<10016x128xf32, #tpu.memory_space<vmem_shared>>
        tpu.enqueue_indirect_dma source(%arg9 : memref<128x128xf32, #tpu.memory_space<vmem>>) target(%dma_start3A_48 : memref<10016x128xf32, #tpu.memory_space<vmem_shared>>) offsets(%dma_start3A_45 : memref<128xi32, #tpu.memory_space<vmem>>) semaphore(%run_scoped3A : memref<!tpu.dma_semaphore, #tpu.memory_space<semaphore_mem>>) {add = true}
        %dma_wait3A_49 = arith.constant 0 : i32
        %dma_wait3A_50 = tpu.memref_slice %arg8[%scan3A_32, %dma_wait3A_49] : memref<80x128xi32, #tpu.memory_space<vmem>> -> memref<1x128xi32, #tpu.memory_space<vmem>>
        %dma_wait3A_51 = tpu.memref_squeeze %dma_wait3A_50 : memref<1x128xi32, #tpu.memory_space<vmem>> -> memref<128xi32, #tpu.memory_space<vmem>>
        %dma_wait3A_52 = arith.constant 0 : i32
        %dma_wait3A_53 = arith.constant 0 : i32
        %dma_wait3A_54 = tpu.memref_slice %arg12[%dma_wait3A_52, %dma_wait3A_53] : memref<10016x128xf32, #tpu.memory_space<vmem_shared>> -> memref<10016x128xf32, #tpu.memory_space<vmem_shared>>
        tpu.wait_indirect_dma semaphore(%run_scoped3A : memref<!tpu.dma_semaphore, #tpu.memory_space<semaphore_mem>>) src(%arg9 : memref<128x128xf32, #tpu.memory_space<vmem>>) dst(%dma_wait3A_54 : memref<10016x128xf32, #tpu.memory_space<vmem_shared>>)
        tpu.yield
      }) : () -> ()
    }
    %scan3A_20 = arith.constant 80 : i32
    %barrier3A_21 = arith.constant 0 : index
    tpu.barrier barrier_id(%barrier3A_21)
    %lt3A_22 = arith.constant 15 : i32
    %lt3A_23 = arith.cmpi slt, %arg1, %lt3A_22 : i32
    %convert_element_type3A_24 = arith.extui %lt3A_23 : i1 to i32
    %cond3A_25 = arith.constant 0 : i32
    %cond3A_26 = arith.cmpi ne, %convert_element_type3A_24, %cond3A_25 : i32
    scf.if %cond3A_26 {
      %mul3A_32 = arith.constant 632 : i32
      %mul3A_33 = arith.muli %arg1, %mul3A_32 : i32
      %mul3A_34 = arith.constant 10000 : i32
      %mul3A_35 = arith.muli %arg0, %mul3A_34 : i32
      %mul3A_36 = arith.constant 632 : i32
      %mul3A_37 = arith.muli %arg1, %mul3A_36 : i32
      %add3A_38 = arith.addi %mul3A_35, %mul3A_37 : i32
      "tpu.region"() ({
        %run_scoped3A = tpu.sem_alloc : memref<!tpu.dma_semaphore, #tpu.memory_space<semaphore_mem>>
        %dma_start3A = arith.constant 0 : i32
        %dma_start3A_39 = tpu.memref_slice %arg6[%add3A_38, %dma_start3A] : memref<20000x128xf32, #tpu.memory_space<hbm>> -> memref<632x128xf32, #tpu.memory_space<hbm>>
        %dma_start3A_40 = arith.constant 0 : i32
        %dma_start3A_41 = tpu.memref_slice %arg12[%mul3A_33, %dma_start3A_40] : memref<10016x128xf32, #tpu.memory_space<vmem_shared>> -> memref<632x128xf32, #tpu.memory_space<vmem_shared>>
        tpu.enqueue_dma source(%dma_start3A_41 : memref<632x128xf32, #tpu.memory_space<vmem_shared>>) target(%dma_start3A_39 : memref<632x128xf32, #tpu.memory_space<hbm>>) target_semaphore(%run_scoped3A : memref<!tpu.dma_semaphore, #tpu.memory_space<semaphore_mem>>)
        %dma_wait3A = arith.constant 0 : i32
        %dma_wait3A_42 = tpu.memref_slice %arg6[%add3A_38, %dma_wait3A] : memref<20000x128xf32, #tpu.memory_space<hbm>> -> memref<632x128xf32, #tpu.memory_space<hbm>>
        %dma_wait3A_43 = arith.constant 0 : i32
        %dma_wait3A_44 = tpu.memref_slice %arg12[%mul3A_33, %dma_wait3A_43] : memref<10016x128xf32, #tpu.memory_space<vmem_shared>> -> memref<632x128xf32, #tpu.memory_space<vmem_shared>>
        tpu.wait_dma2 semaphore(%run_scoped3A : memref<!tpu.dma_semaphore, #tpu.memory_space<semaphore_mem>>) src(%dma_wait3A_44 : memref<632x128xf32, #tpu.memory_space<vmem_shared>>) dst(%dma_wait3A_42 : memref<632x128xf32, #tpu.memory_space<hbm>>)
        tpu.yield
      }) : () -> ()
    } else {
    }
    %eq3A_27 = arith.constant 15 : i32
    %eq3A_28 = arith.cmpi eq, %arg1, %eq3A_27 : i32
    %convert_element_type3A_29 = arith.extui %eq3A_28 : i1 to i32
    %cond3A_30 = arith.constant 0 : i32
    %cond3A_31 = arith.cmpi ne, %convert_element_type3A_29, %cond3A_30 : i32
    scf.if %cond3A_31 {
      %mul3A_32 = arith.constant 10000 : i32
      %mul3A_33 = arith.muli %arg0, %mul3A_32 : i32
      %add3A_34 = arith.constant 9480 : i32
      %add3A_35 = arith.addi %mul3A_33, %add3A_34 : i32
      "tpu.region"() ({
        %run_scoped3A = tpu.sem_alloc : memref<!tpu.dma_semaphore, #tpu.memory_space<semaphore_mem>>
        %dma_start3A = arith.constant 0 : i32
        %dma_start3A_36 = tpu.memref_slice %arg6[%add3A_35, %dma_start3A] : memref<20000x128xf32, #tpu.memory_space<hbm>> -> memref<520x128xf32, #tpu.memory_space<hbm>>
        %dma_start3A_37 = arith.constant 9480 : i32
        %dma_start3A_38 = arith.constant 0 : i32
        %dma_start3A_39 = tpu.memref_slice %arg12[%dma_start3A_37, %dma_start3A_38] : memref<10016x128xf32, #tpu.memory_space<vmem_shared>> -> memref<520x128xf32, #tpu.memory_space<vmem_shared>>
        tpu.enqueue_dma source(%dma_start3A_39 : memref<520x128xf32, #tpu.memory_space<vmem_shared>>) target(%dma_start3A_36 : memref<520x128xf32, #tpu.memory_space<hbm>>) target_semaphore(%run_scoped3A : memref<!tpu.dma_semaphore, #tpu.memory_space<semaphore_mem>>)
        %dma_wait3A = arith.constant 0 : i32
        %dma_wait3A_40 = tpu.memref_slice %arg6[%add3A_35, %dma_wait3A] : memref<20000x128xf32, #tpu.memory_space<hbm>> -> memref<520x128xf32, #tpu.memory_space<hbm>>
        %dma_wait3A_41 = arith.constant 9480 : i32
        %dma_wait3A_42 = arith.constant 0 : i32
        %dma_wait3A_43 = tpu.memref_slice %arg12[%dma_wait3A_41, %dma_wait3A_42] : memref<10016x128xf32, #tpu.memory_space<vmem_shared>> -> memref<520x128xf32, #tpu.memory_space<vmem_shared>>
        tpu.wait_dma2 semaphore(%run_scoped3A : memref<!tpu.dma_semaphore, #tpu.memory_space<semaphore_mem>>) src(%dma_wait3A_43 : memref<520x128xf32, #tpu.memory_space<vmem_shared>>) dst(%dma_wait3A_40 : memref<520x128xf32, #tpu.memory_space<hbm>>)
        tpu.yield
      }) : () -> ()
    } else {
    }
    return
  }
}

#map = affine_map<(d0, d1) -> (0, 0)>
module attributes {stable_mosaic.version = 14 : i64} {
  func.func @seg(%arg0: i32, %arg1: i32, %arg2: memref<10000x64xf32, #tpu.memory_space<hbm>>, %arg3: memref<2560x128xi32, #tpu.memory_space<hbm>>, %arg4: memref<2560x128xi32, #tpu.memory_space<hbm>>, %arg5: memref<632x64xf32, #tpu.memory_space<hbm>>, %arg6: memref<20000x64xf32, #tpu.memory_space<hbm>>, %arg7: memref<80x128xi32, #tpu.memory_space<vmem>>, %arg8: memref<80x128xi32, #tpu.memory_space<vmem>>, %arg9: memref<128x64xf32, #tpu.memory_space<vmem>>, %arg10: memref<!tpu.dma_semaphore, #tpu.memory_space<semaphore_mem>>, %arg11: memref<!tpu.dma_semaphore, #tpu.memory_space<semaphore_mem>>, %arg12: memref<10016x64xf32, #tpu.memory_space<vmem_shared>>) attributes {dimension_semantics = [#tpu.dimension_semantics<core_parallel>, #tpu.dimension_semantics<subcore_parallel>], iteration_bounds = array<i64: 2, 16>, scalar_prefetch = 0 : i64, scratch_operands = 6 : i64, tpu.core_type = #tpu.core_type<sc_vector_subcore>, window_params = [{transform_indices = #map}, {transform_indices = #map}, {transform_indices = #map}, {transform_indices = #map}, {transform_indices = #map}]} {
    %mul3A = arith.constant 2 : i32
    %mul3A_0 = arith.muli %arg1, %mul3A : i32
    %add3A = arith.addi %mul3A_0, %arg0 : i32
    %mul3A_1 = arith.constant 80 : i32
    %mul3A_2 = arith.muli %add3A, %mul3A_1 : i32
    "tpu.region"() ({
      %run_scoped3A = tpu.sem_alloc : memref<!tpu.dma_semaphore, #tpu.memory_space<semaphore_mem>>
      %dma_start3A = arith.constant 0 : i32
      %dma_start3A_32 = tpu.memref_slice %arg3[%mul3A_2, %dma_start3A] : memref<2560x128xi32, #tpu.memory_space<hbm>> -> memref<80x128xi32, #tpu.memory_space<hbm>>
      %dma_start3A_33 = arith.constant 0 : i32
      %dma_start3A_34 = tpu.memref_slice %arg3[%mul3A_2, %dma_start3A_33] : memref<2560x128xi32, #tpu.memory_space<hbm>> -> memref<80x128xi32, #tpu.memory_space<hbm>>
      tpu.enqueue_dma source(%dma_start3A_34 : memref<80x128xi32, #tpu.memory_space<hbm>>) target(%arg7 : memref<80x128xi32, #tpu.memory_space<vmem>>) target_semaphore(%run_scoped3A : memref<!tpu.dma_semaphore, #tpu.memory_space<semaphore_mem>>)
      %dma_wait3A = arith.constant 0 : i32
      %dma_wait3A_35 = tpu.memref_slice %arg3[%mul3A_2, %dma_wait3A] : memref<2560x128xi32, #tpu.memory_space<hbm>> -> memref<80x128xi32, #tpu.memory_space<hbm>>
      %dma_wait3A_36 = arith.constant 0 : i32
      %dma_wait3A_37 = tpu.memref_slice %arg3[%mul3A_2, %dma_wait3A_36] : memref<2560x128xi32, #tpu.memory_space<hbm>> -> memref<80x128xi32, #tpu.memory_space<hbm>>
      tpu.wait_dma2 semaphore(%run_scoped3A : memref<!tpu.dma_semaphore, #tpu.memory_space<semaphore_mem>>) src(%dma_wait3A_37 : memref<80x128xi32, #tpu.memory_space<hbm>>) dst(%arg7 : memref<80x128xi32, #tpu.memory_space<vmem>>)
      tpu.yield
    }) : () -> ()
    %mul3A_3 = arith.constant 80 : i32
    %mul3A_4 = arith.muli %add3A, %mul3A_3 : i32
    "tpu.region"() ({
      %run_scoped3A = tpu.sem_alloc : memref<!tpu.dma_semaphore, #tpu.memory_space<semaphore_mem>>
      %dma_start3A = arith.constant 0 : i32
      %dma_start3A_32 = tpu.memref_slice %arg4[%mul3A_4, %dma_start3A] : memref<2560x128xi32, #tpu.memory_space<hbm>> -> memref<80x128xi32, #tpu.memory_space<hbm>>
      %dma_start3A_33 = arith.constant 0 : i32
      %dma_start3A_34 = tpu.memref_slice %arg4[%mul3A_4, %dma_start3A_33] : memref<2560x128xi32, #tpu.memory_space<hbm>> -> memref<80x128xi32, #tpu.memory_space<hbm>>
      tpu.enqueue_dma source(%dma_start3A_34 : memref<80x128xi32, #tpu.memory_space<hbm>>) target(%arg8 : memref<80x128xi32, #tpu.memory_space<vmem>>) target_semaphore(%run_scoped3A : memref<!tpu.dma_semaphore, #tpu.memory_space<semaphore_mem>>)
      %dma_wait3A = arith.constant 0 : i32
      %dma_wait3A_35 = tpu.memref_slice %arg4[%mul3A_4, %dma_wait3A] : memref<2560x128xi32, #tpu.memory_space<hbm>> -> memref<80x128xi32, #tpu.memory_space<hbm>>
      %dma_wait3A_36 = arith.constant 0 : i32
      %dma_wait3A_37 = tpu.memref_slice %arg4[%mul3A_4, %dma_wait3A_36] : memref<2560x128xi32, #tpu.memory_space<hbm>> -> memref<80x128xi32, #tpu.memory_space<hbm>>
      tpu.wait_dma2 semaphore(%run_scoped3A : memref<!tpu.dma_semaphore, #tpu.memory_space<semaphore_mem>>) src(%dma_wait3A_37 : memref<80x128xi32, #tpu.memory_space<hbm>>) dst(%arg8 : memref<80x128xi32, #tpu.memory_space<vmem>>)
      tpu.yield
    }) : () -> ()
    %lt3A = arith.constant 15 : i32
    %lt3A_5 = arith.cmpi slt, %arg1, %lt3A : i32
    %convert_element_type3A = arith.extui %lt3A_5 : i1 to i32
    %cond3A = arith.constant 0 : i32
    %cond3A_6 = arith.cmpi ne, %convert_element_type3A, %cond3A : i32
    scf.if %cond3A_6 {
      %mul3A_32 = arith.constant 632 : i32
      %mul3A_33 = arith.muli %arg1, %mul3A_32 : i32
      "tpu.region"() ({
        %run_scoped3A = tpu.sem_alloc : memref<!tpu.dma_semaphore, #tpu.memory_space<semaphore_mem>>
        %dma_start3A = arith.constant 0 : i32
        %dma_start3A_34 = tpu.memref_slice %arg12[%mul3A_33, %dma_start3A] : memref<10016x64xf32, #tpu.memory_space<vmem_shared>> -> memref<632x64xf32, #tpu.memory_space<vmem_shared>>
        %dma_start3A_35 = arith.constant 0 : i32
        %dma_start3A_36 = arith.constant 0 : i32
        %dma_start3A_37 = tpu.memref_slice %arg5[%dma_start3A_35, %dma_start3A_36] : memref<632x64xf32, #tpu.memory_space<hbm>> -> memref<632x64xf32, #tpu.memory_space<hbm>>
        tpu.enqueue_dma source(%dma_start3A_37 : memref<632x64xf32, #tpu.memory_space<hbm>>) target(%dma_start3A_34 : memref<632x64xf32, #tpu.memory_space<vmem_shared>>) target_semaphore(%run_scoped3A : memref<!tpu.dma_semaphore, #tpu.memory_space<semaphore_mem>>)
        %dma_wait3A = arith.constant 0 : i32
        %dma_wait3A_38 = tpu.memref_slice %arg12[%mul3A_33, %dma_wait3A] : memref<10016x64xf32, #tpu.memory_space<vmem_shared>> -> memref<632x64xf32, #tpu.memory_space<vmem_shared>>
        %dma_wait3A_39 = arith.constant 0 : i32
        %dma_wait3A_40 = arith.constant 0 : i32
        %dma_wait3A_41 = tpu.memref_slice %arg5[%dma_wait3A_39, %dma_wait3A_40] : memref<632x64xf32, #tpu.memory_space<hbm>> -> memref<632x64xf32, #tpu.memory_space<hbm>>
        tpu.wait_dma2 semaphore(%run_scoped3A : memref<!tpu.dma_semaphore, #tpu.memory_space<semaphore_mem>>) src(%dma_wait3A_41 : memref<632x64xf32, #tpu.memory_space<hbm>>) dst(%dma_wait3A_38 : memref<632x64xf32, #tpu.memory_space<vmem_shared>>)
        tpu.yield
      }) : () -> ()
    } else {
    }
    %eq3A = arith.constant 15 : i32
    %eq3A_7 = arith.cmpi eq, %arg1, %eq3A : i32
    %convert_element_type3A_8 = arith.extui %eq3A_7 : i1 to i32
    %cond3A_9 = arith.constant 0 : i32
    %cond3A_10 = arith.cmpi ne, %convert_element_type3A_8, %cond3A_9 : i32
    scf.if %cond3A_10 {
      "tpu.region"() ({
        %run_scoped3A = tpu.sem_alloc : memref<!tpu.dma_semaphore, #tpu.memory_space<semaphore_mem>>
        %dma_start3A = arith.constant 9480 : i32
        %dma_start3A_32 = arith.constant 0 : i32
        %dma_start3A_33 = tpu.memref_slice %arg12[%dma_start3A, %dma_start3A_32] : memref<10016x64xf32, #tpu.memory_space<vmem_shared>> -> memref<520x64xf32, #tpu.memory_space<vmem_shared>>
        %dma_start3A_34 = arith.constant 0 : i32
        %dma_start3A_35 = arith.constant 0 : i32
        %dma_start3A_36 = tpu.memref_slice %arg5[%dma_start3A_34, %dma_start3A_35] : memref<632x64xf32, #tpu.memory_space<hbm>> -> memref<520x64xf32, #tpu.memory_space<hbm>>
        tpu.enqueue_dma source(%dma_start3A_36 : memref<520x64xf32, #tpu.memory_space<hbm>>) target(%dma_start3A_33 : memref<520x64xf32, #tpu.memory_space<vmem_shared>>) target_semaphore(%run_scoped3A : memref<!tpu.dma_semaphore, #tpu.memory_space<semaphore_mem>>)
        %dma_wait3A = arith.constant 9480 : i32
        %dma_wait3A_37 = arith.constant 0 : i32
        %dma_wait3A_38 = tpu.memref_slice %arg12[%dma_wait3A, %dma_wait3A_37] : memref<10016x64xf32, #tpu.memory_space<vmem_shared>> -> memref<520x64xf32, #tpu.memory_space<vmem_shared>>
        %dma_wait3A_39 = arith.constant 0 : i32
        %dma_wait3A_40 = arith.constant 0 : i32
        %dma_wait3A_41 = tpu.memref_slice %arg5[%dma_wait3A_39, %dma_wait3A_40] : memref<632x64xf32, #tpu.memory_space<hbm>> -> memref<520x64xf32, #tpu.memory_space<hbm>>
        tpu.wait_dma2 semaphore(%run_scoped3A : memref<!tpu.dma_semaphore, #tpu.memory_space<semaphore_mem>>) src(%dma_wait3A_41 : memref<520x64xf32, #tpu.memory_space<hbm>>) dst(%dma_wait3A_38 : memref<520x64xf32, #tpu.memory_space<vmem_shared>>)
        tpu.yield
      }) : () -> ()
    } else {
    }
    %eq3A_11 = arith.constant 0 : i32
    %eq3A_12 = arith.cmpi eq, %arg1, %eq3A_11 : i32
    %convert_element_type3A_13 = arith.extui %eq3A_12 : i1 to i32
    %cond3A_14 = arith.constant 0 : i32
    %cond3A_15 = arith.cmpi ne, %convert_element_type3A_13, %cond3A_14 : i32
    scf.if %cond3A_15 {
      "tpu.region"() ({
        %run_scoped3A = tpu.sem_alloc : memref<!tpu.dma_semaphore, #tpu.memory_space<semaphore_mem>>
        %dma_start3A = arith.constant 10000 : i32
        %dma_start3A_32 = arith.constant 0 : i32
        %dma_start3A_33 = tpu.memref_slice %arg12[%dma_start3A, %dma_start3A_32] : memref<10016x64xf32, #tpu.memory_space<vmem_shared>> -> memref<16x64xf32, #tpu.memory_space<vmem_shared>>
        %dma_start3A_34 = arith.constant 0 : i32
        %dma_start3A_35 = arith.constant 0 : i32
        %dma_start3A_36 = tpu.memref_slice %arg5[%dma_start3A_34, %dma_start3A_35] : memref<632x64xf32, #tpu.memory_space<hbm>> -> memref<16x64xf32, #tpu.memory_space<hbm>>
        tpu.enqueue_dma source(%dma_start3A_36 : memref<16x64xf32, #tpu.memory_space<hbm>>) target(%dma_start3A_33 : memref<16x64xf32, #tpu.memory_space<vmem_shared>>) target_semaphore(%run_scoped3A : memref<!tpu.dma_semaphore, #tpu.memory_space<semaphore_mem>>)
        %dma_wait3A = arith.constant 10000 : i32
        %dma_wait3A_37 = arith.constant 0 : i32
        %dma_wait3A_38 = tpu.memref_slice %arg12[%dma_wait3A, %dma_wait3A_37] : memref<10016x64xf32, #tpu.memory_space<vmem_shared>> -> memref<16x64xf32, #tpu.memory_space<vmem_shared>>
        %dma_wait3A_39 = arith.constant 0 : i32
        %dma_wait3A_40 = arith.constant 0 : i32
        %dma_wait3A_41 = tpu.memref_slice %arg5[%dma_wait3A_39, %dma_wait3A_40] : memref<632x64xf32, #tpu.memory_space<hbm>> -> memref<16x64xf32, #tpu.memory_space<hbm>>
        tpu.wait_dma2 semaphore(%run_scoped3A : memref<!tpu.dma_semaphore, #tpu.memory_space<semaphore_mem>>) src(%dma_wait3A_41 : memref<16x64xf32, #tpu.memory_space<hbm>>) dst(%dma_wait3A_38 : memref<16x64xf32, #tpu.memory_space<vmem_shared>>)
        tpu.yield
      }) : () -> ()
    } else {
    }
    %barrier3A = arith.constant 0 : index
    tpu.barrier barrier_id(%barrier3A)
    %scan3A = arith.constant 0 : i32
    %scan3A_16 = arith.constant 0 : i32
    %scan3A_17 = arith.constant 80 : i32
    %scan3A_18 = arith.addi %scan3A_16, %scan3A_17 : i32
    %scan3A_19 = arith.constant 1 : i32
    scf.for %scan3A_32 = %scan3A_16 to %scan3A_18 step %scan3A_19  : i32 {
      %dma_start3A = arith.constant 0 : i32
      %dma_start3A_33 = tpu.memref_slice %arg7[%scan3A_32, %dma_start3A] : memref<80x128xi32, #tpu.memory_space<vmem>> -> memref<1x128xi32, #tpu.memory_space<vmem>>
      %dma_start3A_34 = tpu.memref_squeeze %dma_start3A_33 : memref<1x128xi32, #tpu.memory_space<vmem>> -> memref<128xi32, #tpu.memory_space<vmem>>
      %dma_start3A_35 = arith.constant 0 : i32
      %dma_start3A_36 = arith.constant 0 : i32
      %dma_start3A_37 = tpu.memref_slice %arg2[%dma_start3A_35, %dma_start3A_36] : memref<10000x64xf32, #tpu.memory_space<hbm>> -> memref<10000x64xf32, #tpu.memory_space<hbm>>
      tpu.enqueue_indirect_dma source(%dma_start3A_37 : memref<10000x64xf32, #tpu.memory_space<hbm>>) target(%arg9 : memref<128x64xf32, #tpu.memory_space<vmem>>) offsets(%dma_start3A_34 : memref<128xi32, #tpu.memory_space<vmem>>) semaphore(%arg10 : memref<!tpu.dma_semaphore, #tpu.memory_space<semaphore_mem>>)
      %dma_wait3A = arith.constant 0 : i32
      %dma_wait3A_38 = tpu.memref_slice %arg7[%scan3A_32, %dma_wait3A] : memref<80x128xi32, #tpu.memory_space<vmem>> -> memref<1x128xi32, #tpu.memory_space<vmem>>
      %dma_wait3A_39 = tpu.memref_squeeze %dma_wait3A_38 : memref<1x128xi32, #tpu.memory_space<vmem>> -> memref<128xi32, #tpu.memory_space<vmem>>
      %dma_wait3A_40 = arith.constant 0 : i32
      %dma_wait3A_41 = arith.constant 0 : i32
      %dma_wait3A_42 = tpu.memref_slice %arg2[%dma_wait3A_40, %dma_wait3A_41] : memref<10000x64xf32, #tpu.memory_space<hbm>> -> memref<10000x64xf32, #tpu.memory_space<hbm>>
      tpu.wait_indirect_dma semaphore(%arg10 : memref<!tpu.dma_semaphore, #tpu.memory_space<semaphore_mem>>) src(%dma_wait3A_42 : memref<10000x64xf32, #tpu.memory_space<hbm>>) dst(%arg9 : memref<128x64xf32, #tpu.memory_space<vmem>>)
      "tpu.region"() ({
        %run_scoped3A = tpu.sem_alloc : memref<!tpu.dma_semaphore, #tpu.memory_space<semaphore_mem>>
        %dma_start3A_43 = arith.constant 0 : i32
        %dma_start3A_44 = tpu.memref_slice %arg8[%scan3A_32, %dma_start3A_43] : memref<80x128xi32, #tpu.memory_space<vmem>> -> memref<1x128xi32, #tpu.memory_space<vmem>>
        %dma_start3A_45 = tpu.memref_squeeze %dma_start3A_44 : memref<1x128xi32, #tpu.memory_space<vmem>> -> memref<128xi32, #tpu.memory_space<vmem>>
        %dma_start3A_46 = arith.constant 0 : i32
        %dma_start3A_47 = arith.constant 0 : i32
        %dma_start3A_48 = tpu.memref_slice %arg12[%dma_start3A_46, %dma_start3A_47] : memref<10016x64xf32, #tpu.memory_space<vmem_shared>> -> memref<10016x64xf32, #tpu.memory_space<vmem_shared>>
        tpu.enqueue_indirect_dma source(%arg9 : memref<128x64xf32, #tpu.memory_space<vmem>>) target(%dma_start3A_48 : memref<10016x64xf32, #tpu.memory_space<vmem_shared>>) offsets(%dma_start3A_45 : memref<128xi32, #tpu.memory_space<vmem>>) semaphore(%run_scoped3A : memref<!tpu.dma_semaphore, #tpu.memory_space<semaphore_mem>>) {add = true}
        %dma_wait3A_49 = arith.constant 0 : i32
        %dma_wait3A_50 = tpu.memref_slice %arg8[%scan3A_32, %dma_wait3A_49] : memref<80x128xi32, #tpu.memory_space<vmem>> -> memref<1x128xi32, #tpu.memory_space<vmem>>
        %dma_wait3A_51 = tpu.memref_squeeze %dma_wait3A_50 : memref<1x128xi32, #tpu.memory_space<vmem>> -> memref<128xi32, #tpu.memory_space<vmem>>
        %dma_wait3A_52 = arith.constant 0 : i32
        %dma_wait3A_53 = arith.constant 0 : i32
        %dma_wait3A_54 = tpu.memref_slice %arg12[%dma_wait3A_52, %dma_wait3A_53] : memref<10016x64xf32, #tpu.memory_space<vmem_shared>> -> memref<10016x64xf32, #tpu.memory_space<vmem_shared>>
        tpu.wait_indirect_dma semaphore(%run_scoped3A : memref<!tpu.dma_semaphore, #tpu.memory_space<semaphore_mem>>) src(%arg9 : memref<128x64xf32, #tpu.memory_space<vmem>>) dst(%dma_wait3A_54 : memref<10016x64xf32, #tpu.memory_space<vmem_shared>>)
        tpu.yield
      }) : () -> ()
    }
    %scan3A_20 = arith.constant 80 : i32
    %barrier3A_21 = arith.constant 0 : index
    tpu.barrier barrier_id(%barrier3A_21)
    %lt3A_22 = arith.constant 15 : i32
    %lt3A_23 = arith.cmpi slt, %arg1, %lt3A_22 : i32
    %convert_element_type3A_24 = arith.extui %lt3A_23 : i1 to i32
    %cond3A_25 = arith.constant 0 : i32
    %cond3A_26 = arith.cmpi ne, %convert_element_type3A_24, %cond3A_25 : i32
    scf.if %cond3A_26 {
      %mul3A_32 = arith.constant 632 : i32
      %mul3A_33 = arith.muli %arg1, %mul3A_32 : i32
      %mul3A_34 = arith.constant 10000 : i32
      %mul3A_35 = arith.muli %arg0, %mul3A_34 : i32
      %mul3A_36 = arith.constant 632 : i32
      %mul3A_37 = arith.muli %arg1, %mul3A_36 : i32
      %add3A_38 = arith.addi %mul3A_35, %mul3A_37 : i32
      "tpu.region"() ({
        %run_scoped3A = tpu.sem_alloc : memref<!tpu.dma_semaphore, #tpu.memory_space<semaphore_mem>>
        %dma_start3A = arith.constant 0 : i32
        %dma_start3A_39 = tpu.memref_slice %arg6[%add3A_38, %dma_start3A] : memref<20000x64xf32, #tpu.memory_space<hbm>> -> memref<632x64xf32, #tpu.memory_space<hbm>>
        %dma_start3A_40 = arith.constant 0 : i32
        %dma_start3A_41 = tpu.memref_slice %arg12[%mul3A_33, %dma_start3A_40] : memref<10016x64xf32, #tpu.memory_space<vmem_shared>> -> memref<632x64xf32, #tpu.memory_space<vmem_shared>>
        tpu.enqueue_dma source(%dma_start3A_41 : memref<632x64xf32, #tpu.memory_space<vmem_shared>>) target(%dma_start3A_39 : memref<632x64xf32, #tpu.memory_space<hbm>>) target_semaphore(%run_scoped3A : memref<!tpu.dma_semaphore, #tpu.memory_space<semaphore_mem>>)
        %dma_wait3A = arith.constant 0 : i32
        %dma_wait3A_42 = tpu.memref_slice %arg6[%add3A_38, %dma_wait3A] : memref<20000x64xf32, #tpu.memory_space<hbm>> -> memref<632x64xf32, #tpu.memory_space<hbm>>
        %dma_wait3A_43 = arith.constant 0 : i32
        %dma_wait3A_44 = tpu.memref_slice %arg12[%mul3A_33, %dma_wait3A_43] : memref<10016x64xf32, #tpu.memory_space<vmem_shared>> -> memref<632x64xf32, #tpu.memory_space<vmem_shared>>
        tpu.wait_dma2 semaphore(%run_scoped3A : memref<!tpu.dma_semaphore, #tpu.memory_space<semaphore_mem>>) src(%dma_wait3A_44 : memref<632x64xf32, #tpu.memory_space<vmem_shared>>) dst(%dma_wait3A_42 : memref<632x64xf32, #tpu.memory_space<hbm>>)
        tpu.yield
      }) : () -> ()
    } else {
    }
    %eq3A_27 = arith.constant 15 : i32
    %eq3A_28 = arith.cmpi eq, %arg1, %eq3A_27 : i32
    %convert_element_type3A_29 = arith.extui %eq3A_28 : i1 to i32
    %cond3A_30 = arith.constant 0 : i32
    %cond3A_31 = arith.cmpi ne, %convert_element_type3A_29, %cond3A_30 : i32
    scf.if %cond3A_31 {
      %mul3A_32 = arith.constant 10000 : i32
      %mul3A_33 = arith.muli %arg0, %mul3A_32 : i32
      %add3A_34 = arith.constant 9480 : i32
      %add3A_35 = arith.addi %mul3A_33, %add3A_34 : i32
      "tpu.region"() ({
        %run_scoped3A = tpu.sem_alloc : memref<!tpu.dma_semaphore, #tpu.memory_space<semaphore_mem>>
        %dma_start3A = arith.constant 0 : i32
        %dma_start3A_36 = tpu.memref_slice %arg6[%add3A_35, %dma_start3A] : memref<20000x64xf32, #tpu.memory_space<hbm>> -> memref<520x64xf32, #tpu.memory_space<hbm>>
        %dma_start3A_37 = arith.constant 9480 : i32
        %dma_start3A_38 = arith.constant 0 : i32
        %dma_start3A_39 = tpu.memref_slice %arg12[%dma_start3A_37, %dma_start3A_38] : memref<10016x64xf32, #tpu.memory_space<vmem_shared>> -> memref<520x64xf32, #tpu.memory_space<vmem_shared>>
        tpu.enqueue_dma source(%dma_start3A_39 : memref<520x64xf32, #tpu.memory_space<vmem_shared>>) target(%dma_start3A_36 : memref<520x64xf32, #tpu.memory_space<hbm>>) target_semaphore(%run_scoped3A : memref<!tpu.dma_semaphore, #tpu.memory_space<semaphore_mem>>)
        %dma_wait3A = arith.constant 0 : i32
        %dma_wait3A_40 = tpu.memref_slice %arg6[%add3A_35, %dma_wait3A] : memref<20000x64xf32, #tpu.memory_space<hbm>> -> memref<520x64xf32, #tpu.memory_space<hbm>>
        %dma_wait3A_41 = arith.constant 9480 : i32
        %dma_wait3A_42 = arith.constant 0 : i32
        %dma_wait3A_43 = tpu.memref_slice %arg12[%dma_wait3A_41, %dma_wait3A_42] : memref<10016x64xf32, #tpu.memory_space<vmem_shared>> -> memref<520x64xf32, #tpu.memory_space<vmem_shared>>
        tpu.wait_dma2 semaphore(%run_scoped3A : memref<!tpu.dma_semaphore, #tpu.memory_space<semaphore_mem>>) src(%dma_wait3A_43 : memref<520x64xf32, #tpu.memory_space<vmem_shared>>) dst(%dma_wait3A_40 : memref<520x64xf32, #tpu.memory_space<hbm>>)
        tpu.yield
      }) : () -> ()
    } else {
    }
    return
  }
}

#map = affine_map<(d0, d1) -> (0, 0)>
module attributes {stable_mosaic.version = 14 : i64} {
  func.func @seg(%arg0: i32, %arg1: i32, %arg2: memref<10000x64xf32, #tpu.memory_space<hbm>>, %arg3: memref<2560x128xi32, #tpu.memory_space<hbm>>, %arg4: memref<2560x128xi32, #tpu.memory_space<hbm>>, %arg5: memref<632x64xf32, #tpu.memory_space<hbm>>, %arg6: memref<20000x64xf32, #tpu.memory_space<hbm>>, %arg7: memref<80x128xi32, #tpu.memory_space<vmem>>, %arg8: memref<80x128xi32, #tpu.memory_space<vmem>>, %arg9: memref<128x64xf32, #tpu.memory_space<vmem>>, %arg10: memref<!tpu.dma_semaphore, #tpu.memory_space<semaphore_mem>>, %arg11: memref<!tpu.dma_semaphore, #tpu.memory_space<semaphore_mem>>, %arg12: memref<10016x64xf32, #tpu.memory_space<vmem_shared>>) attributes {dimension_semantics = [#tpu.dimension_semantics<core_parallel>, #tpu.dimension_semantics<subcore_parallel>], iteration_bounds = array<i64: 2, 16>, scalar_prefetch = 0 : i64, scratch_operands = 6 : i64, tpu.core_type = #tpu.core_type<sc_vector_subcore>, window_params = [{transform_indices = #map}, {transform_indices = #map}, {transform_indices = #map}, {transform_indices = #map}, {transform_indices = #map}]} {
    %mul3A = arith.constant 2 : i32
    %mul3A_0 = arith.muli %arg1, %mul3A : i32
    %add3A = arith.addi %mul3A_0, %arg0 : i32
    %mul3A_1 = arith.constant 80 : i32
    %mul3A_2 = arith.muli %add3A, %mul3A_1 : i32
    "tpu.region"() ({
      %run_scoped3A = tpu.sem_alloc : memref<!tpu.dma_semaphore, #tpu.memory_space<semaphore_mem>>
      %dma_start3A = arith.constant 0 : i32
      %dma_start3A_32 = tpu.memref_slice %arg3[%mul3A_2, %dma_start3A] : memref<2560x128xi32, #tpu.memory_space<hbm>> -> memref<80x128xi32, #tpu.memory_space<hbm>>
      %dma_start3A_33 = arith.constant 0 : i32
      %dma_start3A_34 = tpu.memref_slice %arg3[%mul3A_2, %dma_start3A_33] : memref<2560x128xi32, #tpu.memory_space<hbm>> -> memref<80x128xi32, #tpu.memory_space<hbm>>
      tpu.enqueue_dma source(%dma_start3A_34 : memref<80x128xi32, #tpu.memory_space<hbm>>) target(%arg7 : memref<80x128xi32, #tpu.memory_space<vmem>>) target_semaphore(%run_scoped3A : memref<!tpu.dma_semaphore, #tpu.memory_space<semaphore_mem>>)
      %dma_wait3A = arith.constant 0 : i32
      %dma_wait3A_35 = tpu.memref_slice %arg3[%mul3A_2, %dma_wait3A] : memref<2560x128xi32, #tpu.memory_space<hbm>> -> memref<80x128xi32, #tpu.memory_space<hbm>>
      %dma_wait3A_36 = arith.constant 0 : i32
      %dma_wait3A_37 = tpu.memref_slice %arg3[%mul3A_2, %dma_wait3A_36] : memref<2560x128xi32, #tpu.memory_space<hbm>> -> memref<80x128xi32, #tpu.memory_space<hbm>>
      tpu.wait_dma2 semaphore(%run_scoped3A : memref<!tpu.dma_semaphore, #tpu.memory_space<semaphore_mem>>) src(%dma_wait3A_37 : memref<80x128xi32, #tpu.memory_space<hbm>>) dst(%arg7 : memref<80x128xi32, #tpu.memory_space<vmem>>)
      tpu.yield
    }) : () -> ()
    %mul3A_3 = arith.constant 80 : i32
    %mul3A_4 = arith.muli %add3A, %mul3A_3 : i32
    "tpu.region"() ({
      %run_scoped3A = tpu.sem_alloc : memref<!tpu.dma_semaphore, #tpu.memory_space<semaphore_mem>>
      %dma_start3A = arith.constant 0 : i32
      %dma_start3A_32 = tpu.memref_slice %arg4[%mul3A_4, %dma_start3A] : memref<2560x128xi32, #tpu.memory_space<hbm>> -> memref<80x128xi32, #tpu.memory_space<hbm>>
      %dma_start3A_33 = arith.constant 0 : i32
      %dma_start3A_34 = tpu.memref_slice %arg4[%mul3A_4, %dma_start3A_33] : memref<2560x128xi32, #tpu.memory_space<hbm>> -> memref<80x128xi32, #tpu.memory_space<hbm>>
      tpu.enqueue_dma source(%dma_start3A_34 : memref<80x128xi32, #tpu.memory_space<hbm>>) target(%arg8 : memref<80x128xi32, #tpu.memory_space<vmem>>) target_semaphore(%run_scoped3A : memref<!tpu.dma_semaphore, #tpu.memory_space<semaphore_mem>>)
      %dma_wait3A = arith.constant 0 : i32
      %dma_wait3A_35 = tpu.memref_slice %arg4[%mul3A_4, %dma_wait3A] : memref<2560x128xi32, #tpu.memory_space<hbm>> -> memref<80x128xi32, #tpu.memory_space<hbm>>
      %dma_wait3A_36 = arith.constant 0 : i32
      %dma_wait3A_37 = tpu.memref_slice %arg4[%mul3A_4, %dma_wait3A_36] : memref<2560x128xi32, #tpu.memory_space<hbm>> -> memref<80x128xi32, #tpu.memory_space<hbm>>
      tpu.wait_dma2 semaphore(%run_scoped3A : memref<!tpu.dma_semaphore, #tpu.memory_space<semaphore_mem>>) src(%dma_wait3A_37 : memref<80x128xi32, #tpu.memory_space<hbm>>) dst(%arg8 : memref<80x128xi32, #tpu.memory_space<vmem>>)
      tpu.yield
    }) : () -> ()
    %lt3A = arith.constant 15 : i32
    %lt3A_5 = arith.cmpi slt, %arg1, %lt3A : i32
    %convert_element_type3A = arith.extui %lt3A_5 : i1 to i32
    %cond3A = arith.constant 0 : i32
    %cond3A_6 = arith.cmpi ne, %convert_element_type3A, %cond3A : i32
    scf.if %cond3A_6 {
      %mul3A_32 = arith.constant 632 : i32
      %mul3A_33 = arith.muli %arg1, %mul3A_32 : i32
      "tpu.region"() ({
        %run_scoped3A = tpu.sem_alloc : memref<!tpu.dma_semaphore, #tpu.memory_space<semaphore_mem>>
        %dma_start3A = arith.constant 0 : i32
        %dma_start3A_34 = tpu.memref_slice %arg12[%mul3A_33, %dma_start3A] : memref<10016x64xf32, #tpu.memory_space<vmem_shared>> -> memref<632x64xf32, #tpu.memory_space<vmem_shared>>
        %dma_start3A_35 = arith.constant 0 : i32
        %dma_start3A_36 = arith.constant 0 : i32
        %dma_start3A_37 = tpu.memref_slice %arg5[%dma_start3A_35, %dma_start3A_36] : memref<632x64xf32, #tpu.memory_space<hbm>> -> memref<632x64xf32, #tpu.memory_space<hbm>>
        tpu.enqueue_dma source(%dma_start3A_37 : memref<632x64xf32, #tpu.memory_space<hbm>>) target(%dma_start3A_34 : memref<632x64xf32, #tpu.memory_space<vmem_shared>>) target_semaphore(%run_scoped3A : memref<!tpu.dma_semaphore, #tpu.memory_space<semaphore_mem>>)
        %dma_wait3A = arith.constant 0 : i32
        %dma_wait3A_38 = tpu.memref_slice %arg12[%mul3A_33, %dma_wait3A] : memref<10016x64xf32, #tpu.memory_space<vmem_shared>> -> memref<632x64xf32, #tpu.memory_space<vmem_shared>>
        %dma_wait3A_39 = arith.constant 0 : i32
        %dma_wait3A_40 = arith.constant 0 : i32
        %dma_wait3A_41 = tpu.memref_slice %arg5[%dma_wait3A_39, %dma_wait3A_40] : memref<632x64xf32, #tpu.memory_space<hbm>> -> memref<632x64xf32, #tpu.memory_space<hbm>>
        tpu.wait_dma2 semaphore(%run_scoped3A : memref<!tpu.dma_semaphore, #tpu.memory_space<semaphore_mem>>) src(%dma_wait3A_41 : memref<632x64xf32, #tpu.memory_space<hbm>>) dst(%dma_wait3A_38 : memref<632x64xf32, #tpu.memory_space<vmem_shared>>)
        tpu.yield
      }) : () -> ()
    } else {
    }
    %eq3A = arith.constant 15 : i32
    %eq3A_7 = arith.cmpi eq, %arg1, %eq3A : i32
    %convert_element_type3A_8 = arith.extui %eq3A_7 : i1 to i32
    %cond3A_9 = arith.constant 0 : i32
    %cond3A_10 = arith.cmpi ne, %convert_element_type3A_8, %cond3A_9 : i32
    scf.if %cond3A_10 {
      "tpu.region"() ({
        %run_scoped3A = tpu.sem_alloc : memref<!tpu.dma_semaphore, #tpu.memory_space<semaphore_mem>>
        %dma_start3A = arith.constant 9480 : i32
        %dma_start3A_32 = arith.constant 0 : i32
        %dma_start3A_33 = tpu.memref_slice %arg12[%dma_start3A, %dma_start3A_32] : memref<10016x64xf32, #tpu.memory_space<vmem_shared>> -> memref<520x64xf32, #tpu.memory_space<vmem_shared>>
        %dma_start3A_34 = arith.constant 0 : i32
        %dma_start3A_35 = arith.constant 0 : i32
        %dma_start3A_36 = tpu.memref_slice %arg5[%dma_start3A_34, %dma_start3A_35] : memref<632x64xf32, #tpu.memory_space<hbm>> -> memref<520x64xf32, #tpu.memory_space<hbm>>
        tpu.enqueue_dma source(%dma_start3A_36 : memref<520x64xf32, #tpu.memory_space<hbm>>) target(%dma_start3A_33 : memref<520x64xf32, #tpu.memory_space<vmem_shared>>) target_semaphore(%run_scoped3A : memref<!tpu.dma_semaphore, #tpu.memory_space<semaphore_mem>>)
        %dma_wait3A = arith.constant 9480 : i32
        %dma_wait3A_37 = arith.constant 0 : i32
        %dma_wait3A_38 = tpu.memref_slice %arg12[%dma_wait3A, %dma_wait3A_37] : memref<10016x64xf32, #tpu.memory_space<vmem_shared>> -> memref<520x64xf32, #tpu.memory_space<vmem_shared>>
        %dma_wait3A_39 = arith.constant 0 : i32
        %dma_wait3A_40 = arith.constant 0 : i32
        %dma_wait3A_41 = tpu.memref_slice %arg5[%dma_wait3A_39, %dma_wait3A_40] : memref<632x64xf32, #tpu.memory_space<hbm>> -> memref<520x64xf32, #tpu.memory_space<hbm>>
        tpu.wait_dma2 semaphore(%run_scoped3A : memref<!tpu.dma_semaphore, #tpu.memory_space<semaphore_mem>>) src(%dma_wait3A_41 : memref<520x64xf32, #tpu.memory_space<hbm>>) dst(%dma_wait3A_38 : memref<520x64xf32, #tpu.memory_space<vmem_shared>>)
        tpu.yield
      }) : () -> ()
    } else {
    }
    %eq3A_11 = arith.constant 0 : i32
    %eq3A_12 = arith.cmpi eq, %arg1, %eq3A_11 : i32
    %convert_element_type3A_13 = arith.extui %eq3A_12 : i1 to i32
    %cond3A_14 = arith.constant 0 : i32
    %cond3A_15 = arith.cmpi ne, %convert_element_type3A_13, %cond3A_14 : i32
    scf.if %cond3A_15 {
      "tpu.region"() ({
        %run_scoped3A = tpu.sem_alloc : memref<!tpu.dma_semaphore, #tpu.memory_space<semaphore_mem>>
        %dma_start3A = arith.constant 10000 : i32
        %dma_start3A_32 = arith.constant 0 : i32
        %dma_start3A_33 = tpu.memref_slice %arg12[%dma_start3A, %dma_start3A_32] : memref<10016x64xf32, #tpu.memory_space<vmem_shared>> -> memref<16x64xf32, #tpu.memory_space<vmem_shared>>
        %dma_start3A_34 = arith.constant 0 : i32
        %dma_start3A_35 = arith.constant 0 : i32
        %dma_start3A_36 = tpu.memref_slice %arg5[%dma_start3A_34, %dma_start3A_35] : memref<632x64xf32, #tpu.memory_space<hbm>> -> memref<16x64xf32, #tpu.memory_space<hbm>>
        tpu.enqueue_dma source(%dma_start3A_36 : memref<16x64xf32, #tpu.memory_space<hbm>>) target(%dma_start3A_33 : memref<16x64xf32, #tpu.memory_space<vmem_shared>>) target_semaphore(%run_scoped3A : memref<!tpu.dma_semaphore, #tpu.memory_space<semaphore_mem>>)
        %dma_wait3A = arith.constant 10000 : i32
        %dma_wait3A_37 = arith.constant 0 : i32
        %dma_wait3A_38 = tpu.memref_slice %arg12[%dma_wait3A, %dma_wait3A_37] : memref<10016x64xf32, #tpu.memory_space<vmem_shared>> -> memref<16x64xf32, #tpu.memory_space<vmem_shared>>
        %dma_wait3A_39 = arith.constant 0 : i32
        %dma_wait3A_40 = arith.constant 0 : i32
        %dma_wait3A_41 = tpu.memref_slice %arg5[%dma_wait3A_39, %dma_wait3A_40] : memref<632x64xf32, #tpu.memory_space<hbm>> -> memref<16x64xf32, #tpu.memory_space<hbm>>
        tpu.wait_dma2 semaphore(%run_scoped3A : memref<!tpu.dma_semaphore, #tpu.memory_space<semaphore_mem>>) src(%dma_wait3A_41 : memref<16x64xf32, #tpu.memory_space<hbm>>) dst(%dma_wait3A_38 : memref<16x64xf32, #tpu.memory_space<vmem_shared>>)
        tpu.yield
      }) : () -> ()
    } else {
    }
    %barrier3A = arith.constant 0 : index
    tpu.barrier barrier_id(%barrier3A)
    %scan3A = arith.constant 0 : i32
    %scan3A_16 = arith.constant 0 : i32
    %scan3A_17 = arith.constant 80 : i32
    %scan3A_18 = arith.addi %scan3A_16, %scan3A_17 : i32
    %scan3A_19 = arith.constant 1 : i32
    scf.for %scan3A_32 = %scan3A_16 to %scan3A_18 step %scan3A_19  : i32 {
      %dma_start3A = arith.constant 0 : i32
      %dma_start3A_33 = tpu.memref_slice %arg7[%scan3A_32, %dma_start3A] : memref<80x128xi32, #tpu.memory_space<vmem>> -> memref<1x128xi32, #tpu.memory_space<vmem>>
      %dma_start3A_34 = tpu.memref_squeeze %dma_start3A_33 : memref<1x128xi32, #tpu.memory_space<vmem>> -> memref<128xi32, #tpu.memory_space<vmem>>
      %dma_start3A_35 = arith.constant 0 : i32
      %dma_start3A_36 = arith.constant 0 : i32
      %dma_start3A_37 = tpu.memref_slice %arg2[%dma_start3A_35, %dma_start3A_36] : memref<10000x64xf32, #tpu.memory_space<hbm>> -> memref<10000x64xf32, #tpu.memory_space<hbm>>
      tpu.enqueue_indirect_dma source(%dma_start3A_37 : memref<10000x64xf32, #tpu.memory_space<hbm>>) target(%arg9 : memref<128x64xf32, #tpu.memory_space<vmem>>) offsets(%dma_start3A_34 : memref<128xi32, #tpu.memory_space<vmem>>) semaphore(%arg10 : memref<!tpu.dma_semaphore, #tpu.memory_space<semaphore_mem>>)
      %dma_wait3A = arith.constant 0 : i32
      %dma_wait3A_38 = tpu.memref_slice %arg7[%scan3A_32, %dma_wait3A] : memref<80x128xi32, #tpu.memory_space<vmem>> -> memref<1x128xi32, #tpu.memory_space<vmem>>
      %dma_wait3A_39 = tpu.memref_squeeze %dma_wait3A_38 : memref<1x128xi32, #tpu.memory_space<vmem>> -> memref<128xi32, #tpu.memory_space<vmem>>
      %dma_wait3A_40 = arith.constant 0 : i32
      %dma_wait3A_41 = arith.constant 0 : i32
      %dma_wait3A_42 = tpu.memref_slice %arg2[%dma_wait3A_40, %dma_wait3A_41] : memref<10000x64xf32, #tpu.memory_space<hbm>> -> memref<10000x64xf32, #tpu.memory_space<hbm>>
      tpu.wait_indirect_dma semaphore(%arg10 : memref<!tpu.dma_semaphore, #tpu.memory_space<semaphore_mem>>) src(%dma_wait3A_42 : memref<10000x64xf32, #tpu.memory_space<hbm>>) dst(%arg9 : memref<128x64xf32, #tpu.memory_space<vmem>>)
      "tpu.region"() ({
        %run_scoped3A = tpu.sem_alloc : memref<!tpu.dma_semaphore, #tpu.memory_space<semaphore_mem>>
        %dma_start3A_43 = arith.constant 0 : i32
        %dma_start3A_44 = tpu.memref_slice %arg8[%scan3A_32, %dma_start3A_43] : memref<80x128xi32, #tpu.memory_space<vmem>> -> memref<1x128xi32, #tpu.memory_space<vmem>>
        %dma_start3A_45 = tpu.memref_squeeze %dma_start3A_44 : memref<1x128xi32, #tpu.memory_space<vmem>> -> memref<128xi32, #tpu.memory_space<vmem>>
        %dma_start3A_46 = arith.constant 0 : i32
        %dma_start3A_47 = arith.constant 0 : i32
        %dma_start3A_48 = tpu.memref_slice %arg12[%dma_start3A_46, %dma_start3A_47] : memref<10016x64xf32, #tpu.memory_space<vmem_shared>> -> memref<10016x64xf32, #tpu.memory_space<vmem_shared>>
        tpu.enqueue_indirect_dma source(%arg9 : memref<128x64xf32, #tpu.memory_space<vmem>>) target(%dma_start3A_48 : memref<10016x64xf32, #tpu.memory_space<vmem_shared>>) offsets(%dma_start3A_45 : memref<128xi32, #tpu.memory_space<vmem>>) semaphore(%run_scoped3A : memref<!tpu.dma_semaphore, #tpu.memory_space<semaphore_mem>>) {add = true}
        %dma_wait3A_49 = arith.constant 0 : i32
        %dma_wait3A_50 = tpu.memref_slice %arg8[%scan3A_32, %dma_wait3A_49] : memref<80x128xi32, #tpu.memory_space<vmem>> -> memref<1x128xi32, #tpu.memory_space<vmem>>
        %dma_wait3A_51 = tpu.memref_squeeze %dma_wait3A_50 : memref<1x128xi32, #tpu.memory_space<vmem>> -> memref<128xi32, #tpu.memory_space<vmem>>
        %dma_wait3A_52 = arith.constant 0 : i32
        %dma_wait3A_53 = arith.constant 0 : i32
        %dma_wait3A_54 = tpu.memref_slice %arg12[%dma_wait3A_52, %dma_wait3A_53] : memref<10016x64xf32, #tpu.memory_space<vmem_shared>> -> memref<10016x64xf32, #tpu.memory_space<vmem_shared>>
        tpu.wait_indirect_dma semaphore(%run_scoped3A : memref<!tpu.dma_semaphore, #tpu.memory_space<semaphore_mem>>) src(%arg9 : memref<128x64xf32, #tpu.memory_space<vmem>>) dst(%dma_wait3A_54 : memref<10016x64xf32, #tpu.memory_space<vmem_shared>>)
        tpu.yield
      }) : () -> ()
    }
    %scan3A_20 = arith.constant 80 : i32
    %barrier3A_21 = arith.constant 0 : index
    tpu.barrier barrier_id(%barrier3A_21)
    %lt3A_22 = arith.constant 15 : i32
    %lt3A_23 = arith.cmpi slt, %arg1, %lt3A_22 : i32
    %convert_element_type3A_24 = arith.extui %lt3A_23 : i1 to i32
    %cond3A_25 = arith.constant 0 : i32
    %cond3A_26 = arith.cmpi ne, %convert_element_type3A_24, %cond3A_25 : i32
    scf.if %cond3A_26 {
      %mul3A_32 = arith.constant 632 : i32
      %mul3A_33 = arith.muli %arg1, %mul3A_32 : i32
      %mul3A_34 = arith.constant 10000 : i32
      %mul3A_35 = arith.muli %arg0, %mul3A_34 : i32
      %mul3A_36 = arith.constant 632 : i32
      %mul3A_37 = arith.muli %arg1, %mul3A_36 : i32
      %add3A_38 = arith.addi %mul3A_35, %mul3A_37 : i32
      "tpu.region"() ({
        %run_scoped3A = tpu.sem_alloc : memref<!tpu.dma_semaphore, #tpu.memory_space<semaphore_mem>>
        %dma_start3A = arith.constant 0 : i32
        %dma_start3A_39 = tpu.memref_slice %arg6[%add3A_38, %dma_start3A] : memref<20000x64xf32, #tpu.memory_space<hbm>> -> memref<632x64xf32, #tpu.memory_space<hbm>>
        %dma_start3A_40 = arith.constant 0 : i32
        %dma_start3A_41 = tpu.memref_slice %arg12[%mul3A_33, %dma_start3A_40] : memref<10016x64xf32, #tpu.memory_space<vmem_shared>> -> memref<632x64xf32, #tpu.memory_space<vmem_shared>>
        tpu.enqueue_dma source(%dma_start3A_41 : memref<632x64xf32, #tpu.memory_space<vmem_shared>>) target(%dma_start3A_39 : memref<632x64xf32, #tpu.memory_space<hbm>>) target_semaphore(%run_scoped3A : memref<!tpu.dma_semaphore, #tpu.memory_space<semaphore_mem>>)
        %dma_wait3A = arith.constant 0 : i32
        %dma_wait3A_42 = tpu.memref_slice %arg6[%add3A_38, %dma_wait3A] : memref<20000x64xf32, #tpu.memory_space<hbm>> -> memref<632x64xf32, #tpu.memory_space<hbm>>
        %dma_wait3A_43 = arith.constant 0 : i32
        %dma_wait3A_44 = tpu.memref_slice %arg12[%mul3A_33, %dma_wait3A_43] : memref<10016x64xf32, #tpu.memory_space<vmem_shared>> -> memref<632x64xf32, #tpu.memory_space<vmem_shared>>
        tpu.wait_dma2 semaphore(%run_scoped3A : memref<!tpu.dma_semaphore, #tpu.memory_space<semaphore_mem>>) src(%dma_wait3A_44 : memref<632x64xf32, #tpu.memory_space<vmem_shared>>) dst(%dma_wait3A_42 : memref<632x64xf32, #tpu.memory_space<hbm>>)
        tpu.yield
      }) : () -> ()
    } else {
    }
    %eq3A_27 = arith.constant 15 : i32
    %eq3A_28 = arith.cmpi eq, %arg1, %eq3A_27 : i32
    %convert_element_type3A_29 = arith.extui %eq3A_28 : i1 to i32
    %cond3A_30 = arith.constant 0 : i32
    %cond3A_31 = arith.cmpi ne, %convert_element_type3A_29, %cond3A_30 : i32
    scf.if %cond3A_31 {
      %mul3A_32 = arith.constant 10000 : i32
      %mul3A_33 = arith.muli %arg0, %mul3A_32 : i32
      %add3A_34 = arith.constant 9480 : i32
      %add3A_35 = arith.addi %mul3A_33, %add3A_34 : i32
      "tpu.region"() ({
        %run_scoped3A = tpu.sem_alloc : memref<!tpu.dma_semaphore, #tpu.memory_space<semaphore_mem>>
        %dma_start3A = arith.constant 0 : i32
        %dma_start3A_36 = tpu.memref_slice %arg6[%add3A_35, %dma_start3A] : memref<20000x64xf32, #tpu.memory_space<hbm>> -> memref<520x64xf32, #tpu.memory_space<hbm>>
        %dma_start3A_37 = arith.constant 9480 : i32
        %dma_start3A_38 = arith.constant 0 : i32
        %dma_start3A_39 = tpu.memref_slice %arg12[%dma_start3A_37, %dma_start3A_38] : memref<10016x64xf32, #tpu.memory_space<vmem_shared>> -> memref<520x64xf32, #tpu.memory_space<vmem_shared>>
        tpu.enqueue_dma source(%dma_start3A_39 : memref<520x64xf32, #tpu.memory_space<vmem_shared>>) target(%dma_start3A_36 : memref<520x64xf32, #tpu.memory_space<hbm>>) target_semaphore(%run_scoped3A : memref<!tpu.dma_semaphore, #tpu.memory_space<semaphore_mem>>)
        %dma_wait3A = arith.constant 0 : i32
        %dma_wait3A_40 = tpu.memref_slice %arg6[%add3A_35, %dma_wait3A] : memref<20000x64xf32, #tpu.memory_space<hbm>> -> memref<520x64xf32, #tpu.memory_space<hbm>>
        %dma_wait3A_41 = arith.constant 9480 : i32
        %dma_wait3A_42 = arith.constant 0 : i32
        %dma_wait3A_43 = tpu.memref_slice %arg12[%dma_wait3A_41, %dma_wait3A_42] : memref<10016x64xf32, #tpu.memory_space<vmem_shared>> -> memref<520x64xf32, #tpu.memory_space<vmem_shared>>
        tpu.wait_dma2 semaphore(%run_scoped3A : memref<!tpu.dma_semaphore, #tpu.memory_space<semaphore_mem>>) src(%dma_wait3A_43 : memref<520x64xf32, #tpu.memory_space<vmem_shared>>) dst(%dma_wait3A_40 : memref<520x64xf32, #tpu.memory_space<hbm>>)
        tpu.yield
      }) : () -> ()
    } else {
    }
    return
  }
}

#map = affine_map<(d0, d1) -> (0, 0)>
module attributes {stable_mosaic.version = 14 : i64} {
  func.func @deg(%arg0: i32, %arg1: i32, %arg2: memref<2560x128xi32, #tpu.memory_space<hbm>>, %arg3: memref<632x16xf32, #tpu.memory_space<hbm>>, %arg4: memref<128x16xf32, #tpu.memory_space<hbm>>, %arg5: memref<20000x16xf32, #tpu.memory_space<hbm>>, %arg6: memref<80x128xi32, #tpu.memory_space<vmem>>, %arg7: memref<128x16xf32, #tpu.memory_space<vmem>>, %arg8: memref<10016x16xf32, #tpu.memory_space<vmem_shared>>) attributes {dimension_semantics = [#tpu.dimension_semantics<core_parallel>, #tpu.dimension_semantics<subcore_parallel>], iteration_bounds = array<i64: 2, 16>, scalar_prefetch = 0 : i64, scratch_operands = 3 : i64, tpu.core_type = #tpu.core_type<sc_vector_subcore>, window_params = [{transform_indices = #map}, {transform_indices = #map}, {transform_indices = #map}, {transform_indices = #map}]} {
    %mul3A = arith.constant 2 : i32
    %mul3A_0 = arith.muli %arg1, %mul3A : i32
    %add3A = arith.addi %mul3A_0, %arg0 : i32
    %mul3A_1 = arith.constant 80 : i32
    %mul3A_2 = arith.muli %add3A, %mul3A_1 : i32
    "tpu.region"() ({
      %run_scoped3A = tpu.sem_alloc : memref<!tpu.dma_semaphore, #tpu.memory_space<semaphore_mem>>
      %dma_start3A = arith.constant 0 : i32
      %dma_start3A_30 = tpu.memref_slice %arg2[%mul3A_2, %dma_start3A] : memref<2560x128xi32, #tpu.memory_space<hbm>> -> memref<80x128xi32, #tpu.memory_space<hbm>>
      %dma_start3A_31 = arith.constant 0 : i32
      %dma_start3A_32 = tpu.memref_slice %arg2[%mul3A_2, %dma_start3A_31] : memref<2560x128xi32, #tpu.memory_space<hbm>> -> memref<80x128xi32, #tpu.memory_space<hbm>>
      tpu.enqueue_dma source(%dma_start3A_32 : memref<80x128xi32, #tpu.memory_space<hbm>>) target(%arg6 : memref<80x128xi32, #tpu.memory_space<vmem>>) target_semaphore(%run_scoped3A : memref<!tpu.dma_semaphore, #tpu.memory_space<semaphore_mem>>)
      %dma_wait3A = arith.constant 0 : i32
      %dma_wait3A_33 = tpu.memref_slice %arg2[%mul3A_2, %dma_wait3A] : memref<2560x128xi32, #tpu.memory_space<hbm>> -> memref<80x128xi32, #tpu.memory_space<hbm>>
      %dma_wait3A_34 = arith.constant 0 : i32
      %dma_wait3A_35 = tpu.memref_slice %arg2[%mul3A_2, %dma_wait3A_34] : memref<2560x128xi32, #tpu.memory_space<hbm>> -> memref<80x128xi32, #tpu.memory_space<hbm>>
      tpu.wait_dma2 semaphore(%run_scoped3A : memref<!tpu.dma_semaphore, #tpu.memory_space<semaphore_mem>>) src(%dma_wait3A_35 : memref<80x128xi32, #tpu.memory_space<hbm>>) dst(%arg6 : memref<80x128xi32, #tpu.memory_space<vmem>>)
      tpu.yield
    }) : () -> ()
    "tpu.region"() ({
      %run_scoped3A = tpu.sem_alloc : memref<!tpu.dma_semaphore, #tpu.memory_space<semaphore_mem>>
      tpu.enqueue_dma source(%arg4 : memref<128x16xf32, #tpu.memory_space<hbm>>) target(%arg7 : memref<128x16xf32, #tpu.memory_space<vmem>>) target_semaphore(%run_scoped3A : memref<!tpu.dma_semaphore, #tpu.memory_space<semaphore_mem>>)
      tpu.wait_dma2 semaphore(%run_scoped3A : memref<!tpu.dma_semaphore, #tpu.memory_space<semaphore_mem>>) src(%arg4 : memref<128x16xf32, #tpu.memory_space<hbm>>) dst(%arg7 : memref<128x16xf32, #tpu.memory_space<vmem>>)
      tpu.yield
    }) : () -> ()
    %lt3A = arith.constant 15 : i32
    %lt3A_3 = arith.cmpi slt, %arg1, %lt3A : i32
    %convert_element_type3A = arith.extui %lt3A_3 : i1 to i32
    %cond3A = arith.constant 0 : i32
    %cond3A_4 = arith.cmpi ne, %convert_element_type3A, %cond3A : i32
    scf.if %cond3A_4 {
      %mul3A_30 = arith.constant 632 : i32
      %mul3A_31 = arith.muli %arg1, %mul3A_30 : i32
      "tpu.region"() ({
        %run_scoped3A = tpu.sem_alloc : memref<!tpu.dma_semaphore, #tpu.memory_space<semaphore_mem>>
        %dma_start3A = arith.constant 0 : i32
        %dma_start3A_32 = tpu.memref_slice %arg8[%mul3A_31, %dma_start3A] : memref<10016x16xf32, #tpu.memory_space<vmem_shared>> -> memref<632x16xf32, #tpu.memory_space<vmem_shared>>
        %dma_start3A_33 = arith.constant 0 : i32
        %dma_start3A_34 = arith.constant 0 : i32
        %dma_start3A_35 = tpu.memref_slice %arg3[%dma_start3A_33, %dma_start3A_34] : memref<632x16xf32, #tpu.memory_space<hbm>> -> memref<632x16xf32, #tpu.memory_space<hbm>>
        tpu.enqueue_dma source(%dma_start3A_35 : memref<632x16xf32, #tpu.memory_space<hbm>>) target(%dma_start3A_32 : memref<632x16xf32, #tpu.memory_space<vmem_shared>>) target_semaphore(%run_scoped3A : memref<!tpu.dma_semaphore, #tpu.memory_space<semaphore_mem>>)
        %dma_wait3A = arith.constant 0 : i32
        %dma_wait3A_36 = tpu.memref_slice %arg8[%mul3A_31, %dma_wait3A] : memref<10016x16xf32, #tpu.memory_space<vmem_shared>> -> memref<632x16xf32, #tpu.memory_space<vmem_shared>>
        %dma_wait3A_37 = arith.constant 0 : i32
        %dma_wait3A_38 = arith.constant 0 : i32
        %dma_wait3A_39 = tpu.memref_slice %arg3[%dma_wait3A_37, %dma_wait3A_38] : memref<632x16xf32, #tpu.memory_space<hbm>> -> memref<632x16xf32, #tpu.memory_space<hbm>>
        tpu.wait_dma2 semaphore(%run_scoped3A : memref<!tpu.dma_semaphore, #tpu.memory_space<semaphore_mem>>) src(%dma_wait3A_39 : memref<632x16xf32, #tpu.memory_space<hbm>>) dst(%dma_wait3A_36 : memref<632x16xf32, #tpu.memory_space<vmem_shared>>)
        tpu.yield
      }) : () -> ()
    } else {
    }
    %eq3A = arith.constant 15 : i32
    %eq3A_5 = arith.cmpi eq, %arg1, %eq3A : i32
    %convert_element_type3A_6 = arith.extui %eq3A_5 : i1 to i32
    %cond3A_7 = arith.constant 0 : i32
    %cond3A_8 = arith.cmpi ne, %convert_element_type3A_6, %cond3A_7 : i32
    scf.if %cond3A_8 {
      "tpu.region"() ({
        %run_scoped3A = tpu.sem_alloc : memref<!tpu.dma_semaphore, #tpu.memory_space<semaphore_mem>>
        %dma_start3A = arith.constant 9480 : i32
        %dma_start3A_30 = arith.constant 0 : i32
        %dma_start3A_31 = tpu.memref_slice %arg8[%dma_start3A, %dma_start3A_30] : memref<10016x16xf32, #tpu.memory_space<vmem_shared>> -> memref<520x16xf32, #tpu.memory_space<vmem_shared>>
        %dma_start3A_32 = arith.constant 0 : i32
        %dma_start3A_33 = arith.constant 0 : i32
        %dma_start3A_34 = tpu.memref_slice %arg3[%dma_start3A_32, %dma_start3A_33] : memref<632x16xf32, #tpu.memory_space<hbm>> -> memref<520x16xf32, #tpu.memory_space<hbm>>
        tpu.enqueue_dma source(%dma_start3A_34 : memref<520x16xf32, #tpu.memory_space<hbm>>) target(%dma_start3A_31 : memref<520x16xf32, #tpu.memory_space<vmem_shared>>) target_semaphore(%run_scoped3A : memref<!tpu.dma_semaphore, #tpu.memory_space<semaphore_mem>>)
        %dma_wait3A = arith.constant 9480 : i32
        %dma_wait3A_35 = arith.constant 0 : i32
        %dma_wait3A_36 = tpu.memref_slice %arg8[%dma_wait3A, %dma_wait3A_35] : memref<10016x16xf32, #tpu.memory_space<vmem_shared>> -> memref<520x16xf32, #tpu.memory_space<vmem_shared>>
        %dma_wait3A_37 = arith.constant 0 : i32
        %dma_wait3A_38 = arith.constant 0 : i32
        %dma_wait3A_39 = tpu.memref_slice %arg3[%dma_wait3A_37, %dma_wait3A_38] : memref<632x16xf32, #tpu.memory_space<hbm>> -> memref<520x16xf32, #tpu.memory_space<hbm>>
        tpu.wait_dma2 semaphore(%run_scoped3A : memref<!tpu.dma_semaphore, #tpu.memory_space<semaphore_mem>>) src(%dma_wait3A_39 : memref<520x16xf32, #tpu.memory_space<hbm>>) dst(%dma_wait3A_36 : memref<520x16xf32, #tpu.memory_space<vmem_shared>>)
        tpu.yield
      }) : () -> ()
    } else {
    }
    %eq3A_9 = arith.constant 0 : i32
    %eq3A_10 = arith.cmpi eq, %arg1, %eq3A_9 : i32
    %convert_element_type3A_11 = arith.extui %eq3A_10 : i1 to i32
    %cond3A_12 = arith.constant 0 : i32
    %cond3A_13 = arith.cmpi ne, %convert_element_type3A_11, %cond3A_12 : i32
    scf.if %cond3A_13 {
      "tpu.region"() ({
        %run_scoped3A = tpu.sem_alloc : memref<!tpu.dma_semaphore, #tpu.memory_space<semaphore_mem>>
        %dma_start3A = arith.constant 10000 : i32
        %dma_start3A_30 = arith.constant 0 : i32
        %dma_start3A_31 = tpu.memref_slice %arg8[%dma_start3A, %dma_start3A_30] : memref<10016x16xf32, #tpu.memory_space<vmem_shared>> -> memref<16x16xf32, #tpu.memory_space<vmem_shared>>
        %dma_start3A_32 = arith.constant 0 : i32
        %dma_start3A_33 = arith.constant 0 : i32
        %dma_start3A_34 = tpu.memref_slice %arg3[%dma_start3A_32, %dma_start3A_33] : memref<632x16xf32, #tpu.memory_space<hbm>> -> memref<16x16xf32, #tpu.memory_space<hbm>>
        tpu.enqueue_dma source(%dma_start3A_34 : memref<16x16xf32, #tpu.memory_space<hbm>>) target(%dma_start3A_31 : memref<16x16xf32, #tpu.memory_space<vmem_shared>>) target_semaphore(%run_scoped3A : memref<!tpu.dma_semaphore, #tpu.memory_space<semaphore_mem>>)
        %dma_wait3A = arith.constant 10000 : i32
        %dma_wait3A_35 = arith.constant 0 : i32
        %dma_wait3A_36 = tpu.memref_slice %arg8[%dma_wait3A, %dma_wait3A_35] : memref<10016x16xf32, #tpu.memory_space<vmem_shared>> -> memref<16x16xf32, #tpu.memory_space<vmem_shared>>
        %dma_wait3A_37 = arith.constant 0 : i32
        %dma_wait3A_38 = arith.constant 0 : i32
        %dma_wait3A_39 = tpu.memref_slice %arg3[%dma_wait3A_37, %dma_wait3A_38] : memref<632x16xf32, #tpu.memory_space<hbm>> -> memref<16x16xf32, #tpu.memory_space<hbm>>
        tpu.wait_dma2 semaphore(%run_scoped3A : memref<!tpu.dma_semaphore, #tpu.memory_space<semaphore_mem>>) src(%dma_wait3A_39 : memref<16x16xf32, #tpu.memory_space<hbm>>) dst(%dma_wait3A_36 : memref<16x16xf32, #tpu.memory_space<vmem_shared>>)
        tpu.yield
      }) : () -> ()
    } else {
    }
    %barrier3A = arith.constant 0 : index
    tpu.barrier barrier_id(%barrier3A)
    %scan3A = arith.constant 0 : i32
    %scan3A_14 = arith.constant 0 : i32
    %scan3A_15 = arith.constant 80 : i32
    %scan3A_16 = arith.addi %scan3A_14, %scan3A_15 : i32
    %scan3A_17 = arith.constant 1 : i32
    scf.for %scan3A_30 = %scan3A_14 to %scan3A_16 step %scan3A_17  : i32 {
      "tpu.region"() ({
        %run_scoped3A = tpu.sem_alloc : memref<!tpu.dma_semaphore, #tpu.memory_space<semaphore_mem>>
        %dma_start3A = arith.constant 0 : i32
        %dma_start3A_31 = tpu.memref_slice %arg6[%scan3A_30, %dma_start3A] : memref<80x128xi32, #tpu.memory_space<vmem>> -> memref<1x128xi32, #tpu.memory_space<vmem>>
        %dma_start3A_32 = tpu.memref_squeeze %dma_start3A_31 : memref<1x128xi32, #tpu.memory_space<vmem>> -> memref<128xi32, #tpu.memory_space<vmem>>
        %dma_start3A_33 = arith.constant 0 : i32
        %dma_start3A_34 = arith.constant 0 : i32
        %dma_start3A_35 = tpu.memref_slice %arg8[%dma_start3A_33, %dma_start3A_34] : memref<10016x16xf32, #tpu.memory_space<vmem_shared>> -> memref<10016x16xf32, #tpu.memory_space<vmem_shared>>
        tpu.enqueue_indirect_dma source(%arg7 : memref<128x16xf32, #tpu.memory_space<vmem>>) target(%dma_start3A_35 : memref<10016x16xf32, #tpu.memory_space<vmem_shared>>) offsets(%dma_start3A_32 : memref<128xi32, #tpu.memory_space<vmem>>) semaphore(%run_scoped3A : memref<!tpu.dma_semaphore, #tpu.memory_space<semaphore_mem>>) {add = true}
        %dma_wait3A = arith.constant 0 : i32
        %dma_wait3A_36 = tpu.memref_slice %arg6[%scan3A_30, %dma_wait3A] : memref<80x128xi32, #tpu.memory_space<vmem>> -> memref<1x128xi32, #tpu.memory_space<vmem>>
        %dma_wait3A_37 = tpu.memref_squeeze %dma_wait3A_36 : memref<1x128xi32, #tpu.memory_space<vmem>> -> memref<128xi32, #tpu.memory_space<vmem>>
        %dma_wait3A_38 = arith.constant 0 : i32
        %dma_wait3A_39 = arith.constant 0 : i32
        %dma_wait3A_40 = tpu.memref_slice %arg8[%dma_wait3A_38, %dma_wait3A_39] : memref<10016x16xf32, #tpu.memory_space<vmem_shared>> -> memref<10016x16xf32, #tpu.memory_space<vmem_shared>>
        tpu.wait_indirect_dma semaphore(%run_scoped3A : memref<!tpu.dma_semaphore, #tpu.memory_space<semaphore_mem>>) src(%arg7 : memref<128x16xf32, #tpu.memory_space<vmem>>) dst(%dma_wait3A_40 : memref<10016x16xf32, #tpu.memory_space<vmem_shared>>)
        tpu.yield
      }) : () -> ()
    }
    %scan3A_18 = arith.constant 80 : i32
    %barrier3A_19 = arith.constant 0 : index
    tpu.barrier barrier_id(%barrier3A_19)
    %lt3A_20 = arith.constant 15 : i32
    %lt3A_21 = arith.cmpi slt, %arg1, %lt3A_20 : i32
    %convert_element_type3A_22 = arith.extui %lt3A_21 : i1 to i32
    %cond3A_23 = arith.constant 0 : i32
    %cond3A_24 = arith.cmpi ne, %convert_element_type3A_22, %cond3A_23 : i32
    scf.if %cond3A_24 {
      %mul3A_30 = arith.constant 632 : i32
      %mul3A_31 = arith.muli %arg1, %mul3A_30 : i32
      %mul3A_32 = arith.constant 10000 : i32
      %mul3A_33 = arith.muli %arg0, %mul3A_32 : i32
      %mul3A_34 = arith.constant 632 : i32
      %mul3A_35 = arith.muli %arg1, %mul3A_34 : i32
      %add3A_36 = arith.addi %mul3A_33, %mul3A_35 : i32
      "tpu.region"() ({
        %run_scoped3A = tpu.sem_alloc : memref<!tpu.dma_semaphore, #tpu.memory_space<semaphore_mem>>
        %dma_start3A = arith.constant 0 : i32
        %dma_start3A_37 = tpu.memref_slice %arg5[%add3A_36, %dma_start3A] : memref<20000x16xf32, #tpu.memory_space<hbm>> -> memref<632x16xf32, #tpu.memory_space<hbm>>
        %dma_start3A_38 = arith.constant 0 : i32
        %dma_start3A_39 = tpu.memref_slice %arg8[%mul3A_31, %dma_start3A_38] : memref<10016x16xf32, #tpu.memory_space<vmem_shared>> -> memref<632x16xf32, #tpu.memory_space<vmem_shared>>
        tpu.enqueue_dma source(%dma_start3A_39 : memref<632x16xf32, #tpu.memory_space<vmem_shared>>) target(%dma_start3A_37 : memref<632x16xf32, #tpu.memory_space<hbm>>) target_semaphore(%run_scoped3A : memref<!tpu.dma_semaphore, #tpu.memory_space<semaphore_mem>>)
        %dma_wait3A = arith.constant 0 : i32
        %dma_wait3A_40 = tpu.memref_slice %arg5[%add3A_36, %dma_wait3A] : memref<20000x16xf32, #tpu.memory_space<hbm>> -> memref<632x16xf32, #tpu.memory_space<hbm>>
        %dma_wait3A_41 = arith.constant 0 : i32
        %dma_wait3A_42 = tpu.memref_slice %arg8[%mul3A_31, %dma_wait3A_41] : memref<10016x16xf32, #tpu.memory_space<vmem_shared>> -> memref<632x16xf32, #tpu.memory_space<vmem_shared>>
        tpu.wait_dma2 semaphore(%run_scoped3A : memref<!tpu.dma_semaphore, #tpu.memory_space<semaphore_mem>>) src(%dma_wait3A_42 : memref<632x16xf32, #tpu.memory_space<vmem_shared>>) dst(%dma_wait3A_40 : memref<632x16xf32, #tpu.memory_space<hbm>>)
        tpu.yield
      }) : () -> ()
    } else {
    }
    %eq3A_25 = arith.constant 15 : i32
    %eq3A_26 = arith.cmpi eq, %arg1, %eq3A_25 : i32
    %convert_element_type3A_27 = arith.extui %eq3A_26 : i1 to i32
    %cond3A_28 = arith.constant 0 : i32
    %cond3A_29 = arith.cmpi ne, %convert_element_type3A_27, %cond3A_28 : i32
    scf.if %cond3A_29 {
      %mul3A_30 = arith.constant 10000 : i32
      %mul3A_31 = arith.muli %arg0, %mul3A_30 : i32
      %add3A_32 = arith.constant 9480 : i32
      %add3A_33 = arith.addi %mul3A_31, %add3A_32 : i32
      "tpu.region"() ({
        %run_scoped3A = tpu.sem_alloc : memref<!tpu.dma_semaphore, #tpu.memory_space<semaphore_mem>>
        %dma_start3A = arith.constant 0 : i32
        %dma_start3A_34 = tpu.memref_slice %arg5[%add3A_33, %dma_start3A] : memref<20000x16xf32, #tpu.memory_space<hbm>> -> memref<520x16xf32, #tpu.memory_space<hbm>>
        %dma_start3A_35 = arith.constant 9480 : i32
        %dma_start3A_36 = arith.constant 0 : i32
        %dma_start3A_37 = tpu.memref_slice %arg8[%dma_start3A_35, %dma_start3A_36] : memref<10016x16xf32, #tpu.memory_space<vmem_shared>> -> memref<520x16xf32, #tpu.memory_space<vmem_shared>>
        tpu.enqueue_dma source(%dma_start3A_37 : memref<520x16xf32, #tpu.memory_space<vmem_shared>>) target(%dma_start3A_34 : memref<520x16xf32, #tpu.memory_space<hbm>>) target_semaphore(%run_scoped3A : memref<!tpu.dma_semaphore, #tpu.memory_space<semaphore_mem>>)
        %dma_wait3A = arith.constant 0 : i32
        %dma_wait3A_38 = tpu.memref_slice %arg5[%add3A_33, %dma_wait3A] : memref<20000x16xf32, #tpu.memory_space<hbm>> -> memref<520x16xf32, #tpu.memory_space<hbm>>
        %dma_wait3A_39 = arith.constant 9480 : i32
        %dma_wait3A_40 = arith.constant 0 : i32
        %dma_wait3A_41 = tpu.memref_slice %arg8[%dma_wait3A_39, %dma_wait3A_40] : memref<10016x16xf32, #tpu.memory_space<vmem_shared>> -> memref<520x16xf32, #tpu.memory_space<vmem_shared>>
        tpu.wait_dma2 semaphore(%run_scoped3A : memref<!tpu.dma_semaphore, #tpu.memory_space<semaphore_mem>>) src(%dma_wait3A_41 : memref<520x16xf32, #tpu.memory_space<vmem_shared>>) dst(%dma_wait3A_38 : memref<520x16xf32, #tpu.memory_space<hbm>>)
        tpu.yield
      }) : () -> ()
    } else {
    }
    return
  }
}

#map = affine_map<(d0, d1) -> (0, 0)>
module attributes {stable_mosaic.version = 14 : i64} {
  func.func @seg(%arg0: i32, %arg1: i32, %arg2: memref<10000x128xf32, #tpu.memory_space<hbm>>, %arg3: memref<2560x128xi32, #tpu.memory_space<hbm>>, %arg4: memref<2560x128xi32, #tpu.memory_space<hbm>>, %arg5: memref<632x128xf32, #tpu.memory_space<hbm>>, %arg6: memref<20000x128xf32, #tpu.memory_space<hbm>>, %arg7: memref<80x128xi32, #tpu.memory_space<vmem>>, %arg8: memref<80x128xi32, #tpu.memory_space<vmem>>, %arg9: memref<128x128xf32, #tpu.memory_space<vmem>>, %arg10: memref<!tpu.dma_semaphore, #tpu.memory_space<semaphore_mem>>, %arg11: memref<!tpu.dma_semaphore, #tpu.memory_space<semaphore_mem>>, %arg12: memref<10016x128xf32, #tpu.memory_space<vmem_shared>>) attributes {dimension_semantics = [#tpu.dimension_semantics<core_parallel>, #tpu.dimension_semantics<subcore_parallel>], iteration_bounds = array<i64: 2, 16>, scalar_prefetch = 0 : i64, scratch_operands = 6 : i64, tpu.core_type = #tpu.core_type<sc_vector_subcore>, window_params = [{transform_indices = #map}, {transform_indices = #map}, {transform_indices = #map}, {transform_indices = #map}, {transform_indices = #map}]} {
    %mul3A = arith.constant 2 : i32
    %mul3A_0 = arith.muli %arg1, %mul3A : i32
    %add3A = arith.addi %mul3A_0, %arg0 : i32
    %mul3A_1 = arith.constant 80 : i32
    %mul3A_2 = arith.muli %add3A, %mul3A_1 : i32
    "tpu.region"() ({
      %run_scoped3A = tpu.sem_alloc : memref<!tpu.dma_semaphore, #tpu.memory_space<semaphore_mem>>
      %dma_start3A = arith.constant 0 : i32
      %dma_start3A_32 = tpu.memref_slice %arg3[%mul3A_2, %dma_start3A] : memref<2560x128xi32, #tpu.memory_space<hbm>> -> memref<80x128xi32, #tpu.memory_space<hbm>>
      %dma_start3A_33 = arith.constant 0 : i32
      %dma_start3A_34 = tpu.memref_slice %arg3[%mul3A_2, %dma_start3A_33] : memref<2560x128xi32, #tpu.memory_space<hbm>> -> memref<80x128xi32, #tpu.memory_space<hbm>>
      tpu.enqueue_dma source(%dma_start3A_34 : memref<80x128xi32, #tpu.memory_space<hbm>>) target(%arg7 : memref<80x128xi32, #tpu.memory_space<vmem>>) target_semaphore(%run_scoped3A : memref<!tpu.dma_semaphore, #tpu.memory_space<semaphore_mem>>)
      %dma_wait3A = arith.constant 0 : i32
      %dma_wait3A_35 = tpu.memref_slice %arg3[%mul3A_2, %dma_wait3A] : memref<2560x128xi32, #tpu.memory_space<hbm>> -> memref<80x128xi32, #tpu.memory_space<hbm>>
      %dma_wait3A_36 = arith.constant 0 : i32
      %dma_wait3A_37 = tpu.memref_slice %arg3[%mul3A_2, %dma_wait3A_36] : memref<2560x128xi32, #tpu.memory_space<hbm>> -> memref<80x128xi32, #tpu.memory_space<hbm>>
      tpu.wait_dma2 semaphore(%run_scoped3A : memref<!tpu.dma_semaphore, #tpu.memory_space<semaphore_mem>>) src(%dma_wait3A_37 : memref<80x128xi32, #tpu.memory_space<hbm>>) dst(%arg7 : memref<80x128xi32, #tpu.memory_space<vmem>>)
      tpu.yield
    }) : () -> ()
    %mul3A_3 = arith.constant 80 : i32
    %mul3A_4 = arith.muli %add3A, %mul3A_3 : i32
    "tpu.region"() ({
      %run_scoped3A = tpu.sem_alloc : memref<!tpu.dma_semaphore, #tpu.memory_space<semaphore_mem>>
      %dma_start3A = arith.constant 0 : i32
      %dma_start3A_32 = tpu.memref_slice %arg4[%mul3A_4, %dma_start3A] : memref<2560x128xi32, #tpu.memory_space<hbm>> -> memref<80x128xi32, #tpu.memory_space<hbm>>
      %dma_start3A_33 = arith.constant 0 : i32
      %dma_start3A_34 = tpu.memref_slice %arg4[%mul3A_4, %dma_start3A_33] : memref<2560x128xi32, #tpu.memory_space<hbm>> -> memref<80x128xi32, #tpu.memory_space<hbm>>
      tpu.enqueue_dma source(%dma_start3A_34 : memref<80x128xi32, #tpu.memory_space<hbm>>) target(%arg8 : memref<80x128xi32, #tpu.memory_space<vmem>>) target_semaphore(%run_scoped3A : memref<!tpu.dma_semaphore, #tpu.memory_space<semaphore_mem>>)
      %dma_wait3A = arith.constant 0 : i32
      %dma_wait3A_35 = tpu.memref_slice %arg4[%mul3A_4, %dma_wait3A] : memref<2560x128xi32, #tpu.memory_space<hbm>> -> memref<80x128xi32, #tpu.memory_space<hbm>>
      %dma_wait3A_36 = arith.constant 0 : i32
      %dma_wait3A_37 = tpu.memref_slice %arg4[%mul3A_4, %dma_wait3A_36] : memref<2560x128xi32, #tpu.memory_space<hbm>> -> memref<80x128xi32, #tpu.memory_space<hbm>>
      tpu.wait_dma2 semaphore(%run_scoped3A : memref<!tpu.dma_semaphore, #tpu.memory_space<semaphore_mem>>) src(%dma_wait3A_37 : memref<80x128xi32, #tpu.memory_space<hbm>>) dst(%arg8 : memref<80x128xi32, #tpu.memory_space<vmem>>)
      tpu.yield
    }) : () -> ()
    %lt3A = arith.constant 15 : i32
    %lt3A_5 = arith.cmpi slt, %arg1, %lt3A : i32
    %convert_element_type3A = arith.extui %lt3A_5 : i1 to i32
    %cond3A = arith.constant 0 : i32
    %cond3A_6 = arith.cmpi ne, %convert_element_type3A, %cond3A : i32
    scf.if %cond3A_6 {
      %mul3A_32 = arith.constant 632 : i32
      %mul3A_33 = arith.muli %arg1, %mul3A_32 : i32
      "tpu.region"() ({
        %run_scoped3A = tpu.sem_alloc : memref<!tpu.dma_semaphore, #tpu.memory_space<semaphore_mem>>
        %dma_start3A = arith.constant 0 : i32
        %dma_start3A_34 = tpu.memref_slice %arg12[%mul3A_33, %dma_start3A] : memref<10016x128xf32, #tpu.memory_space<vmem_shared>> -> memref<632x128xf32, #tpu.memory_space<vmem_shared>>
        %dma_start3A_35 = arith.constant 0 : i32
        %dma_start3A_36 = arith.constant 0 : i32
        %dma_start3A_37 = tpu.memref_slice %arg5[%dma_start3A_35, %dma_start3A_36] : memref<632x128xf32, #tpu.memory_space<hbm>> -> memref<632x128xf32, #tpu.memory_space<hbm>>
        tpu.enqueue_dma source(%dma_start3A_37 : memref<632x128xf32, #tpu.memory_space<hbm>>) target(%dma_start3A_34 : memref<632x128xf32, #tpu.memory_space<vmem_shared>>) target_semaphore(%run_scoped3A : memref<!tpu.dma_semaphore, #tpu.memory_space<semaphore_mem>>)
        %dma_wait3A = arith.constant 0 : i32
        %dma_wait3A_38 = tpu.memref_slice %arg12[%mul3A_33, %dma_wait3A] : memref<10016x128xf32, #tpu.memory_space<vmem_shared>> -> memref<632x128xf32, #tpu.memory_space<vmem_shared>>
        %dma_wait3A_39 = arith.constant 0 : i32
        %dma_wait3A_40 = arith.constant 0 : i32
        %dma_wait3A_41 = tpu.memref_slice %arg5[%dma_wait3A_39, %dma_wait3A_40] : memref<632x128xf32, #tpu.memory_space<hbm>> -> memref<632x128xf32, #tpu.memory_space<hbm>>
        tpu.wait_dma2 semaphore(%run_scoped3A : memref<!tpu.dma_semaphore, #tpu.memory_space<semaphore_mem>>) src(%dma_wait3A_41 : memref<632x128xf32, #tpu.memory_space<hbm>>) dst(%dma_wait3A_38 : memref<632x128xf32, #tpu.memory_space<vmem_shared>>)
        tpu.yield
      }) : () -> ()
    } else {
    }
    %eq3A = arith.constant 15 : i32
    %eq3A_7 = arith.cmpi eq, %arg1, %eq3A : i32
    %convert_element_type3A_8 = arith.extui %eq3A_7 : i1 to i32
    %cond3A_9 = arith.constant 0 : i32
    %cond3A_10 = arith.cmpi ne, %convert_element_type3A_8, %cond3A_9 : i32
    scf.if %cond3A_10 {
      "tpu.region"() ({
        %run_scoped3A = tpu.sem_alloc : memref<!tpu.dma_semaphore, #tpu.memory_space<semaphore_mem>>
        %dma_start3A = arith.constant 9480 : i32
        %dma_start3A_32 = arith.constant 0 : i32
        %dma_start3A_33 = tpu.memref_slice %arg12[%dma_start3A, %dma_start3A_32] : memref<10016x128xf32, #tpu.memory_space<vmem_shared>> -> memref<520x128xf32, #tpu.memory_space<vmem_shared>>
        %dma_start3A_34 = arith.constant 0 : i32
        %dma_start3A_35 = arith.constant 0 : i32
        %dma_start3A_36 = tpu.memref_slice %arg5[%dma_start3A_34, %dma_start3A_35] : memref<632x128xf32, #tpu.memory_space<hbm>> -> memref<520x128xf32, #tpu.memory_space<hbm>>
        tpu.enqueue_dma source(%dma_start3A_36 : memref<520x128xf32, #tpu.memory_space<hbm>>) target(%dma_start3A_33 : memref<520x128xf32, #tpu.memory_space<vmem_shared>>) target_semaphore(%run_scoped3A : memref<!tpu.dma_semaphore, #tpu.memory_space<semaphore_mem>>)
        %dma_wait3A = arith.constant 9480 : i32
        %dma_wait3A_37 = arith.constant 0 : i32
        %dma_wait3A_38 = tpu.memref_slice %arg12[%dma_wait3A, %dma_wait3A_37] : memref<10016x128xf32, #tpu.memory_space<vmem_shared>> -> memref<520x128xf32, #tpu.memory_space<vmem_shared>>
        %dma_wait3A_39 = arith.constant 0 : i32
        %dma_wait3A_40 = arith.constant 0 : i32
        %dma_wait3A_41 = tpu.memref_slice %arg5[%dma_wait3A_39, %dma_wait3A_40] : memref<632x128xf32, #tpu.memory_space<hbm>> -> memref<520x128xf32, #tpu.memory_space<hbm>>
        tpu.wait_dma2 semaphore(%run_scoped3A : memref<!tpu.dma_semaphore, #tpu.memory_space<semaphore_mem>>) src(%dma_wait3A_41 : memref<520x128xf32, #tpu.memory_space<hbm>>) dst(%dma_wait3A_38 : memref<520x128xf32, #tpu.memory_space<vmem_shared>>)
        tpu.yield
      }) : () -> ()
    } else {
    }
    %eq3A_11 = arith.constant 0 : i32
    %eq3A_12 = arith.cmpi eq, %arg1, %eq3A_11 : i32
    %convert_element_type3A_13 = arith.extui %eq3A_12 : i1 to i32
    %cond3A_14 = arith.constant 0 : i32
    %cond3A_15 = arith.cmpi ne, %convert_element_type3A_13, %cond3A_14 : i32
    scf.if %cond3A_15 {
      "tpu.region"() ({
        %run_scoped3A = tpu.sem_alloc : memref<!tpu.dma_semaphore, #tpu.memory_space<semaphore_mem>>
        %dma_start3A = arith.constant 10000 : i32
        %dma_start3A_32 = arith.constant 0 : i32
        %dma_start3A_33 = tpu.memref_slice %arg12[%dma_start3A, %dma_start3A_32] : memref<10016x128xf32, #tpu.memory_space<vmem_shared>> -> memref<16x128xf32, #tpu.memory_space<vmem_shared>>
        %dma_start3A_34 = arith.constant 0 : i32
        %dma_start3A_35 = arith.constant 0 : i32
        %dma_start3A_36 = tpu.memref_slice %arg5[%dma_start3A_34, %dma_start3A_35] : memref<632x128xf32, #tpu.memory_space<hbm>> -> memref<16x128xf32, #tpu.memory_space<hbm>>
        tpu.enqueue_dma source(%dma_start3A_36 : memref<16x128xf32, #tpu.memory_space<hbm>>) target(%dma_start3A_33 : memref<16x128xf32, #tpu.memory_space<vmem_shared>>) target_semaphore(%run_scoped3A : memref<!tpu.dma_semaphore, #tpu.memory_space<semaphore_mem>>)
        %dma_wait3A = arith.constant 10000 : i32
        %dma_wait3A_37 = arith.constant 0 : i32
        %dma_wait3A_38 = tpu.memref_slice %arg12[%dma_wait3A, %dma_wait3A_37] : memref<10016x128xf32, #tpu.memory_space<vmem_shared>> -> memref<16x128xf32, #tpu.memory_space<vmem_shared>>
        %dma_wait3A_39 = arith.constant 0 : i32
        %dma_wait3A_40 = arith.constant 0 : i32
        %dma_wait3A_41 = tpu.memref_slice %arg5[%dma_wait3A_39, %dma_wait3A_40] : memref<632x128xf32, #tpu.memory_space<hbm>> -> memref<16x128xf32, #tpu.memory_space<hbm>>
        tpu.wait_dma2 semaphore(%run_scoped3A : memref<!tpu.dma_semaphore, #tpu.memory_space<semaphore_mem>>) src(%dma_wait3A_41 : memref<16x128xf32, #tpu.memory_space<hbm>>) dst(%dma_wait3A_38 : memref<16x128xf32, #tpu.memory_space<vmem_shared>>)
        tpu.yield
      }) : () -> ()
    } else {
    }
    %barrier3A = arith.constant 0 : index
    tpu.barrier barrier_id(%barrier3A)
    %scan3A = arith.constant 0 : i32
    %scan3A_16 = arith.constant 0 : i32
    %scan3A_17 = arith.constant 80 : i32
    %scan3A_18 = arith.addi %scan3A_16, %scan3A_17 : i32
    %scan3A_19 = arith.constant 1 : i32
    scf.for %scan3A_32 = %scan3A_16 to %scan3A_18 step %scan3A_19  : i32 {
      %dma_start3A = arith.constant 0 : i32
      %dma_start3A_33 = tpu.memref_slice %arg7[%scan3A_32, %dma_start3A] : memref<80x128xi32, #tpu.memory_space<vmem>> -> memref<1x128xi32, #tpu.memory_space<vmem>>
      %dma_start3A_34 = tpu.memref_squeeze %dma_start3A_33 : memref<1x128xi32, #tpu.memory_space<vmem>> -> memref<128xi32, #tpu.memory_space<vmem>>
      %dma_start3A_35 = arith.constant 0 : i32
      %dma_start3A_36 = arith.constant 0 : i32
      %dma_start3A_37 = tpu.memref_slice %arg2[%dma_start3A_35, %dma_start3A_36] : memref<10000x128xf32, #tpu.memory_space<hbm>> -> memref<10000x128xf32, #tpu.memory_space<hbm>>
      tpu.enqueue_indirect_dma source(%dma_start3A_37 : memref<10000x128xf32, #tpu.memory_space<hbm>>) target(%arg9 : memref<128x128xf32, #tpu.memory_space<vmem>>) offsets(%dma_start3A_34 : memref<128xi32, #tpu.memory_space<vmem>>) semaphore(%arg10 : memref<!tpu.dma_semaphore, #tpu.memory_space<semaphore_mem>>)
      %dma_wait3A = arith.constant 0 : i32
      %dma_wait3A_38 = tpu.memref_slice %arg7[%scan3A_32, %dma_wait3A] : memref<80x128xi32, #tpu.memory_space<vmem>> -> memref<1x128xi32, #tpu.memory_space<vmem>>
      %dma_wait3A_39 = tpu.memref_squeeze %dma_wait3A_38 : memref<1x128xi32, #tpu.memory_space<vmem>> -> memref<128xi32, #tpu.memory_space<vmem>>
      %dma_wait3A_40 = arith.constant 0 : i32
      %dma_wait3A_41 = arith.constant 0 : i32
      %dma_wait3A_42 = tpu.memref_slice %arg2[%dma_wait3A_40, %dma_wait3A_41] : memref<10000x128xf32, #tpu.memory_space<hbm>> -> memref<10000x128xf32, #tpu.memory_space<hbm>>
      tpu.wait_indirect_dma semaphore(%arg10 : memref<!tpu.dma_semaphore, #tpu.memory_space<semaphore_mem>>) src(%dma_wait3A_42 : memref<10000x128xf32, #tpu.memory_space<hbm>>) dst(%arg9 : memref<128x128xf32, #tpu.memory_space<vmem>>)
      "tpu.region"() ({
        %run_scoped3A = tpu.sem_alloc : memref<!tpu.dma_semaphore, #tpu.memory_space<semaphore_mem>>
        %dma_start3A_43 = arith.constant 0 : i32
        %dma_start3A_44 = tpu.memref_slice %arg8[%scan3A_32, %dma_start3A_43] : memref<80x128xi32, #tpu.memory_space<vmem>> -> memref<1x128xi32, #tpu.memory_space<vmem>>
        %dma_start3A_45 = tpu.memref_squeeze %dma_start3A_44 : memref<1x128xi32, #tpu.memory_space<vmem>> -> memref<128xi32, #tpu.memory_space<vmem>>
        %dma_start3A_46 = arith.constant 0 : i32
        %dma_start3A_47 = arith.constant 0 : i32
        %dma_start3A_48 = tpu.memref_slice %arg12[%dma_start3A_46, %dma_start3A_47] : memref<10016x128xf32, #tpu.memory_space<vmem_shared>> -> memref<10016x128xf32, #tpu.memory_space<vmem_shared>>
        tpu.enqueue_indirect_dma source(%arg9 : memref<128x128xf32, #tpu.memory_space<vmem>>) target(%dma_start3A_48 : memref<10016x128xf32, #tpu.memory_space<vmem_shared>>) offsets(%dma_start3A_45 : memref<128xi32, #tpu.memory_space<vmem>>) semaphore(%run_scoped3A : memref<!tpu.dma_semaphore, #tpu.memory_space<semaphore_mem>>) {add = true}
        %dma_wait3A_49 = arith.constant 0 : i32
        %dma_wait3A_50 = tpu.memref_slice %arg8[%scan3A_32, %dma_wait3A_49] : memref<80x128xi32, #tpu.memory_space<vmem>> -> memref<1x128xi32, #tpu.memory_space<vmem>>
        %dma_wait3A_51 = tpu.memref_squeeze %dma_wait3A_50 : memref<1x128xi32, #tpu.memory_space<vmem>> -> memref<128xi32, #tpu.memory_space<vmem>>
        %dma_wait3A_52 = arith.constant 0 : i32
        %dma_wait3A_53 = arith.constant 0 : i32
        %dma_wait3A_54 = tpu.memref_slice %arg12[%dma_wait3A_52, %dma_wait3A_53] : memref<10016x128xf32, #tpu.memory_space<vmem_shared>> -> memref<10016x128xf32, #tpu.memory_space<vmem_shared>>
        tpu.wait_indirect_dma semaphore(%run_scoped3A : memref<!tpu.dma_semaphore, #tpu.memory_space<semaphore_mem>>) src(%arg9 : memref<128x128xf32, #tpu.memory_space<vmem>>) dst(%dma_wait3A_54 : memref<10016x128xf32, #tpu.memory_space<vmem_shared>>)
        tpu.yield
      }) : () -> ()
    }
    %scan3A_20 = arith.constant 80 : i32
    %barrier3A_21 = arith.constant 0 : index
    tpu.barrier barrier_id(%barrier3A_21)
    %lt3A_22 = arith.constant 15 : i32
    %lt3A_23 = arith.cmpi slt, %arg1, %lt3A_22 : i32
    %convert_element_type3A_24 = arith.extui %lt3A_23 : i1 to i32
    %cond3A_25 = arith.constant 0 : i32
    %cond3A_26 = arith.cmpi ne, %convert_element_type3A_24, %cond3A_25 : i32
    scf.if %cond3A_26 {
      %mul3A_32 = arith.constant 632 : i32
      %mul3A_33 = arith.muli %arg1, %mul3A_32 : i32
      %mul3A_34 = arith.constant 10000 : i32
      %mul3A_35 = arith.muli %arg0, %mul3A_34 : i32
      %mul3A_36 = arith.constant 632 : i32
      %mul3A_37 = arith.muli %arg1, %mul3A_36 : i32
      %add3A_38 = arith.addi %mul3A_35, %mul3A_37 : i32
      "tpu.region"() ({
        %run_scoped3A = tpu.sem_alloc : memref<!tpu.dma_semaphore, #tpu.memory_space<semaphore_mem>>
        %dma_start3A = arith.constant 0 : i32
        %dma_start3A_39 = tpu.memref_slice %arg6[%add3A_38, %dma_start3A] : memref<20000x128xf32, #tpu.memory_space<hbm>> -> memref<632x128xf32, #tpu.memory_space<hbm>>
        %dma_start3A_40 = arith.constant 0 : i32
        %dma_start3A_41 = tpu.memref_slice %arg12[%mul3A_33, %dma_start3A_40] : memref<10016x128xf32, #tpu.memory_space<vmem_shared>> -> memref<632x128xf32, #tpu.memory_space<vmem_shared>>
        tpu.enqueue_dma source(%dma_start3A_41 : memref<632x128xf32, #tpu.memory_space<vmem_shared>>) target(%dma_start3A_39 : memref<632x128xf32, #tpu.memory_space<hbm>>) target_semaphore(%run_scoped3A : memref<!tpu.dma_semaphore, #tpu.memory_space<semaphore_mem>>)
        %dma_wait3A = arith.constant 0 : i32
        %dma_wait3A_42 = tpu.memref_slice %arg6[%add3A_38, %dma_wait3A] : memref<20000x128xf32, #tpu.memory_space<hbm>> -> memref<632x128xf32, #tpu.memory_space<hbm>>
        %dma_wait3A_43 = arith.constant 0 : i32
        %dma_wait3A_44 = tpu.memref_slice %arg12[%mul3A_33, %dma_wait3A_43] : memref<10016x128xf32, #tpu.memory_space<vmem_shared>> -> memref<632x128xf32, #tpu.memory_space<vmem_shared>>
        tpu.wait_dma2 semaphore(%run_scoped3A : memref<!tpu.dma_semaphore, #tpu.memory_space<semaphore_mem>>) src(%dma_wait3A_44 : memref<632x128xf32, #tpu.memory_space<vmem_shared>>) dst(%dma_wait3A_42 : memref<632x128xf32, #tpu.memory_space<hbm>>)
        tpu.yield
      }) : () -> ()
    } else {
    }
    %eq3A_27 = arith.constant 15 : i32
    %eq3A_28 = arith.cmpi eq, %arg1, %eq3A_27 : i32
    %convert_element_type3A_29 = arith.extui %eq3A_28 : i1 to i32
    %cond3A_30 = arith.constant 0 : i32
    %cond3A_31 = arith.cmpi ne, %convert_element_type3A_29, %cond3A_30 : i32
    scf.if %cond3A_31 {
      %mul3A_32 = arith.constant 10000 : i32
      %mul3A_33 = arith.muli %arg0, %mul3A_32 : i32
      %add3A_34 = arith.constant 9480 : i32
      %add3A_35 = arith.addi %mul3A_33, %add3A_34 : i32
      "tpu.region"() ({
        %run_scoped3A = tpu.sem_alloc : memref<!tpu.dma_semaphore, #tpu.memory_space<semaphore_mem>>
        %dma_start3A = arith.constant 0 : i32
        %dma_start3A_36 = tpu.memref_slice %arg6[%add3A_35, %dma_start3A] : memref<20000x128xf32, #tpu.memory_space<hbm>> -> memref<520x128xf32, #tpu.memory_space<hbm>>
        %dma_start3A_37 = arith.constant 9480 : i32
        %dma_start3A_38 = arith.constant 0 : i32
        %dma_start3A_39 = tpu.memref_slice %arg12[%dma_start3A_37, %dma_start3A_38] : memref<10016x128xf32, #tpu.memory_space<vmem_shared>> -> memref<520x128xf32, #tpu.memory_space<vmem_shared>>
        tpu.enqueue_dma source(%dma_start3A_39 : memref<520x128xf32, #tpu.memory_space<vmem_shared>>) target(%dma_start3A_36 : memref<520x128xf32, #tpu.memory_space<hbm>>) target_semaphore(%run_scoped3A : memref<!tpu.dma_semaphore, #tpu.memory_space<semaphore_mem>>)
        %dma_wait3A = arith.constant 0 : i32
        %dma_wait3A_40 = tpu.memref_slice %arg6[%add3A_35, %dma_wait3A] : memref<20000x128xf32, #tpu.memory_space<hbm>> -> memref<520x128xf32, #tpu.memory_space<hbm>>
        %dma_wait3A_41 = arith.constant 9480 : i32
        %dma_wait3A_42 = arith.constant 0 : i32
        %dma_wait3A_43 = tpu.memref_slice %arg12[%dma_wait3A_41, %dma_wait3A_42] : memref<10016x128xf32, #tpu.memory_space<vmem_shared>> -> memref<520x128xf32, #tpu.memory_space<vmem_shared>>
        tpu.wait_dma2 semaphore(%run_scoped3A : memref<!tpu.dma_semaphore, #tpu.memory_space<semaphore_mem>>) src(%dma_wait3A_43 : memref<520x128xf32, #tpu.memory_space<vmem_shared>>) dst(%dma_wait3A_40 : memref<520x128xf32, #tpu.memory_space<hbm>>)
        tpu.yield
      }) : () -> ()
    } else {
    }
    return
  }
}

module attributes {stable_mosaic.version = 14 : i64} {
  func.func @body(%arg0: i32, %arg1: memref<2000x16xf32, #tpu.memory_space<vmem>>, %arg2: memref<2000x16xf32, #tpu.memory_space<vmem>>, %arg3: memref<2000x128xf32, #tpu.memory_space<vmem>>, %arg4: memref<128x64xf32, #tpu.memory_space<vmem>>, %arg5: memref<1x64xf32, #tpu.memory_space<vmem>>, %arg6: memref<2000x64xf32, #tpu.memory_space<vmem>>, %arg7: memref<2000x64xf32, #tpu.memory_space<vmem>>, %arg8: memref<2000x16xf32, #tpu.memory_space<vmem>>) attributes {dimension_semantics = [#tpu.dimension_semantics<arbitrary>], iteration_bounds = array<i64: 5>, scalar_prefetch = 0 : i64, scratch_operands = 0 : i64, tpu.core_type = #tpu.core_type<tc>, window_params = [{transform_indices = @transform_0, window_bounds = array<i64: 2000, 16>}, {transform_indices = @transform_1, window_bounds = array<i64: 2000, 16>}, {transform_indices = @transform_2, window_bounds = array<i64: 2000, 128>}, {pipeline_mode = #tpu.pipeline_mode<synchronous>, transform_indices = @transform_3, window_bounds = array<i64: 128, 64>}, {pipeline_mode = #tpu.pipeline_mode<synchronous>, transform_indices = @transform_4, window_bounds = array<i64: 1, 64>}, {transform_indices = @transform_5, window_bounds = array<i64: 2000, 64>}, {transform_indices = @transform_6, window_bounds = array<i64: 2000, 64>}, {transform_indices = @transform_7, window_bounds = array<i64: 2000, 16>}]} {
    %get3A = arith.constant 0 : index
    %get3A_0 = arith.constant 0 : index
    %get3A_1 = vector.load %arg1[%get3A, %get3A_0] : memref<2000x16xf32, #tpu.memory_space<vmem>>, vector<2000x1xf32>
    %get3A_2 = arith.constant 0 : index
    %get3A_3 = arith.constant 0 : index
    %get3A_4 = vector.load %arg2[%get3A_2, %get3A_3] : memref<2000x16xf32, #tpu.memory_space<vmem>>, vector<2000x1xf32>
    %add3A = arith.addf %get3A_1, %get3A_4 : vector<2000x1xf32>
    %max3A = arith.constant 1.000000e+00 : f32
    %max3A_5 = vector.broadcast %max3A : f32 to vector<2000x1xf32>
    %max3A_6 = arith.maximumf %add3A, %max3A_5 : vector<2000x1xf32>
    %rsqrt3A = math.rsqrt %max3A_6 : vector<2000x1xf32>
    %get3A_7 = arith.constant 0 : index
    %get3A_8 = arith.constant 0 : index
    %get3A_9 = vector.load %arg3[%get3A_7, %get3A_8] : memref<2000x128xf32, #tpu.memory_space<vmem>>, vector<2000x128xf32>
    %get3A_10 = arith.constant 0 : index
    %get3A_11 = arith.constant 0 : index
    %get3A_12 = vector.load %arg4[%get3A_10, %get3A_11] : memref<128x64xf32, #tpu.memory_space<vmem>>, vector<128x64xf32>
    %dot_general3A = arith.constant dense<0.000000e+00> : vector<2000x64xf32>
    %dot_general3A_13 = tpu.matmul %get3A_9, %get3A_12, %dot_general3A {dimension_numbers = #tpu.dot_dimension_numbers<[1], [0], [0], [1], [0, 0, 1, 1], [], []>, transpose_lhs_hint = false} : vector<2000x128xf32>, vector<128x64xf32>, vector<2000x64xf32> -> vector<2000x64xf32>
    %get3A_14 = arith.constant 0 : index
    %get3A_15 = arith.constant 0 : index
    %get3A_16 = vector.load %arg5[%get3A_14, %get3A_15] : memref<1x64xf32, #tpu.memory_space<vmem>>, vector<1x64xf32>
    %add3A_17 = vector.broadcast %get3A_16 : vector<1x64xf32> to vector<2000x64xf32>
    %add3A_18 = arith.addf %dot_general3A_13, %add3A_17 : vector<2000x64xf32>
    %max3A_19 = arith.constant 0.000000e+00 : f32
    %max3A_20 = vector.broadcast %max3A_19 : f32 to vector<2000x64xf32>
    %max3A_21 = arith.maximumf %add3A_18, %max3A_20 : vector<2000x64xf32>
    %swap3A = arith.constant 0 : index
    %swap3A_22 = arith.constant 0 : index
    %swap3A_23 = vector.load %arg6[%swap3A, %swap3A_22] : memref<2000x64xf32, #tpu.memory_space<vmem>>, vector<2000x64xf32>
    tpu.vector_store %arg6[%swap3A, %swap3A_22], %max3A_21 {strides = array<i32>} : memref<2000x64xf32, #tpu.memory_space<vmem>>, vector<2000x64xf32>,
    %mul3A = vector.broadcast %rsqrt3A : vector<2000x1xf32> to vector<2000x64xf32>
    %mul3A_24 = arith.mulf %max3A_21, %mul3A : vector<2000x64xf32>
    %swap3A_25 = arith.constant 0 : index
    %swap3A_26 = arith.constant 0 : index
    %swap3A_27 = vector.load %arg7[%swap3A_25, %swap3A_26] : memref<2000x64xf32, #tpu.memory_space<vmem>>, vector<2000x64xf32>
    tpu.vector_store %arg7[%swap3A_25, %swap3A_26], %mul3A_24 {strides = array<i32>} : memref<2000x64xf32, #tpu.memory_space<vmem>>, vector<2000x64xf32>,
    %broadcast_in_dim3A = vector.shape_cast %rsqrt3A : vector<2000x1xf32> to vector<2000x1xf32>
    %broadcast_in_dim3A_28 = vector.broadcast %broadcast_in_dim3A : vector<2000x1xf32> to vector<2000x16xf32>
    %swap3A_29 = arith.constant 0 : index
    %swap3A_30 = arith.constant 0 : index
    %swap3A_31 = vector.load %arg8[%swap3A_29, %swap3A_30] : memref<2000x16xf32, #tpu.memory_space<vmem>>, vector<2000x16xf32>
    tpu.vector_store %arg8[%swap3A_29, %swap3A_30], %broadcast_in_dim3A_28 {strides = array<i32>} : memref<2000x16xf32, #tpu.memory_space<vmem>>, vector<2000x16xf32>,
    return
  }
  func.func @transform_0(%arg0: i32) -> (i32, i32) {
    %c0_i32 = arith.constant 0 : i32
    %c0_i32_0 = arith.constant 0 : i32
    return %arg0, %c0_i32 : i32, i32
  }
  func.func @transform_1(%arg0: i32) -> (i32, i32) {
    %add3A = arith.constant 5 : i32
    %add3A_0 = arith.addi %arg0, %add3A : i32
    %c0_i32 = arith.constant 0 : i32
    %c0_i32_1 = arith.constant 0 : i32
    return %add3A_0, %c0_i32 : i32, i32
  }
  func.func @transform_2(%arg0: i32) -> (i32, i32) {
    %c0_i32 = arith.constant 0 : i32
    %c0_i32_0 = arith.constant 0 : i32
    return %arg0, %c0_i32 : i32, i32
  }
  func.func @transform_3(%arg0: i32) -> (i32, i32) {
    %c0_i32 = arith.constant 0 : i32
    %c0_i32_0 = arith.constant 0 : i32
    %c0_i32_1 = arith.constant 0 : i32
    return %c0_i32, %c0_i32_0 : i32, i32
  }
  func.func @transform_4(%arg0: i32) -> (i32, i32) {
    %c0_i32 = arith.constant 0 : i32
    %c0_i32_0 = arith.constant 0 : i32
    %c0_i32_1 = arith.constant 0 : i32
    return %c0_i32, %c0_i32_0 : i32, i32
  }
  func.func @transform_5(%arg0: i32) -> (i32, i32) {
    %c0_i32 = arith.constant 0 : i32
    %c0_i32_0 = arith.constant 0 : i32
    return %arg0, %c0_i32 : i32, i32
  }
  func.func @transform_6(%arg0: i32) -> (i32, i32) {
    %c0_i32 = arith.constant 0 : i32
    %c0_i32_0 = arith.constant 0 : i32
    return %arg0, %c0_i32 : i32, i32
  }
  func.func @transform_7(%arg0: i32) -> (i32, i32) {
    %c0_i32 = arith.constant 0 : i32
    %c0_i32_0 = arith.constant 0 : i32
    return %arg0, %c0_i32 : i32, i32
  }
}

module attributes {stable_mosaic.version = 14 : i64} {
  func.func @body(%arg0: i32, %arg1: memref<2000x64xf32, #tpu.memory_space<vmem>>, %arg2: memref<2000x64xf32, #tpu.memory_space<vmem>>, %arg3: memref<2000x64xf32, #tpu.memory_space<vmem>>, %arg4: memref<2000x16xf32, #tpu.memory_space<vmem>>, %arg5: memref<2000x64xf32, #tpu.memory_space<vmem>>, %arg6: memref<2000x64xf32, #tpu.memory_space<vmem>>) attributes {dimension_semantics = [#tpu.dimension_semantics<arbitrary>], iteration_bounds = array<i64: 5>, scalar_prefetch = 0 : i64, scratch_operands = 0 : i64, tpu.core_type = #tpu.core_type<tc>, window_params = [{transform_indices = @transform_0, window_bounds = array<i64: 2000, 64>}, {transform_indices = @transform_1, window_bounds = array<i64: 2000, 64>}, {transform_indices = @transform_2, window_bounds = array<i64: 2000, 64>}, {transform_indices = @transform_3, window_bounds = array<i64: 2000, 16>}, {transform_indices = @transform_4, window_bounds = array<i64: 2000, 64>}, {transform_indices = @transform_5, window_bounds = array<i64: 2000, 64>}]} {
    %get3A = arith.constant 0 : index
    %get3A_0 = arith.constant 0 : index
    %get3A_1 = vector.load %arg4[%get3A, %get3A_0] : memref<2000x16xf32, #tpu.memory_space<vmem>>, vector<2000x1xf32>
    %get3A_2 = arith.constant 0 : index
    %get3A_3 = arith.constant 0 : index
    %get3A_4 = vector.load %arg1[%get3A_2, %get3A_3] : memref<2000x64xf32, #tpu.memory_space<vmem>>, vector<2000x64xf32>
    %get3A_5 = arith.constant 0 : index
    %get3A_6 = arith.constant 0 : index
    %get3A_7 = vector.load %arg2[%get3A_5, %get3A_6] : memref<2000x64xf32, #tpu.memory_space<vmem>>, vector<2000x64xf32>
    %add3A = arith.addf %get3A_4, %get3A_7 : vector<2000x64xf32>
    %mul3A = vector.broadcast %get3A_1 : vector<2000x1xf32> to vector<2000x64xf32>
    %mul3A_8 = arith.mulf %add3A, %mul3A : vector<2000x64xf32>
    %swap3A = arith.constant 0 : index
    %swap3A_9 = arith.constant 0 : index
    %swap3A_10 = vector.load %arg5[%swap3A, %swap3A_9] : memref<2000x64xf32, #tpu.memory_space<vmem>>, vector<2000x64xf32>
    tpu.vector_store %arg5[%swap3A, %swap3A_9], %mul3A_8 {strides = array<i32>} : memref<2000x64xf32, #tpu.memory_space<vmem>>, vector<2000x64xf32>,
    %get3A_11 = arith.constant 0 : index
    %get3A_12 = arith.constant 0 : index
    %get3A_13 = vector.load %arg3[%get3A_11, %get3A_12] : memref<2000x64xf32, #tpu.memory_space<vmem>>, vector<2000x64xf32>
    %sub3A = arith.subf %get3A_13, %mul3A_8 : vector<2000x64xf32>
    %mul3A_14 = vector.broadcast %get3A_1 : vector<2000x1xf32> to vector<2000x64xf32>
    %mul3A_15 = arith.mulf %sub3A, %mul3A_14 : vector<2000x64xf32>
    %swap3A_16 = arith.constant 0 : index
    %swap3A_17 = arith.constant 0 : index
    %swap3A_18 = vector.load %arg6[%swap3A_16, %swap3A_17] : memref<2000x64xf32, #tpu.memory_space<vmem>>, vector<2000x64xf32>
    tpu.vector_store %arg6[%swap3A_16, %swap3A_17], %mul3A_15 {strides = array<i32>} : memref<2000x64xf32, #tpu.memory_space<vmem>>, vector<2000x64xf32>,
    return
  }
  func.func @transform_0(%arg0: i32) -> (i32, i32) {
    %c0_i32 = arith.constant 0 : i32
    %c0_i32_0 = arith.constant 0 : i32
    return %arg0, %c0_i32 : i32, i32
  }
  func.func @transform_1(%arg0: i32) -> (i32, i32) {
    %add3A = arith.constant 5 : i32
    %add3A_0 = arith.addi %arg0, %add3A : i32
    %c0_i32 = arith.constant 0 : i32
    %c0_i32_1 = arith.constant 0 : i32
    return %add3A_0, %c0_i32 : i32, i32
  }
  func.func @transform_2(%arg0: i32) -> (i32, i32) {
    %c0_i32 = arith.constant 0 : i32
    %c0_i32_0 = arith.constant 0 : i32
    return %arg0, %c0_i32 : i32, i32
  }
  func.func @transform_3(%arg0: i32) -> (i32, i32) {
    %c0_i32 = arith.constant 0 : i32
    %c0_i32_0 = arith.constant 0 : i32
    return %arg0, %c0_i32 : i32, i32
  }
  func.func @transform_4(%arg0: i32) -> (i32, i32) {
    %c0_i32 = arith.constant 0 : i32
    %c0_i32_0 = arith.constant 0 : i32
    return %arg0, %c0_i32 : i32, i32
  }
  func.func @transform_5(%arg0: i32) -> (i32, i32) {
    %c0_i32 = arith.constant 0 : i32
    %c0_i32_0 = arith.constant 0 : i32
    return %arg0, %c0_i32 : i32, i32
  }
}

module attributes {stable_mosaic.version = 14 : i64} {
  func.func @body(%arg0: i32, %arg1: memref<2000x64xf32, #tpu.memory_space<vmem>>, %arg2: memref<2000x64xf32, #tpu.memory_space<vmem>>, %arg3: memref<2000x64xf32, #tpu.memory_space<vmem>>, %arg4: memref<2000x64xf32, #tpu.memory_space<vmem>>, %arg5: memref<2000x16xf32, #tpu.memory_space<vmem>>, %arg6: memref<2000x32xf32, #tpu.memory_space<vmem>>, %arg7: memref<64x64xf32, #tpu.memory_space<vmem>>, %arg8: memref<64x64xf32, #tpu.memory_space<vmem>>, %arg9: memref<64x64xf32, #tpu.memory_space<vmem>>, %arg10: memref<1x64xf32, #tpu.memory_space<vmem>>, %arg11: memref<64x32xf32, #tpu.memory_space<vmem>>, %arg12: memref<1x32xf32, #tpu.memory_space<vmem>>, %arg13: memref<32x128xf32, #tpu.memory_space<vmem>>, %arg14: memref<1x128xf32, #tpu.memory_space<vmem>>, %arg15: memref<2000x128xf32, #tpu.memory_space<vmem>>, %arg16: memref<2000x128xf32, #tpu.memory_space<vmem>>, %arg17: memref<1x1xf32, #tpu.memory_space<vmem>>) attributes {dimension_semantics = [#tpu.dimension_semantics<arbitrary>], iteration_bounds = array<i64: 5>, scalar_prefetch = 0 : i64, scratch_operands = 0 : i64, tpu.core_type = #tpu.core_type<tc>, window_params = [{transform_indices = @transform_0, window_bounds = array<i64: 2000, 64>}, {transform_indices = @transform_1, window_bounds = array<i64: 2000, 64>}, {transform_indices = @transform_2, window_bounds = array<i64: 2000, 64>}, {transform_indices = @transform_3, window_bounds = array<i64: 2000, 64>}, {transform_indices = @transform_4, window_bounds = array<i64: 2000, 16>}, {transform_indices = @transform_5, window_bounds = array<i64: 2000, 32>}, {pipeline_mode = #tpu.pipeline_mode<synchronous>, transform_indices = @transform_6, window_bounds = array<i64: 64, 64>}, {pipeline_mode = #tpu.pipeline_mode<synchronous>, transform_indices = @transform_7, window_bounds = array<i64: 64, 64>}, {pipeline_mode = #tpu.pipeline_mode<synchronous>, transform_indices = @transform_8, window_bounds = array<i64: 64, 64>}, {pipeline_mode = #tpu.pipeline_mode<synchronous>, transform_indices = @transform_9, window_bounds = array<i64: 1, 64>}, {pipeline_mode = #tpu.pipeline_mode<synchronous>, transform_indices = @transform_10, window_bounds = array<i64: 64, 32>}, {pipeline_mode = #tpu.pipeline_mode<synchronous>, transform_indices = @transform_11, window_bounds = array<i64: 1, 32>}, {pipeline_mode = #tpu.pipeline_mode<synchronous>, transform_indices = @transform_12, window_bounds = array<i64: 32, 128>}, {pipeline_mode = #tpu.pipeline_mode<synchronous>, transform_indices = @transform_13, window_bounds = array<i64: 1, 128>}, {transform_indices = @transform_14, window_bounds = array<i64: 2000, 128>}, {transform_indices = @transform_15, window_bounds = array<i64: 2000, 128>}, {pipeline_mode = #tpu.pipeline_mode<synchronous>, transform_indices = @transform_16, window_bounds = array<i64: 1, 1>}]} {
    %get3A = arith.constant 0 : index
    %get3A_0 = arith.constant 0 : index
    %get3A_1 = vector.load %arg5[%get3A, %get3A_0] : memref<2000x16xf32, #tpu.memory_space<vmem>>, vector<2000x1xf32>
    %get3A_2 = arith.constant 0 : index
    %get3A_3 = arith.constant 0 : index
    %get3A_4 = vector.load %arg1[%get3A_2, %get3A_3] : memref<2000x64xf32, #tpu.memory_space<vmem>>, vector<2000x64xf32>
    %get3A_5 = arith.constant 0 : index
    %get3A_6 = arith.constant 0 : index
    %get3A_7 = vector.load %arg2[%get3A_5, %get3A_6] : memref<2000x64xf32, #tpu.memory_space<vmem>>, vector<2000x64xf32>
    %add3A = arith.addf %get3A_4, %get3A_7 : vector<2000x64xf32>
    %mul3A = vector.broadcast %get3A_1 : vector<2000x1xf32> to vector<2000x64xf32>
    %mul3A_8 = arith.mulf %add3A, %mul3A : vector<2000x64xf32>
    %get3A_9 = arith.constant 0 : index
    %get3A_10 = arith.constant 0 : index
    %get3A_11 = vector.load %arg3[%get3A_9, %get3A_10] : memref<2000x64xf32, #tpu.memory_space<vmem>>, vector<2000x64xf32>
    %get3A_12 = arith.constant 0 : index
    %get3A_13 = arith.constant 0 : index
    %get3A_14 = vector.load %arg7[%get3A_12, %get3A_13] : memref<64x64xf32, #tpu.memory_space<vmem>>, vector<64x64xf32>
    %dot_general3A = arith.constant dense<0.000000e+00> : vector<2000x64xf32>
    %dot_general3A_15 = tpu.matmul %get3A_11, %get3A_14, %dot_general3A {dimension_numbers = #tpu.dot_dimension_numbers<[1], [0], [0], [1], [0, 0, 1, 1], [], []>, transpose_lhs_hint = false} : vector<2000x64xf32>, vector<64x64xf32>, vector<2000x64xf32> -> vector<2000x64xf32>
    %get3A_16 = arith.constant 0 : index
    %get3A_17 = arith.constant 0 : index
    %get3A_18 = vector.load %arg4[%get3A_16, %get3A_17] : memref<2000x64xf32, #tpu.memory_space<vmem>>, vector<2000x64xf32>
    %get3A_19 = arith.constant 0 : index
    %get3A_20 = arith.constant 0 : index
    %get3A_21 = vector.load %arg8[%get3A_19, %get3A_20] : memref<64x64xf32, #tpu.memory_space<vmem>>, vector<64x64xf32>
    %dot_general3A_22 = arith.constant dense<0.000000e+00> : vector<2000x64xf32>
    %dot_general3A_23 = tpu.matmul %get3A_18, %get3A_21, %dot_general3A_22 {dimension_numbers = #tpu.dot_dimension_numbers<[1], [0], [0], [1], [0, 0, 1, 1], [], []>, transpose_lhs_hint = false} : vector<2000x64xf32>, vector<64x64xf32>, vector<2000x64xf32> -> vector<2000x64xf32>
    %sub3A = arith.subf %dot_general3A_15, %dot_general3A_23 : vector<2000x64xf32>
    %get3A_24 = arith.constant 0 : index
    %get3A_25 = arith.constant 0 : index
    %get3A_26 = vector.load %arg9[%get3A_24, %get3A_25] : memref<64x64xf32, #tpu.memory_space<vmem>>, vector<64x64xf32>
    %dot_general3A_27 = arith.constant dense<0.000000e+00> : vector<2000x64xf32>
    %dot_general3A_28 = tpu.matmul %mul3A_8, %get3A_26, %dot_general3A_27 {dimension_numbers = #tpu.dot_dimension_numbers<[1], [0], [0], [1], [0, 0, 1, 1], [], []>, transpose_lhs_hint = false} : vector<2000x64xf32>, vector<64x64xf32>, vector<2000x64xf32> -> vector<2000x64xf32>
    %sub3A_29 = arith.subf %sub3A, %dot_general3A_28 : vector<2000x64xf32>
    %get3A_30 = arith.constant 0 : index
    %get3A_31 = arith.constant 0 : index
    %get3A_32 = vector.load %arg10[%get3A_30, %get3A_31] : memref<1x64xf32, #tpu.memory_space<vmem>>, vector<1x64xf32>
    %add3A_33 = vector.broadcast %get3A_32 : vector<1x64xf32> to vector<2000x64xf32>
    %add3A_34 = arith.addf %sub3A_29, %add3A_33 : vector<2000x64xf32>
    %get3A_35 = arith.constant 0 : index
    %get3A_36 = arith.constant 0 : index
    %get3A_37 = vector.load %arg11[%get3A_35, %get3A_36] : memref<64x32xf32, #tpu.memory_space<vmem>>, vector<64x32xf32>
    %dot_general3A_38 = arith.constant dense<0.000000e+00> : vector<2000x32xf32>
    %dot_general3A_39 = tpu.matmul %add3A_34, %get3A_37, %dot_general3A_38 {dimension_numbers = #tpu.dot_dimension_numbers<[1], [0], [0], [1], [0, 0, 1, 1], [], []>, transpose_lhs_hint = false} : vector<2000x64xf32>, vector<64x32xf32>, vector<2000x32xf32> -> vector<2000x32xf32>
    %get3A_40 = arith.constant 0 : index
    %get3A_41 = arith.constant 0 : index
    %get3A_42 = vector.load %arg12[%get3A_40, %get3A_41] : memref<1x32xf32, #tpu.memory_space<vmem>>, vector<1x32xf32>
    %add3A_43 = vector.broadcast %get3A_42 : vector<1x32xf32> to vector<2000x32xf32>
    %add3A_44 = arith.addf %dot_general3A_39, %add3A_43 : vector<2000x32xf32>
    %get3A_45 = arith.constant 0 : index
    %get3A_46 = arith.constant 0 : index
    %get3A_47 = vector.load %arg6[%get3A_45, %get3A_46] : memref<2000x32xf32, #tpu.memory_space<vmem>>, vector<2000x32xf32>
    %mul3A_48 = arith.constant 5.000000e-01 : f32
    %mul3A_49 = vector.broadcast %mul3A_48 : f32 to vector<2000x32xf32>
    %mul3A_50 = arith.mulf %add3A_44, %mul3A_49 : vector<2000x32xf32>
    %exp3A = math.exp %mul3A_50 : vector<2000x32xf32>
    %mul3A_51 = arith.mulf %get3A_47, %exp3A : vector<2000x32xf32>
    %add3A_52 = arith.addf %add3A_44, %mul3A_51 : vector<2000x32xf32>
    %get3A_53 = arith.constant 0 : index
    %get3A_54 = arith.constant 0 : index
    %get3A_55 = vector.load %arg13[%get3A_53, %get3A_54] : memref<32x128xf32, #tpu.memory_space<vmem>>, vector<32x128xf32>
    %dot_general3A_56 = arith.constant dense<0.000000e+00> : vector<2000x128xf32>
    %dot_general3A_57 = tpu.matmul %add3A_52, %get3A_55, %dot_general3A_56 {dimension_numbers = #tpu.dot_dimension_numbers<[1], [0], [0], [1], [0, 0, 1, 1], [], []>, transpose_lhs_hint = false} : vector<2000x32xf32>, vector<32x128xf32>, vector<2000x128xf32> -> vector<2000x128xf32>
    %get3A_58 = arith.constant 0 : index
    %get3A_59 = arith.constant 0 : index
    %get3A_60 = vector.load %arg14[%get3A_58, %get3A_59] : memref<1x128xf32, #tpu.memory_space<vmem>>, vector<1x128xf32>
    %add3A_61 = vector.broadcast %get3A_60 : vector<1x128xf32> to vector<2000x128xf32>
    %add3A_62 = arith.addf %dot_general3A_57, %add3A_61 : vector<2000x128xf32>
    %max3A = arith.constant 0.000000e+00 : f32
    %max3A_63 = vector.broadcast %max3A : f32 to vector<2000x128xf32>
    %max3A_64 = arith.maximumf %add3A_62, %max3A_63 : vector<2000x128xf32>
    %swap3A = arith.constant 0 : index
    %swap3A_65 = arith.constant 0 : index
    %swap3A_66 = vector.load %arg15[%swap3A, %swap3A_65] : memref<2000x128xf32, #tpu.memory_space<vmem>>, vector<2000x128xf32>
    tpu.vector_store %arg15[%swap3A, %swap3A_65], %max3A_64 {strides = array<i32>} : memref<2000x128xf32, #tpu.memory_space<vmem>>, vector<2000x128xf32>,
    %mul3A_67 = vector.broadcast %get3A_1 : vector<2000x1xf32> to vector<2000x128xf32>
    %mul3A_68 = arith.mulf %max3A_64, %mul3A_67 : vector<2000x128xf32>
    %swap3A_69 = arith.constant 0 : index
    %swap3A_70 = arith.constant 0 : index
    %swap3A_71 = vector.load %arg16[%swap3A_69, %swap3A_70] : memref<2000x128xf32, #tpu.memory_space<vmem>>, vector<2000x128xf32>
    tpu.vector_store %arg16[%swap3A_69, %swap3A_70], %mul3A_68 {strides = array<i32>} : memref<2000x128xf32, #tpu.memory_space<vmem>>, vector<2000x128xf32>,
    %eq3A = arith.constant 0 : i32
    %eq3A_72 = arith.cmpi eq, %arg0, %eq3A : i32
    %convert_element_type3A = arith.extui %eq3A_72 : i1 to i32
    %cond3A = arith.constant 0 : i32
    %cond3A_73 = arith.cmpi ne, %convert_element_type3A, %cond3A : i32
    scf.if %cond3A_73 {
      %broadcast_in_dim3A = arith.constant 0.000000e+00 : f32
      %broadcast_in_dim3A_92 = vector.broadcast %broadcast_in_dim3A : f32 to vector<1x1xf32>
      %swap3A_93 = arith.constant 0 : index
      %swap3A_94 = arith.constant 0 : index
      %swap3A_95 = vector.load %arg17[%swap3A_93, %swap3A_94] : memref<1x1xf32, #tpu.memory_space<vmem>>, vector<1x1xf32>
      tpu.vector_store %arg17[%swap3A_93, %swap3A_94], %broadcast_in_dim3A_92 {strides = array<i32>} : memref<1x1xf32, #tpu.memory_space<vmem>>, vector<1x1xf32>,
    } else {
    }
    %get3A_74 = arith.constant 0 : index
    %get3A_75 = arith.constant 0 : index
    %get3A_76 = vector.load %arg17[%get3A_74, %get3A_75] : memref<1x1xf32, #tpu.memory_space<vmem>>, vector<1x1xf32>
    %add3A_77 = arith.constant 1.000000e+00 : f32
    %add3A_78 = vector.broadcast %add3A_77 : f32 to vector<2000x32xf32>
    %add3A_79 = arith.addf %add3A_78, %add3A_44 : vector<2000x32xf32>
    %mul3A_80 = arith.mulf %add3A_44, %add3A_44 : vector<2000x32xf32>
    %sub3A_81 = arith.subf %add3A_79, %mul3A_80 : vector<2000x32xf32>
    %exp3A_82 = math.exp %add3A_44 : vector<2000x32xf32>
    %sub3A_83 = arith.subf %sub3A_81, %exp3A_82 : vector<2000x32xf32>
    %reduce_sum3A = vector.shape_cast %sub3A_83 : vector<2000x32xf32> to vector<1x2000x32xf32>
    %reduce_sum3A_84 = arith.constant dense<0.000000e+00> : vector<1xf32>
    %reduce_sum3A_85 = vector.multi_reduction <add>, %reduce_sum3A, %reduce_sum3A_84 [1, 2] : vector<1x2000x32xf32> to vector<1xf32>
    %reduce_sum3A_86 = vector.shape_cast %reduce_sum3A_85 : vector<1xf32> to vector<1x1x1xf32>
    %reduce_sum3A_87 = vector.extract %reduce_sum3A_86[0, 0, 0] : f32 from vector<1x1x1xf32>
    %reshape3A = vector.broadcast %reduce_sum3A_87 : f32 to vector<1x1xf32>
    %add3A_88 = arith.addf %get3A_76, %reshape3A : vector<1x1xf32>
    %swap3A_89 = arith.constant 0 : index
    %swap3A_90 = arith.constant 0 : index
    %swap3A_91 = vector.load %arg17[%swap3A_89, %swap3A_90] : memref<1x1xf32, #tpu.memory_space<vmem>>, vector<1x1xf32>
    tpu.vector_store %arg17[%swap3A_89, %swap3A_90], %add3A_88 {strides = array<i32>} : memref<1x1xf32, #tpu.memory_space<vmem>>, vector<1x1xf32>,
    return
  }
  func.func @transform_0(%arg0: i32) -> (i32, i32) {
    %c0_i32 = arith.constant 0 : i32
    %c0_i32_0 = arith.constant 0 : i32
    return %arg0, %c0_i32 : i32, i32
  }
  func.func @transform_1(%arg0: i32) -> (i32, i32) {
    %add3A = arith.constant 5 : i32
    %add3A_0 = arith.addi %arg0, %add3A : i32
    %c0_i32 = arith.constant 0 : i32
    %c0_i32_1 = arith.constant 0 : i32
    return %add3A_0, %c0_i32 : i32, i32
  }
  func.func @transform_2(%arg0: i32) -> (i32, i32) {
    %c0_i32 = arith.constant 0 : i32
    %c0_i32_0 = arith.constant 0 : i32
    return %arg0, %c0_i32 : i32, i32
  }
  func.func @transform_3(%arg0: i32) -> (i32, i32) {
    %c0_i32 = arith.constant 0 : i32
    %c0_i32_0 = arith.constant 0 : i32
    return %arg0, %c0_i32 : i32, i32
  }
  func.func @transform_4(%arg0: i32) -> (i32, i32) {
    %c0_i32 = arith.constant 0 : i32
    %c0_i32_0 = arith.constant 0 : i32
    return %arg0, %c0_i32 : i32, i32
  }
  func.func @transform_5(%arg0: i32) -> (i32, i32) {
    %c0_i32 = arith.constant 0 : i32
    %c0_i32_0 = arith.constant 0 : i32
    return %arg0, %c0_i32 : i32, i32
  }
  func.func @transform_6(%arg0: i32) -> (i32, i32) {
    %c0_i32 = arith.constant 0 : i32
    %c0_i32_0 = arith.constant 0 : i32
    %c0_i32_1 = arith.constant 0 : i32
    return %c0_i32, %c0_i32_0 : i32, i32
  }
  func.func @transform_7(%arg0: i32) -> (i32, i32) {
    %c0_i32 = arith.constant 0 : i32
    %c0_i32_0 = arith.constant 0 : i32
    %c0_i32_1 = arith.constant 0 : i32
    return %c0_i32, %c0_i32_0 : i32, i32
  }
  func.func @transform_8(%arg0: i32) -> (i32, i32) {
    %c0_i32 = arith.constant 0 : i32
    %c0_i32_0 = arith.constant 0 : i32
    %c0_i32_1 = arith.constant 0 : i32
    return %c0_i32, %c0_i32_0 : i32, i32
  }
  func.func @transform_9(%arg0: i32) -> (i32, i32) {
    %c0_i32 = arith.constant 0 : i32
    %c0_i32_0 = arith.constant 0 : i32
    %c0_i32_1 = arith.constant 0 : i32
    return %c0_i32, %c0_i32_0 : i32, i32
  }
  func.func @transform_10(%arg0: i32) -> (i32, i32) {
    %c0_i32 = arith.constant 0 : i32
    %c0_i32_0 = arith.constant 0 : i32
    %c0_i32_1 = arith.constant 0 : i32
    return %c0_i32, %c0_i32_0 : i32, i32
  }
  func.func @transform_11(%arg0: i32) -> (i32, i32) {
    %c0_i32 = arith.constant 0 : i32
    %c0_i32_0 = arith.constant 0 : i32
    %c0_i32_1 = arith.constant 0 : i32
    return %c0_i32, %c0_i32_0 : i32, i32
  }
  func.func @transform_12(%arg0: i32) -> (i32, i32) {
    %c0_i32 = arith.constant 0 : i32
    %c0_i32_0 = arith.constant 0 : i32
    %c0_i32_1 = arith.constant 0 : i32
    return %c0_i32, %c0_i32_0 : i32, i32
  }
  func.func @transform_13(%arg0: i32) -> (i32, i32) {
    %c0_i32 = arith.constant 0 : i32
    %c0_i32_0 = arith.constant 0 : i32
    %c0_i32_1 = arith.constant 0 : i32
    return %c0_i32, %c0_i32_0 : i32, i32
  }
  func.func @transform_14(%arg0: i32) -> (i32, i32) {
    %c0_i32 = arith.constant 0 : i32
    %c0_i32_0 = arith.constant 0 : i32
    return %arg0, %c0_i32 : i32, i32
  }
  func.func @transform_15(%arg0: i32) -> (i32, i32) {
    %c0_i32 = arith.constant 0 : i32
    %c0_i32_0 = arith.constant 0 : i32
    return %arg0, %c0_i32 : i32, i32
  }
  func.func @transform_16(%arg0: i32) -> (i32, i32) {
    %c0_i32 = arith.constant 0 : i32
    %c0_i32_0 = arith.constant 0 : i32
    %c0_i32_1 = arith.constant 0 : i32
    return %c0_i32, %c0_i32_0 : i32, i32
  }
}

module attributes {stable_mosaic.version = 14 : i64} {
  func.func @body(%arg0: i32, %arg1: memref<2000x128xf32, #tpu.memory_space<vmem>>, %arg2: memref<2000x128xf32, #tpu.memory_space<vmem>>, %arg3: memref<2000x128xf32, #tpu.memory_space<vmem>>, %arg4: memref<2000x16xf32, #tpu.memory_space<vmem>>, %arg5: memref<2000x128xf32, #tpu.memory_space<vmem>>, %arg6: memref<2000x128xf32, #tpu.memory_space<vmem>>) attributes {dimension_semantics = [#tpu.dimension_semantics<arbitrary>], iteration_bounds = array<i64: 5>, scalar_prefetch = 0 : i64, scratch_operands = 0 : i64, tpu.core_type = #tpu.core_type<tc>, window_params = [{transform_indices = @transform_0, window_bounds = array<i64: 2000, 128>}, {transform_indices = @transform_1, window_bounds = array<i64: 2000, 128>}, {transform_indices = @transform_2, window_bounds = array<i64: 2000, 128>}, {transform_indices = @transform_3, window_bounds = array<i64: 2000, 16>}, {transform_indices = @transform_4, window_bounds = array<i64: 2000, 128>}, {transform_indices = @transform_5, window_bounds = array<i64: 2000, 128>}]} {
    %get3A = arith.constant 0 : index
    %get3A_0 = arith.constant 0 : index
    %get3A_1 = vector.load %arg4[%get3A, %get3A_0] : memref<2000x16xf32, #tpu.memory_space<vmem>>, vector<2000x1xf32>
    %get3A_2 = arith.constant 0 : index
    %get3A_3 = arith.constant 0 : index
    %get3A_4 = vector.load %arg1[%get3A_2, %get3A_3] : memref<2000x128xf32, #tpu.memory_space<vmem>>, vector<2000x128xf32>
    %get3A_5 = arith.constant 0 : index
    %get3A_6 = arith.constant 0 : index
    %get3A_7 = vector.load %arg2[%get3A_5, %get3A_6] : memref<2000x128xf32, #tpu.memory_space<vmem>>, vector<2000x128xf32>
    %add3A = arith.addf %get3A_4, %get3A_7 : vector<2000x128xf32>
    %mul3A = vector.broadcast %get3A_1 : vector<2000x1xf32> to vector<2000x128xf32>
    %mul3A_8 = arith.mulf %add3A, %mul3A : vector<2000x128xf32>
    %swap3A = arith.constant 0 : index
    %swap3A_9 = arith.constant 0 : index
    %swap3A_10 = vector.load %arg5[%swap3A, %swap3A_9] : memref<2000x128xf32, #tpu.memory_space<vmem>>, vector<2000x128xf32>
    tpu.vector_store %arg5[%swap3A, %swap3A_9], %mul3A_8 {strides = array<i32>} : memref<2000x128xf32, #tpu.memory_space<vmem>>, vector<2000x128xf32>,
    %get3A_11 = arith.constant 0 : index
    %get3A_12 = arith.constant 0 : index
    %get3A_13 = vector.load %arg3[%get3A_11, %get3A_12] : memref<2000x128xf32, #tpu.memory_space<vmem>>, vector<2000x128xf32>
    %sub3A = arith.subf %get3A_13, %mul3A_8 : vector<2000x128xf32>
    %mul3A_14 = vector.broadcast %get3A_1 : vector<2000x1xf32> to vector<2000x128xf32>
    %mul3A_15 = arith.mulf %sub3A, %mul3A_14 : vector<2000x128xf32>
    %swap3A_16 = arith.constant 0 : index
    %swap3A_17 = arith.constant 0 : index
    %swap3A_18 = vector.load %arg6[%swap3A_16, %swap3A_17] : memref<2000x128xf32, #tpu.memory_space<vmem>>, vector<2000x128xf32>
    tpu.vector_store %arg6[%swap3A_16, %swap3A_17], %mul3A_15 {strides = array<i32>} : memref<2000x128xf32, #tpu.memory_space<vmem>>, vector<2000x128xf32>,
    return
  }
  func.func @transform_0(%arg0: i32) -> (i32, i32) {
    %c0_i32 = arith.constant 0 : i32
    %c0_i32_0 = arith.constant 0 : i32
    return %arg0, %c0_i32 : i32, i32
  }
  func.func @transform_1(%arg0: i32) -> (i32, i32) {
    %add3A = arith.constant 5 : i32
    %add3A_0 = arith.addi %arg0, %add3A : i32
    %c0_i32 = arith.constant 0 : i32
    %c0_i32_1 = arith.constant 0 : i32
    return %add3A_0, %c0_i32 : i32, i32
  }
  func.func @transform_2(%arg0: i32) -> (i32, i32) {
    %c0_i32 = arith.constant 0 : i32
    %c0_i32_0 = arith.constant 0 : i32
    return %arg0, %c0_i32 : i32, i32
  }
  func.func @transform_3(%arg0: i32) -> (i32, i32) {
    %c0_i32 = arith.constant 0 : i32
    %c0_i32_0 = arith.constant 0 : i32
    return %arg0, %c0_i32 : i32, i32
  }
  func.func @transform_4(%arg0: i32) -> (i32, i32) {
    %c0_i32 = arith.constant 0 : i32
    %c0_i32_0 = arith.constant 0 : i32
    return %arg0, %c0_i32 : i32, i32
  }
  func.func @transform_5(%arg0: i32) -> (i32, i32) {
    %c0_i32 = arith.constant 0 : i32
    %c0_i32_0 = arith.constant 0 : i32
    return %arg0, %c0_i32 : i32, i32
  }
}

module attributes {stable_mosaic.version = 14 : i64} {
  func.func @body(%arg0: i32, %arg1: memref<2000x128xf32, #tpu.memory_space<vmem>>, %arg2: memref<2000x128xf32, #tpu.memory_space<vmem>>, %arg3: memref<2000x128xf32, #tpu.memory_space<vmem>>, %arg4: memref<2000x128xf32, #tpu.memory_space<vmem>>, %arg5: memref<2000x16xf32, #tpu.memory_space<vmem>>, %arg6: memref<2000x128xf32, #tpu.memory_space<vmem>>, %arg7: memref<128x128xf32, #tpu.memory_space<vmem>>, %arg8: memref<128x128xf32, #tpu.memory_space<vmem>>, %arg9: memref<128x128xf32, #tpu.memory_space<vmem>>, %arg10: memref<1x128xf32, #tpu.memory_space<vmem>>, %arg11: memref<1x1xf32, #tpu.memory_space<vmem>>, %arg12: memref<1x1xf32, #tpu.memory_space<vmem>>) attributes {dimension_semantics = [#tpu.dimension_semantics<arbitrary>], iteration_bounds = array<i64: 5>, scalar_prefetch = 0 : i64, scratch_operands = 0 : i64, tpu.core_type = #tpu.core_type<tc>, window_params = [{transform_indices = @transform_0, window_bounds = array<i64: 2000, 128>}, {transform_indices = @transform_1, window_bounds = array<i64: 2000, 128>}, {transform_indices = @transform_2, window_bounds = array<i64: 2000, 128>}, {transform_indices = @transform_3, window_bounds = array<i64: 2000, 128>}, {transform_indices = @transform_4, window_bounds = array<i64: 2000, 16>}, {transform_indices = @transform_5, window_bounds = array<i64: 2000, 128>}, {pipeline_mode = #tpu.pipeline_mode<synchronous>, transform_indices = @transform_6, window_bounds = array<i64: 128, 128>}, {pipeline_mode = #tpu.pipeline_mode<synchronous>, transform_indices = @transform_7, window_bounds = array<i64: 128, 128>}, {pipeline_mode = #tpu.pipeline_mode<synchronous>, transform_indices = @transform_8, window_bounds = array<i64: 128, 128>}, {pipeline_mode = #tpu.pipeline_mode<synchronous>, transform_indices = @transform_9, window_bounds = array<i64: 1, 128>}, {pipeline_mode = #tpu.pipeline_mode<synchronous>, transform_indices = @transform_10, window_bounds = array<i64: 1, 1>}, {pipeline_mode = #tpu.pipeline_mode<synchronous>, transform_indices = @transform_11, window_bounds = array<i64: 1, 1>}]} {
    %get3A = arith.constant 0 : index
    %get3A_0 = arith.constant 0 : index
    %get3A_1 = vector.load %arg5[%get3A, %get3A_0] : memref<2000x16xf32, #tpu.memory_space<vmem>>, vector<2000x1xf32>
    %get3A_2 = arith.constant 0 : index
    %get3A_3 = arith.constant 0 : index
    %get3A_4 = vector.load %arg1[%get3A_2, %get3A_3] : memref<2000x128xf32, #tpu.memory_space<vmem>>, vector<2000x128xf32>
    %get3A_5 = arith.constant 0 : index
    %get3A_6 = arith.constant 0 : index
    %get3A_7 = vector.load %arg2[%get3A_5, %get3A_6] : memref<2000x128xf32, #tpu.memory_space<vmem>>, vector<2000x128xf32>
    %add3A = arith.addf %get3A_4, %get3A_7 : vector<2000x128xf32>
    %mul3A = vector.broadcast %get3A_1 : vector<2000x1xf32> to vector<2000x128xf32>
    %mul3A_8 = arith.mulf %add3A, %mul3A : vector<2000x128xf32>
    %get3A_9 = arith.constant 0 : index
    %get3A_10 = arith.constant 0 : index
    %get3A_11 = vector.load %arg3[%get3A_9, %get3A_10] : memref<2000x128xf32, #tpu.memory_space<vmem>>, vector<2000x128xf32>
    %get3A_12 = arith.constant 0 : index
    %get3A_13 = arith.constant 0 : index
    %get3A_14 = vector.load %arg7[%get3A_12, %get3A_13] : memref<128x128xf32, #tpu.memory_space<vmem>>, vector<128x128xf32>
    %dot_general3A = arith.constant dense<0.000000e+00> : vector<2000x128xf32>
    %dot_general3A_15 = tpu.matmul %get3A_11, %get3A_14, %dot_general3A {dimension_numbers = #tpu.dot_dimension_numbers<[1], [0], [0], [1], [0, 0, 1, 1], [], []>, transpose_lhs_hint = false} : vector<2000x128xf32>, vector<128x128xf32>, vector<2000x128xf32> -> vector<2000x128xf32>
    %get3A_16 = arith.constant 0 : index
    %get3A_17 = arith.constant 0 : index
    %get3A_18 = vector.load %arg4[%get3A_16, %get3A_17] : memref<2000x128xf32, #tpu.memory_space<vmem>>, vector<2000x128xf32>
    %get3A_19 = arith.constant 0 : index
    %get3A_20 = arith.constant 0 : index
    %get3A_21 = vector.load %arg8[%get3A_19, %get3A_20] : memref<128x128xf32, #tpu.memory_space<vmem>>, vector<128x128xf32>
    %dot_general3A_22 = arith.constant dense<0.000000e+00> : vector<2000x128xf32>
    %dot_general3A_23 = tpu.matmul %get3A_18, %get3A_21, %dot_general3A_22 {dimension_numbers = #tpu.dot_dimension_numbers<[1], [0], [0], [1], [0, 0, 1, 1], [], []>, transpose_lhs_hint = false} : vector<2000x128xf32>, vector<128x128xf32>, vector<2000x128xf32> -> vector<2000x128xf32>
    %sub3A = arith.subf %dot_general3A_15, %dot_general3A_23 : vector<2000x128xf32>
    %get3A_24 = arith.constant 0 : index
    %get3A_25 = arith.constant 0 : index
    %get3A_26 = vector.load %arg9[%get3A_24, %get3A_25] : memref<128x128xf32, #tpu.memory_space<vmem>>, vector<128x128xf32>
    %dot_general3A_27 = arith.constant dense<0.000000e+00> : vector<2000x128xf32>
    %dot_general3A_28 = tpu.matmul %mul3A_8, %get3A_26, %dot_general3A_27 {dimension_numbers = #tpu.dot_dimension_numbers<[1], [0], [0], [1], [0, 0, 1, 1], [], []>, transpose_lhs_hint = false} : vector<2000x128xf32>, vector<128x128xf32>, vector<2000x128xf32> -> vector<2000x128xf32>
    %sub3A_29 = arith.subf %sub3A, %dot_general3A_28 : vector<2000x128xf32>
    %get3A_30 = arith.constant 0 : index
    %get3A_31 = arith.constant 0 : index
    %get3A_32 = vector.load %arg10[%get3A_30, %get3A_31] : memref<1x128xf32, #tpu.memory_space<vmem>>, vector<1x128xf32>
    %add3A_33 = vector.broadcast %get3A_32 : vector<1x128xf32> to vector<2000x128xf32>
    %add3A_34 = arith.addf %sub3A_29, %add3A_33 : vector<2000x128xf32>
    %get3A_35 = arith.constant 0 : index
    %get3A_36 = arith.constant 0 : index
    %get3A_37 = vector.load %arg6[%get3A_35, %get3A_36] : memref<2000x128xf32, #tpu.memory_space<vmem>>, vector<2000x128xf32>
    %sub3A_38 = arith.subf %add3A_34, %get3A_37 : vector<2000x128xf32>
    %eq3A = arith.constant 0 : i32
    %eq3A_39 = arith.cmpi eq, %arg0, %eq3A : i32
    %convert_element_type3A = arith.extui %eq3A_39 : i1 to i32
    %cond3A = arith.constant 0 : i32
    %cond3A_40 = arith.cmpi ne, %convert_element_type3A, %cond3A : i32
    scf.if %cond3A_40 {
      %get3A_52 = arith.constant 0 : index
      %get3A_53 = arith.constant 0 : index
      %get3A_54 = vector.load %arg11[%get3A_52, %get3A_53] : memref<1x1xf32, #tpu.memory_space<vmem>>, vector<1x1xf32>
      %mul3A_55 = arith.constant -5.000000e-01 : f32
      %mul3A_56 = vector.broadcast %mul3A_55 : f32 to vector<1x1xf32>
      %mul3A_57 = arith.mulf %mul3A_56, %get3A_54 : vector<1x1xf32>
      %swap3A_58 = arith.constant 0 : index
      %swap3A_59 = arith.constant 0 : index
      %swap3A_60 = vector.load %arg12[%swap3A_58, %swap3A_59] : memref<1x1xf32, #tpu.memory_space<vmem>>, vector<1x1xf32>
      tpu.vector_store %arg12[%swap3A_58, %swap3A_59], %mul3A_57 {strides = array<i32>} : memref<1x1xf32, #tpu.memory_space<vmem>>, vector<1x1xf32>,
    } else {
    }
    %get3A_41 = arith.constant 0 : index
    %get3A_42 = arith.constant 0 : index
    %get3A_43 = vector.load %arg12[%get3A_41, %get3A_42] : memref<1x1xf32, #tpu.memory_space<vmem>>, vector<1x1xf32>
    %mul3A_44 = arith.mulf %sub3A_38, %sub3A_38 : vector<2000x128xf32>
    %reduce_sum3A = vector.shape_cast %mul3A_44 : vector<2000x128xf32> to vector<1x2000x128xf32>
    %reduce_sum3A_45 = arith.constant dense<0.000000e+00> : vector<1xf32>
    %reduce_sum3A_46 = vector.multi_reduction <add>, %reduce_sum3A, %reduce_sum3A_45 [1, 2] : vector<1x2000x128xf32> to vector<1xf32>
    %reduce_sum3A_47 = vector.shape_cast %reduce_sum3A_46 : vector<1xf32> to vector<1x1x1xf32>
    %reduce_sum3A_48 = vector.extract %reduce_sum3A_47[0, 0, 0] : f32 from vector<1x1x1xf32>
    %reshape3A = vector.broadcast %reduce_sum3A_48 : f32 to vector<1x1xf32>
    %add3A_49 = arith.addf %get3A_43, %reshape3A : vector<1x1xf32>
    %swap3A = arith.constant 0 : index
    %swap3A_50 = arith.constant 0 : index
    %swap3A_51 = vector.load %arg12[%swap3A, %swap3A_50] : memref<1x1xf32, #tpu.memory_space<vmem>>, vector<1x1xf32>
    tpu.vector_store %arg12[%swap3A, %swap3A_50], %add3A_49 {strides = array<i32>} : memref<1x1xf32, #tpu.memory_space<vmem>>, vector<1x1xf32>,
    return
  }
  func.func @transform_0(%arg0: i32) -> (i32, i32) {
    %c0_i32 = arith.constant 0 : i32
    %c0_i32_0 = arith.constant 0 : i32
    return %arg0, %c0_i32 : i32, i32
  }
  func.func @transform_1(%arg0: i32) -> (i32, i32) {
    %add3A = arith.constant 5 : i32
    %add3A_0 = arith.addi %arg0, %add3A : i32
    %c0_i32 = arith.constant 0 : i32
    %c0_i32_1 = arith.constant 0 : i32
    return %add3A_0, %c0_i32 : i32, i32
  }
  func.func @transform_2(%arg0: i32) -> (i32, i32) {
    %c0_i32 = arith.constant 0 : i32
    %c0_i32_0 = arith.constant 0 : i32
    return %arg0, %c0_i32 : i32, i32
  }
  func.func @transform_3(%arg0: i32) -> (i32, i32) {
    %c0_i32 = arith.constant 0 : i32
    %c0_i32_0 = arith.constant 0 : i32
    return %arg0, %c0_i32 : i32, i32
  }
  func.func @transform_4(%arg0: i32) -> (i32, i32) {
    %c0_i32 = arith.constant 0 : i32
    %c0_i32_0 = arith.constant 0 : i32
    return %arg0, %c0_i32 : i32, i32
  }
  func.func @transform_5(%arg0: i32) -> (i32, i32) {
    %c0_i32 = arith.constant 0 : i32
    %c0_i32_0 = arith.constant 0 : i32
    return %arg0, %c0_i32 : i32, i32
  }
  func.func @transform_6(%arg0: i32) -> (i32, i32) {
    %c0_i32 = arith.constant 0 : i32
    %c0_i32_0 = arith.constant 0 : i32
    %c0_i32_1 = arith.constant 0 : i32
    return %c0_i32, %c0_i32_0 : i32, i32
  }
  func.func @transform_7(%arg0: i32) -> (i32, i32) {
    %c0_i32 = arith.constant 0 : i32
    %c0_i32_0 = arith.constant 0 : i32
    %c0_i32_1 = arith.constant 0 : i32
    return %c0_i32, %c0_i32_0 : i32, i32
  }
  func.func @transform_8(%arg0: i32) -> (i32, i32) {
    %c0_i32 = arith.constant 0 : i32
    %c0_i32_0 = arith.constant 0 : i32
    %c0_i32_1 = arith.constant 0 : i32
    return %c0_i32, %c0_i32_0 : i32, i32
  }
  func.func @transform_9(%arg0: i32) -> (i32, i32) {
    %c0_i32 = arith.constant 0 : i32
    %c0_i32_0 = arith.constant 0 : i32
    %c0_i32_1 = arith.constant 0 : i32
    return %c0_i32, %c0_i32_0 : i32, i32
  }
  func.func @transform_10(%arg0: i32) -> (i32, i32) {
    %c0_i32 = arith.constant 0 : i32
    %c0_i32_0 = arith.constant 0 : i32
    %c0_i32_1 = arith.constant 0 : i32
    return %c0_i32, %c0_i32_0 : i32, i32
  }
  func.func @transform_11(%arg0: i32) -> (i32, i32) {
    %c0_i32 = arith.constant 0 : i32
    %c0_i32_0 = arith.constant 0 : i32
    %c0_i32_1 = arith.constant 0 : i32
    return %c0_i32, %c0_i32_0 : i32, i32
  }
}

</mosaic_0001>

<sc_bundles>
// kernel: kernel.12.cloned.1.call-start
scs
__scs_entry_jumppad:
0x0: {  	(pc) =	sbr.rel $0x88, $3  }
0x1: {  	(tag) =	ssettag $0x0;
	lr =	simm.s32 $0x1  }
0x2: {  	[smem:$0x3F93] =	sst lr;
	_ =	strace $0xD0000000  }
0x3: {  	_ = 	snop  }
0x4: {  	_ = 	snop  }
0x5: {  	_ = 	snop  }
0x6: {  	_ = 	snop  }
0x7: {  	_ = 	snop  }
__scs_overlays_trampoline_lowered:
0x8: {  	[smem:$0x3FA2] =	sst s0  }
0x9: {  	[smem:$0x3FA3] =	sst s1  }
0xa: {  	[smem:$0x3FA4] =	sst s2  }
0xb: {  	[smem:$0x3FA5] =	sst s3  }
0xc: {  	[smem:$0x3FA6] =	sst s4  }
0xd: {  	[smem:$0x3FA7] =	sst s5  }
0xe: {  	[smem:$0x3FA8] =	sst s6  }
0xf: {  	[smem:$0x3FA9] =	sst s7  }
0x10: {  	[smem:$0x3FAA] =	sst s8  }
0x11: {  	[smem:$0x3FAB] =	sst s9;
	s0 =	simm.s32 @!p0 $0x0  }
0x12: {  	s1 =	sld [smem:$0x3F91];
	s0 =	simm.s32 @p0 $0x1  }
0x13: {  	[smem:$0x3FAC] =	sst s0;
	s0 =	simm.s32 @!p1 $0x0  }
0x14: {  	s2 =	sld [smem:$0x3F90];
	s0 =	simm.s32 @p1 $0x1  }
0x15: {  	[smem:$0x3FAD] =	sst s0;
	s0 =	simm.s32 @!p2 $0x0  }
0x16: {  	s3 =	sld [smem:$0x3FDB];
	s0 =	simm.s32 @p2 $0x1  }
0x17: {  	s4 =	simm.s32 $0x1BF5;
	[smem:$0x3FAF] =	sst s0  }
0x18: {  	s0 =	sld [smem:$0x3F92];
	_ =	swait.ge [sflag:s4], $0x0  }
0x19: {  	s7 =	sld [smem:$0x3F93]  }
0x1a: {  	s8 =	sadd.s32 $0xFFFFE003, lr  }
0x1b: {  	s9 =	sadd.s32 $0xFFFFFEF7, lr;
	s5 =	simm.s32 $0xFFFFFFFF;
	p2 =	slt.u32 s8, $0xFFFFF086  }
0x1c: {  	p1 =	slt.u32 s9, $0xF7A;
	s5 =	simm.s32 @!p2 $0x0  }
0x1d: {  	s5 =	simm.s32 @p1 $0x1;
	p0 =	seq.s32 s7, s2  }
0x1e: {  	s7 =	smul.u32 @!p0 $0xF7A, s2;
	p2 =	seq.s32 @!p0 s5, $0x0  }
0x1f: {  	s9 =	smul.u32 $0xF7A, s1;
	s8 =	simm.s32 @!p0 $0x1BF5;
	p2 =	por !p2, p0  }
0x20: {  	[sflag:s8] =	ssyncset.s32 @!p0 $0xFFFFF086;
	s6 =	sadd.s32 @!p0 s3, s7;
	s7 =	simm.s32 @!p0 $0x108  }
0x21: {  	s3 =	sadd.s32 s3, s9;
	s6 =	sadd.s32 @!p0 $0x88, s6;
	s7 =	simm.s32 @p2 $0x1082  }
0x22: {  	[simem:s7], [sflag:s8] =	dma.local @!p0 [hbm:s6], $0xF7A  }
0x23: {  	s9 =	sor.u32 $0xD0000000, s2;
	s6 =	simm.s32 $0x108;
	_ =	swait.ge @!p0 [sflag:s8], $0x0  }
0x24: {  	s3 =	sadd.s32 $0x88, s3;
	s6 =	simm.s32 @!p1 $0x1082;
	[sflag:s4] =	ssyncset.s32 $0xFFFFF086  }
0x25: {  	[simem:s6], [sflag:s4] =	dma.local [hbm:s3], $0xF7A  }
0x26: {  	[smem:$0x3F93] =	sst s1;
	(tag) =	ssettag s2;
	_ =	strace s9  }
0x27: {  	s1 =	sld [smem:$0x3FA3]  }
0x28: {  	s2 =	sld [smem:$0x3FA4]  }
0x29: {  	s4 =	sld [smem:$0x3FA6]  }
0x2a: {  	p0 =	seq.s32 s5, $0x0;
	s5 =	sld [smem:$0x3FA7]  }
0x2b: {  	s6 =	sld [smem:$0x3FA8]  }
0x2c: {  	s7 =	sld [smem:$0x3FA9]  }
0x2d: {  	s3 =	simm.s32 $0x108;
	s8 =	sld [smem:$0x3FAA]  }
0x2e: {  	s3 =	simm.s32 @!p0 $0x1082;
	s9 =	sld [smem:$0x3FAB]  }
0x2f: {  	lr =	sadd.s32 s0, s3;
	s0 =	sld [smem:$0x3FA2]  }
0x30: {  	s3 =	sld [smem:$0x3FA5]  }
0x31: {  	[smem:$0x3FAE] =	sst s10  }
0x32: {  	s10 =	sld [smem:$0x3FAC];
	_ =	sdelay $0x3  }
0x33: {  	p0 =	seq.s32 s10, $0x1;
	s10 =	sld [smem:$0x3FAE];
	_ =	sdelay $0x3  }
0x34: {  	[smem:$0x3FAE] =	sst s10  }
0x35: {  	s10 =	sld [smem:$0x3FAD];
	_ =	sdelay $0x3  }
0x36: {  	p1 =	seq.s32 s10, $0x1;
	s10 =	sld [smem:$0x3FAE];
	_ =	sdelay $0x3  }
0x37: {  	[smem:$0x3FAE] =	sst s10  }
0x38: {  	s10 =	sld [smem:$0x3FAF]  }
0x39: {  	_ = 	snop;
	(pc) =	sbr.ind lr, $3  }
0x3a: {  	_ = 	snop  }
0x3b: {  	_ = 	snop  }
0x3c: {  	p2 =	seq.s32 s10, $0x1;
	s10 =	sld [smem:$0x3FAE]  }
0x3d: {  	_ =	shalt  }
0x3e: {  	_ =	shalt  }
0x3f: {  	_ =	shalt  }
0x40: {  	_ =	shalt  }
0x41: {  	_ =	shalt  }
0x42: {  	_ =	shalt  }
0x43: {  	_ =	shalt  }
0x44: {  	_ =	shalt  }
0x45: {  	_ =	shalt  }
0x46: {  	_ =	shalt  }
0x47: {  	_ =	shalt  }
0x48: {  	_ =	shalt  }
0x49: {  	_ =	shalt  }
0x4a: {  	_ =	shalt  }
0x4b: {  	_ =	shalt  }
0x4c: {  	_ =	shalt  }
0x4d: {  	_ =	shalt  }
0x4e: {  	_ =	shalt  }
0x4f: {  	_ =	shalt  }
0x50: {  	_ =	shalt  }
0x51: {  	_ =	shalt  }
0x52: {  	_ =	shalt  }
0x53: {  	_ =	shalt  }
0x54: {  	_ =	shalt  }
0x55: {  	_ =	shalt  }
0x56: {  	_ =	shalt  }
0x57: {  	_ =	shalt  }
0x58: {  	_ =	shalt  }
0x59: {  	_ =	shalt  }
0x5a: {  	_ =	shalt  }
0x5b: {  	_ =	shalt  }
0x5c: {  	_ =	shalt  }
0x5d: {  	_ =	shalt  }
0x5e: {  	_ =	shalt  }
0x5f: {  	_ =	shalt  }
0x60: {  	_ =	shalt  }
0x61: {  	_ =	shalt  }
0x62: {  	_ =	shalt  }
0x63: {  	_ =	shalt  }
0x64: {  	_ =	shalt  }
0x65: {  	_ =	shalt  }
0x66: {  	_ =	shalt  }
0x67: {  	_ =	shalt  }
0x68: {  	_ =	shalt  }
0x69: {  	_ =	shalt  }
0x6a: {  	_ =	shalt  }
0x6b: {  	_ =	shalt  }
0x6c: {  	_ =	shalt  }
0x6d: {  	_ =	shalt  }
0x6e: {  	_ =	shalt  }
0x6f: {  	_ =	shalt  }
0x70: {  	_ =	shalt  }
0x71: {  	_ =	shalt  }
0x72: {  	_ =	shalt  }
0x73: {  	_ =	shalt  }
0x74: {  	_ =	shalt  }
0x75: {  	_ =	shalt  }
0x76: {  	_ =	shalt  }
0x77: {  	_ =	shalt  }
0x78: {  	_ =	shalt  }
0x79: {  	_ =	shalt  }
0x7a: {  	_ =	shalt  }
0x7b: {  	_ =	shalt  }
0x7c: {  	_ =	shalt  }
0x7d: {  	_ =	shalt  }
0x7e: {  	_ =	shalt  }
0x7f: {  	_ =	shalt  }
0x80: {  	_ =	shalt  }
0x81: {  	_ =	shalt  }
0x82: {  	_ =	shalt  }
0x83: {  	_ =	shalt  }
0x84: {  	_ =	shalt  }
0x85: {  	_ =	shalt  }
0x86: {  	_ =	shalt  }
0x87: {  	_ =	shalt  }
.Lfunc_end0:
.L_simem_size_0:
called_computation_lowered:
.L_overlay_start_0:
0x88: {  	s2 =	sld [smem:$0x3FD9]  }
0x89: {  	s3 =	sld [smem:$0x3FFE];
	_ =	sdelay $0x1  }
0x8a: {  	s1 =	srdreg.scid  }
0x8b: {  	s0 =	sand.u32 $0x1, s1  }
0x8c: {  	s16 =	sshll.u32 s0, $0xA;
	s2 =	sadd.s32 s3, s2  }
0x8d: {  	s2 =	sadd.s32 s2, s16  }
0x8e: {  	[smem:$0x3FBA] =	sst s2  }
0x8f: {  	_ = 	snop  }
0x90: {  	(tm) =	ssettm $0x1  }
0x91: {  	s17 =	sld [smem:$0x3FFB];
	_ =	sdelay $0x3  }
0x92: {  	_ =	strace s17  }
0x93: {  	s2 =	sld [smem:$0x3FFC];
	_ =	sdelay $0x3  }
0x94: {  	_ =	strace s2  }
0x95: {  	s2 =	sld [smem:$0x3FFD];
	_ =	sdelay $0x3  }
0x96: {  	_ =	strace s2  }
0x97: {  	_ =	strace $0x8FFFFFFF  }
0x98: {  	s18 =	sld [smem:$0x3FDB];
	_ =	sdelay $0x1  }
0x99: {  	s19 =	simm.s32 $_scs_section_size  }
0x9a: {  	s4 =	simm.s32 $_size__tile_overlayer_lowered;
	s5 =	simm.s32 $_tile_overlayer_lowered  }
0x9b: {  	s22 =	simm.s32 $0x1BFF;
	s21 =	sshll.u32 s5, $0x1;
	s2 =	sadd.s32 s19, s18  }
0x9c: {  	s6 =	simm.s32 $0x0;
	s20 =	sshll.u32 s4, $0x1;
	s4 =	sadd.s32 s21, s2  }
0x9d: {  	[timem:s6], [sflag:s22] =	dma.local [hbm:s4], s20  }
0x9e: {  	_ =	swait.ge [sflag:s22], s20  }
0x9f: {  	s3 =	ssub.s32 $0x0, s20;
	[sflag:s22] =	ssyncset.done $0x0  }
0xa0: {  	[sflag:s22] =	ssyncadd.s32 s3;
	_ =	sdelay $0x1  }
0xa1: {  	s23 =	simm.s32 $0x1B8B  }
0xa2: {  	_ =	swait.ge [sflag:s23], $0x1  }
0xa3: {  	[sflag:s23] =	ssyncset.done $0x0  }
0xa4: {  	s25 =	simm.s32 $0x1B8E;
	s24 =	sld [smem:$0x3FFE];
	[sflag:s23] =	ssyncadd.s32 $0xFFFFFFFF  }
0xa5: {  	s26 =	simm.s32 $execute0_lowered;
	[smem:$0x3FD2] =	sst s25  }
0xa6: {  	s4 =	sshll.u32 s26, $0x1;
	_ =	strace $0x80000046;
	[dreg:$0x1] =	wrdreg $0xFFFFFFFF  }
0xa7: {  	s28 =	simm.s32 $_size_execute0_lowered;
	s2 =	sadd.s32 s2, s4;
	[dreg:$0x0] =	wrdreg $0x0  }
0xa8: {  	s4 =	sshll.u32 s28, $0x1;
	[dreg:$0x2] =	wrdreg s2  }
0xa9: {  	[dreg:$0x3] =	wrdreg s4  }
0xaa: {  	[dreg:$0x4] =	wrdreg $0xC0  }
0xab: {  	_ =	task [dreg:s6], $0x5FFFF  }
0xac: {  	[dreg:$0x1] =	wrdreg $0xFFFFFFFF  }
0xad: {  	[dreg:$0x0] =	wrdreg $0x60  }
0xae: {  	[dreg:$0x2] =	wrdreg s24  }
0xaf: {  	[dreg:$0x3] =	wrdreg $0x30000  }
0xb0: {  	[dreg:$0x4] =	wrdreg $0x9  }
0xb1: {  	_ =	task.clear_ibuf [dreg:s6], $0x5FFFF;
	_ =	strace $0x90000046  }
0xb2: {  	s29 =	simm.s32 $0x9;
	_ =	strace $0x80000048  }
0xb3: {  	_ =	swait.ge [sflag:s29], $0x1  }
0xb4: {  	[sflag:s29] =	ssyncadd.s32 $0xFFFFFFFF  }
0xb5: {  	_ =	strace $0x90000048  }
0xb6: {  	_ =	sfence  }
0xb7: {  	s30 =	sld [smem:$0x0];
	_ =	sdelay $0x2  }
0xb8: {  	s31 =	sshll.u32 s1, $0xD;
	s1 =	sshrl.u32 s1, $0x2  }
0xb9: {  	s3 =	sand.u32 $0x4000, s31;
	s1 =	sadd.s32 s1, s30  }
0xba: {  	s0 =	sor.u32 s3, s0;
	s1 =	sshll.u32 s1, $0x11  }
0xbb: {  	s0 =	sor.u32 s1, s0  }
0xbc: {  	s0 =	sadd.s32 $0x8F2B, s0  }
0xbd: {  	[sflag:s0] =	ssyncadd.remote.s32 $0x1  }
0xbe: {  	_ =	sfence.sel $0xFFFF  }
0xbf: {  	[dreg:$0x0] =	wrdreg $0xFFFFFFFF;
	(pc) =	sbr.abs _section_cstart, $3  }
0xc0: {  	[dreg:$0x1] =	wrdreg $0xFFFFFFFF  }
0xc1: {  	_ =	task.clear_ibuf [dreg:s6], $0x2FFFF;
	_ =	strace $0x9FFFFFFF  }
0xc2: {  	(tm) =	ssettm $0x7FFFFFFF  }
0xc3: {  	_ =	shalt  }
tec
execute0_lowered:
.L_overlay_start_1:
0x0: {  	(tag) =	ssettag $0x1  }
0x1: {  	s6 =	rddreg [dreg:$0x0]  }
0x2: {  	s1 =	srdreg.scid;
	s0 =	stileid.u32  }
0x3: {  	s2 =	rddreg [dreg:$0x1];
	s3 =	simm.s32 $0x0;
	s16 =	simm.s32 $0x80  }
0x4: {  	s20 =	simm.s32 $0x0;
	s7 =	sand.u32 $0x1, s1;
	s1 =	rddreg [dreg:$0x2]  }
0x5: {  	s4 =	sshll.u32 s0, $0x1;
	[smem:$0x7FF] =	sst s3;
	s9 =	smul.u32 $0x9E00, s0  }
0x6: {  	s5 =	sadd.s32 $0x10000, s6;
	s12 =	sadd.s32 $0x10200, s6;
	s13 =	smul.u32 $0x4F0, s0  }
0x7: {  	s14 =	sadd.s32 $0x27100, s2;
	s17 =	sadd.s32 $0x25080, s2;
	p0 =	sne.s32 s0, $0xF  }
0x8: {  	p2 =	seq.s32 s0, $0xF;
	s4 =	sor.u32 s7, s4;
	s11 =	smul.u32 $0x4E20, s7  }
0x9: {  	_ =	strace $0x80000047;
	s10 =	ssub.s32 $0x2, s7;
	s7 =	smul.u32 $0x27100, s7  }
0xa: {  	p1 =	sne.s32 @p0 s0, $0x0;
	s15 =	sshrl.u32 @!p0 s17, $0x3;
	s17 =	sshrl.u32 @p2 s17, $0x3  }
0xb: {  	s18 =	sshll.u32 @!p2 s0, $0x6;
	s4 =	smul.u32 $0x500, s4;
	s29 =	sshrl.u32 s10, $0x1  }
0xc: {  	s9 =	sshrl.u32 s9, $0x2;
	p1 =	por p1, !p0;
	s18 =	sor.u32 @!p2 $0x1C01, s18  }
0xd: {  	s10 =	ssub.s32 s10, s29;
	s19 =	sadd.s32 s9, s2;
	s7 =	sshrl.u32 s7, $0x3  }
0xe: {  	s30 =	sadd.s32 s13, s11;
	s11 =	simm.s32 $0x2800;
	s14 =	sshrl.u32 @!p1 s14, $0x3  }
0xf: {  	s8 =	sadd.s32 s4, s6;
	s4 =	sadd.s32 $0xFA00, s6;
	s31 =	sadd.s32 s12, s7  }
0x10: {  	s7 =	sadd.s32 s12, s30;
	s9 =	smax.u32 s10, $0x1;
	s10 =	simm.s32 $0x1  }
0x11: {  	s12 =	sshll.u32 @p0 s0, $0x6;
	s13 =	sshrl.u32 @p0 s19, $0x3;
	s19 =	sshrl.u32 @!p2 s19, $0x3  }
0x12: {  	s6 =	sadd.s32 $0x5A00, s8;
	s8 =	sadd.s32 $0x4A10, s31;
	s12 =	sor.u32 @p0 $0x1C01, s12  }
.LBB2_1:
0x13: {  	[tilespmem:s3], [sflag:$0x1] =	stream.linear.gather [hbm4b:s6+s3], $0x2800, $0x38;
	[tilespmem:$0x5720] =	vst v63  }
0x14: {  	_ =	swait.ge [sflag:s10], $0x2800  }
0x15: {  	[sflag:s10] =	ssyncset.done $0x0  }
0x16: {  	[sflag:s10] =	ssyncadd.s32 $0xFFFFD800  }
0x17: {  	[tilespmem:s11], [sflag:$0x1] =	stream.linear.gather [hbm4b:s5+s3], $0x800, $0x38;
	[tilespmem:$0x5720] =	vst v63  }
0x18: {  	_ =	swait.ge [sflag:s10], $0x800  }
0x19: {  	[sflag:s10] =	ssyncset.done $0x0  }
0x1a: {  	s21 =	simm.s32 @p0 $0x1;
	[sflag:s10] =	ssyncadd.s32 $0xFFFFF800  }
0x1b: {  	[spmem:s13], [sflag:s12] =	dma.local @p0 [hbm:s4], $0x4F0  }
0x1c: {  	_ =	swait.ge @p0 [sflag:s21], $0x4F0  }
0x1d: {  	[sflag:s21] =	ssyncset.done @p0 $0x0  }
0x1e: {  	[sflag:s21] =	ssyncadd.s32 @p0 $0xFFFFFB10;
	s21 =	simm.s32 @!p1 $0x1C01  }
0x1f: {  	[spmem:s14], [sflag:s21] =	dma.local @!p1 [hbm:s4], $0x20  }
0x20: {  	s21 =	simm.s32 @!p1 $0x1  }
0x21: {  	_ =	swait.ge @!p1 [sflag:s21], $0x20  }
0x22: {  	[sflag:s21] =	ssyncset.done @!p1 $0x0  }
0x23: {  	[sflag:s21] =	ssyncadd.s32 @!p1 $0xFFFFFFE0;
	s21 =	simm.s32 @!p0 $0x1FC1  }
0x24: {  	[spmem:s15], [sflag:s21] =	dma.local @!p0 [hbm:s4], $0x410  }
0x25: {  	s21 =	simm.s32 @!p0 $0x1  }
0x26: {  	_ =	swait.ge @!p0 [sflag:s21], $0x410  }
0x27: {  	[sflag:s21] =	ssyncset.done @!p0 $0x0  }
0x28: {  	[sflag:s21] =	ssyncadd.s32 @!p0 $0xFFFFFBF0  }
0x29: {  	s31 =	simm.s32 $0x0;
	[bflag:$0x0] =	sbarrier.arrive $0xFFFF  }
0x2a: {  	[spmem:s2] =	stream.indirect.scatter.add.f32 [tilespmem:s11], [sflag:$0x1], $0x10, s31, s16, $0xb8;
	[tilespmem:$0x5720] =	vst v63  }
0x2b: {  	_ =	swait.ge [sflag:s10], $0x800  }
0x2c: {  	s21 =	simm.s32 $0x200;
	[sflag:s10] =	ssyncset.done $0x0  }
.LBB2_2:
0x2d: {  	s22 =	sshra.s32 s21, $0x2;
	[sflag:s10] =	ssyncadd.s32 $0xFFFFF800;
	p3 =	sne.s32 s21, $0x9E00  }
0x2e: {  	[spmem:s2] =	stream.indirect.scatter.add.f32 [tilespmem:s11], [sflag:$0x1], $0x10, s22, s16, $0xb8;
	[tilespmem:$0x5720] =	vst v63  }
.Ltmp0:
0x2f: {  	_ = 	snop;
	(pc) =	sbr.rel @p3 .LBB2_2-.Ltmp0, $4  }
0x30: {  	_ = 	snop  }
0x31: {  	s21 =	sadd.s32 $0x200, s21  }
0x32: {  	_ =	swait.ge [sflag:s10], $0x800  }
0x33: {  	[sflag:s10] =	ssyncset.done $0x0  }
0x34: {  	[sflag:s10] =	ssyncadd.s32 $0xFFFFF800  }
0x35: {  	s21 =	simm.s32 @p2 $0x1FC1;
	[bflag:$0x0] =	sbarrier.arrive $0xFFFF  }
0x36: {  	[hbm:s8], [sflag:s21] =	dma.local @p2 [spmem:s17], $0x410  }
0x37: {  	s21 =	simm.s32 @p2 $0x1  }
0x38: {  	s20 =	sadd.s32 $0x1, s20;
	_ =	swait.ge @p2 [sflag:s21], $0x410  }
0x39: {  	p3 =	sne.s32 s20, s9;
	[sflag:s21] =	ssyncset.done @p2 $0x0  }
.Ltmp1:
0x3a: {  	[sflag:s21] =	ssyncadd.s32 @p2 $0xFFFFFBF0;
	s21 =	simm.s32 @!p2 $0x1;
	(pc) =	sbr.rel @p3 .LBB2_1-.Ltmp1, $4  }
0x3b: {  	[hbm:s7], [sflag:s18] =	dma.local @!p2 [spmem:s19], $0x4F0  }
0x3c: {  	_ =	swait.ge @!p2 [sflag:s21], $0x4F0  }
0x3d: {  	[sflag:s21] =	ssyncset.done @!p2 $0x0  }
0x3e: {  	[sflag:s21] =	ssyncadd.s32 @!p2 $0xFFFFFB10  }
0x3f: {  	_ =	sfence.sel $0x180000  }
0x40: {  	[bflag:$0x0] =	sbarrier.arrive $0xFFFF  }
0x41: {  	p0 =	sne.s32 s0, $0x0;
	_ =	strace $0x90000047  }
0x42: {  	s0 =	sadd.s32 @!p0 $0x100000, s1;
	[bflag:$0x2] =	sbarrier.arrive $0xFFFF  }
0x43: {  	[sflag:s0] =	ssyncadd.tile.s32 @!p0 $0x1;
	_ =	shalt  }
.Lfunc_end2:
_tile_overlayer_lowered:
.L_overlay_start_2:
0x44: {  	(tag) =	ssettag $0x2  }
0x45: {  	s0 =	rddreg [dreg:$0x0];
	s2 =	stileid.u32  }
0x46: {  	s1 =	rddreg [dreg:$0x1];
	p0 =	sne.s32 s2, $0x0  }
0x47: {  	s3 =	rddreg [dreg:$0x2];
	[bflag:$0x3] =	sbarrier.arrive $0xFFFF;
	s2 =	simm.s32 @!p0 $0x1C01  }
0x48: {  	[timem:s3], [sflag:s2] =	dma.local @!p0 [hbm:s0], s1  }
0x49: {  	s0 =	simm.s32 @!p0 $0x1  }
0x4a: {  	_ =	swait.ge @!p0 [sflag:s0], s1  }
0x4b: {  	s1 =	ssub.s32 @!p0 $0x0, s1;
	[sflag:s0] =	ssyncset.done @!p0 $0x0  }
0x4c: {  	[sflag:s0] =	ssyncadd.s32 @!p0 s1  }
0x4d: {  	[bflag:$0x3] =	sbarrier.arrive $0xFFFF  }
0x4e: {  	_ =	shalt  }

// kernel: kernel.15.cloned.1.call-start
scs
__scs_entry_jumppad:
0x0: {  	(pc) =	sbr.rel $0x88, $3  }
0x1: {  	(tag) =	ssettag $0x0;
	lr =	simm.s32 $0x1  }
0x2: {  	[smem:$0x3F93] =	sst lr;
	_ =	strace $0xD0000000  }
0x3: {  	_ = 	snop  }
0x4: {  	_ = 	snop  }
0x5: {  	_ = 	snop  }
0x6: {  	_ = 	snop  }
0x7: {  	_ = 	snop  }
__scs_overlays_trampoline_lowered:
0x8: {  	[smem:$0x3FA2] =	sst s0  }
0x9: {  	[smem:$0x3FA3] =	sst s1  }
0xa: {  	[smem:$0x3FA4] =	sst s2  }
0xb: {  	[smem:$0x3FA5] =	sst s3  }
0xc: {  	[smem:$0x3FA6] =	sst s4  }
0xd: {  	[smem:$0x3FA7] =	sst s5  }
0xe: {  	[smem:$0x3FA8] =	sst s6  }
0xf: {  	[smem:$0x3FA9] =	sst s7  }
0x10: {  	[smem:$0x3FAA] =	sst s8  }
0x11: {  	[smem:$0x3FAB] =	sst s9;
	s0 =	simm.s32 @!p0 $0x0  }
0x12: {  	s1 =	sld [smem:$0x3F91];
	s0 =	simm.s32 @p0 $0x1  }
0x13: {  	[smem:$0x3FAC] =	sst s0;
	s0 =	simm.s32 @!p1 $0x0  }
0x14: {  	s2 =	sld [smem:$0x3F90];
	s0 =	simm.s32 @p1 $0x1  }
0x15: {  	[smem:$0x3FAD] =	sst s0;
	s0 =	simm.s32 @!p2 $0x0  }
0x16: {  	s3 =	sld [smem:$0x3FDB];
	s0 =	simm.s32 @p2 $0x1  }
0x17: {  	s4 =	simm.s32 $0x1BF5;
	[smem:$0x3FAF] =	sst s0  }
0x18: {  	s0 =	sld [smem:$0x3F92];
	_ =	swait.ge [sflag:s4], $0x0  }
0x19: {  	s7 =	sld [smem:$0x3F93]  }
0x1a: {  	s8 =	sadd.s32 $0xFFFFE003, lr  }
0x1b: {  	s9 =	sadd.s32 $0xFFFFFEF7, lr;
	s5 =	simm.s32 $0xFFFFFFFF;
	p2 =	slt.u32 s8, $0xFFFFF086  }
0x1c: {  	p1 =	slt.u32 s9, $0xF7A;
	s5 =	simm.s32 @!p2 $0x0  }
0x1d: {  	s5 =	simm.s32 @p1 $0x1;
	p0 =	seq.s32 s7, s2  }
0x1e: {  	s7 =	smul.u32 @!p0 $0xF7A, s2;
	p2 =	seq.s32 @!p0 s5, $0x0  }
0x1f: {  	s9 =	smul.u32 $0xF7A, s1;
	s8 =	simm.s32 @!p0 $0x1BF5;
	p2 =	por !p2, p0  }
0x20: {  	[sflag:s8] =	ssyncset.s32 @!p0 $0xFFFFF086;
	s6 =	sadd.s32 @!p0 s3, s7;
	s7 =	simm.s32 @!p0 $0x108  }
0x21: {  	s3 =	sadd.s32 s3, s9;
	s6 =	sadd.s32 @!p0 $0x88, s6;
	s7 =	simm.s32 @p2 $0x1082  }
0x22: {  	[simem:s7], [sflag:s8] =	dma.local @!p0 [hbm:s6], $0xF7A  }
0x23: {  	s9 =	sor.u32 $0xD0000000, s2;
	s6 =	simm.s32 $0x108;
	_ =	swait.ge @!p0 [sflag:s8], $0x0  }
0x24: {  	s3 =	sadd.s32 $0x88, s3;
	s6 =	simm.s32 @!p1 $0x1082;
	[sflag:s4] =	ssyncset.s32 $0xFFFFF086  }
0x25: {  	[simem:s6], [sflag:s4] =	dma.local [hbm:s3], $0xF7A  }
0x26: {  	[smem:$0x3F93] =	sst s1;
	(tag) =	ssettag s2;
	_ =	strace s9  }
0x27: {  	s1 =	sld [smem:$0x3FA3]  }
0x28: {  	s2 =	sld [smem:$0x3FA4]  }
0x29: {  	s4 =	sld [smem:$0x3FA6]  }
0x2a: {  	p0 =	seq.s32 s5, $0x0;
	s5 =	sld [smem:$0x3FA7]  }
0x2b: {  	s6 =	sld [smem:$0x3FA8]  }
0x2c: {  	s7 =	sld [smem:$0x3FA9]  }
0x2d: {  	s3 =	simm.s32 $0x108;
	s8 =	sld [smem:$0x3FAA]  }
0x2e: {  	s3 =	simm.s32 @!p0 $0x1082;
	s9 =	sld [smem:$0x3FAB]  }
0x2f: {  	lr =	sadd.s32 s0, s3;
	s0 =	sld [smem:$0x3FA2]  }
0x30: {  	s3 =	sld [smem:$0x3FA5]  }
0x31: {  	[smem:$0x3FAE] =	sst s10  }
0x32: {  	s10 =	sld [smem:$0x3FAC];
	_ =	sdelay $0x3  }
0x33: {  	p0 =	seq.s32 s10, $0x1;
	s10 =	sld [smem:$0x3FAE];
	_ =	sdelay $0x3  }
0x34: {  	[smem:$0x3FAE] =	sst s10  }
0x35: {  	s10 =	sld [smem:$0x3FAD];
	_ =	sdelay $0x3  }
0x36: {  	p1 =	seq.s32 s10, $0x1;
	s10 =	sld [smem:$0x3FAE];
	_ =	sdelay $0x3  }
0x37: {  	[smem:$0x3FAE] =	sst s10  }
0x38: {  	s10 =	sld [smem:$0x3FAF]  }
0x39: {  	_ = 	snop;
	(pc) =	sbr.ind lr, $3  }
0x3a: {  	_ = 	snop  }
0x3b: {  	_ = 	snop  }
0x3c: {  	p2 =	seq.s32 s10, $0x1;
	s10 =	sld [smem:$0x3FAE]  }
0x3d: {  	_ =	shalt  }
0x3e: {  	_ =	shalt  }
0x3f: {  	_ =	shalt  }
0x40: {  	_ =	shalt  }
0x41: {  	_ =	shalt  }
0x42: {  	_ =	shalt  }
0x43: {  	_ =	shalt  }
0x44: {  	_ =	shalt  }
0x45: {  	_ =	shalt  }
0x46: {  	_ =	shalt  }
0x47: {  	_ =	shalt  }
0x48: {  	_ =	shalt  }
0x49: {  	_ =	shalt  }
0x4a: {  	_ =	shalt  }
0x4b: {  	_ =	shalt  }
0x4c: {  	_ =	shalt  }
0x4d: {  	_ =	shalt  }
0x4e: {  	_ =	shalt  }
0x4f: {  	_ =	shalt  }
0x50: {  	_ =	shalt  }
0x51: {  	_ =	shalt  }
0x52: {  	_ =	shalt  }
0x53: {  	_ =	shalt  }
0x54: {  	_ =	shalt  }
0x55: {  	_ =	shalt  }
0x56: {  	_ =	shalt  }
0x57: {  	_ =	shalt  }
0x58: {  	_ =	shalt  }
0x59: {  	_ =	shalt  }
0x5a: {  	_ =	shalt  }
0x5b: {  	_ =	shalt  }
0x5c: {  	_ =	shalt  }
0x5d: {  	_ =	shalt  }
0x5e: {  	_ =	shalt  }
0x5f: {  	_ =	shalt  }
0x60: {  	_ =	shalt  }
0x61: {  	_ =	shalt  }
0x62: {  	_ =	shalt  }
0x63: {  	_ =	shalt  }
0x64: {  	_ =	shalt  }
0x65: {  	_ =	shalt  }
0x66: {  	_ =	shalt  }
0x67: {  	_ =	shalt  }
0x68: {  	_ =	shalt  }
0x69: {  	_ =	shalt  }
0x6a: {  	_ =	shalt  }
0x6b: {  	_ =	shalt  }
0x6c: {  	_ =	shalt  }
0x6d: {  	_ =	shalt  }
0x6e: {  	_ =	shalt  }
0x6f: {  	_ =	shalt  }
0x70: {  	_ =	shalt  }
0x71: {  	_ =	shalt  }
0x72: {  	_ =	shalt  }
0x73: {  	_ =	shalt  }
0x74: {  	_ =	shalt  }
0x75: {  	_ =	shalt  }
0x76: {  	_ =	shalt  }
0x77: {  	_ =	shalt  }
0x78: {  	_ =	shalt  }
0x79: {  	_ =	shalt  }
0x7a: {  	_ =	shalt  }
0x7b: {  	_ =	shalt  }
0x7c: {  	_ =	shalt  }
0x7d: {  	_ =	shalt  }
0x7e: {  	_ =	shalt  }
0x7f: {  	_ =	shalt  }
0x80: {  	_ =	shalt  }
0x81: {  	_ =	shalt  }
0x82: {  	_ =	shalt  }
0x83: {  	_ =	shalt  }
0x84: {  	_ =	shalt  }
0x85: {  	_ =	shalt  }
0x86: {  	_ =	shalt  }
0x87: {  	_ =	shalt  }
.Lfunc_end0:
.L_simem_size_0:
called_computation.1_lowered:
.L_overlay_start_0:
0x88: {  	s2 =	sld [smem:$0x3FD9]  }
0x89: {  	s3 =	sld [smem:$0x3FFE];
	_ =	sdelay $0x1  }
0x8a: {  	s1 =	srdreg.scid  }
0x8b: {  	s0 =	sand.u32 $0x1, s1  }
0x8c: {  	s16 =	sshll.u32 s0, $0xA;
	s2 =	sadd.s32 s3, s2  }
0x8d: {  	s2 =	sadd.s32 s2, s16  }
0x8e: {  	[smem:$0x3FBA] =	sst s2  }
0x8f: {  	_ = 	snop  }
0x90: {  	(tm) =	ssettm $0x1  }
0x91: {  	s17 =	sld [smem:$0x3FFB];
	_ =	sdelay $0x3  }
0x92: {  	_ =	strace s17  }
0x93: {  	s2 =	sld [smem:$0x3FFC];
	_ =	sdelay $0x3  }
0x94: {  	_ =	strace s2  }
0x95: {  	s2 =	sld [smem:$0x3FFD];
	_ =	sdelay $0x3  }
0x96: {  	_ =	strace s2  }
0x97: {  	_ =	strace $0x8FFFFFFF  }
0x98: {  	s18 =	sld [smem:$0x3FDB];
	_ =	sdelay $0x1  }
0x99: {  	s19 =	simm.s32 $_scs_section_size  }
0x9a: {  	s4 =	simm.s32 $_size__tile_overlayer_lowered;
	s5 =	simm.s32 $_tile_overlayer_lowered  }
0x9b: {  	s22 =	simm.s32 $0x1BFF;
	s21 =	sshll.u32 s5, $0x1;
	s2 =	sadd.s32 s19, s18  }
0x9c: {  	s6 =	simm.s32 $0x0;
	s20 =	sshll.u32 s4, $0x1;
	s4 =	sadd.s32 s21, s2  }
0x9d: {  	[timem:s6], [sflag:s22] =	dma.local [hbm:s4], s20  }
0x9e: {  	_ =	swait.ge [sflag:s22], s20  }
0x9f: {  	s3 =	ssub.s32 $0x0, s20;
	[sflag:s22] =	ssyncset.done $0x0  }
0xa0: {  	[sflag:s22] =	ssyncadd.s32 s3;
	_ =	sdelay $0x1  }
0xa1: {  	s23 =	simm.s32 $0x1B8B  }
0xa2: {  	_ =	swait.ge [sflag:s23], $0x1  }
0xa3: {  	[sflag:s23] =	ssyncset.done $0x0  }
0xa4: {  	s25 =	simm.s32 $0x1B8E;
	s24 =	sld [smem:$0x3FFE];
	[sflag:s23] =	ssyncadd.s32 $0xFFFFFFFF  }
0xa5: {  	s26 =	simm.s32 $execute0_lowered;
	[smem:$0x3FD2] =	sst s25  }
0xa6: {  	s4 =	sshll.u32 s26, $0x1;
	_ =	strace $0x80000049;
	[dreg:$0x1] =	wrdreg $0xFFFFFFFF  }
0xa7: {  	s28 =	simm.s32 $_size_execute0_lowered;
	s2 =	sadd.s32 s2, s4;
	[dreg:$0x0] =	wrdreg $0x0  }
0xa8: {  	s4 =	sshll.u32 s28, $0x1;
	[dreg:$0x2] =	wrdreg s2  }
0xa9: {  	[dreg:$0x3] =	wrdreg s4  }
0xaa: {  	[dreg:$0x4] =	wrdreg $0xC0  }
0xab: {  	_ =	task [dreg:s6], $0x5FFFF  }
0xac: {  	[dreg:$0x1] =	wrdreg $0xFFFFFFFF  }
0xad: {  	[dreg:$0x0] =	wrdreg $0x60  }
0xae: {  	[dreg:$0x2] =	wrdreg s24  }
0xaf: {  	[dreg:$0x3] =	wrdreg $0x70000  }
0xb0: {  	[dreg:$0x4] =	wrdreg $0x9  }
0xb1: {  	_ =	task.clear_ibuf [dreg:s6], $0x5FFFF;
	_ =	strace $0x90000049  }
0xb2: {  	s29 =	simm.s32 $0x9;
	_ =	strace $0x8000004B  }
0xb3: {  	_ =	swait.ge [sflag:s29], $0x1  }
0xb4: {  	[sflag:s29] =	ssyncadd.s32 $0xFFFFFFFF  }
0xb5: {  	_ =	strace $0x9000004B  }
0xb6: {  	_ =	sfence  }
0xb7: {  	s30 =	sld [smem:$0x0];
	_ =	sdelay $0x2  }
0xb8: {  	s31 =	sshll.u32 s1, $0xD;
	s1 =	sshrl.u32 s1, $0x2  }
0xb9: {  	s3 =	sand.u32 $0x4000, s31;
	s1 =	sadd.s32 s1, s30  }
0xba: {  	s0 =	sor.u32 s3, s0;
	s1 =	sshll.u32 s1, $0x11  }
0xbb: {  	s0 =	sor.u32 s1, s0  }
0xbc: {  	s0 =	sadd.s32 $0x8F2B, s0  }
0xbd: {  	[sflag:s0] =	ssyncadd.remote.s32 $0x1  }
0xbe: {  	_ =	sfence.sel $0xFFFF  }
0xbf: {  	[dreg:$0x0] =	wrdreg $0xFFFFFFFF;
	(pc) =	sbr.abs _section_cstart, $3  }
0xc0: {  	[dreg:$0x1] =	wrdreg $0xFFFFFFFF  }
0xc1: {  	_ =	task.clear_ibuf [dreg:s6], $0x2FFFF;
	_ =	strace $0x9FFFFFFF  }
0xc2: {  	(tm) =	ssettm $0x7FFFFFFF  }
0xc3: {  	_ =	shalt  }
tec
execute0_lowered:
.L_overlay_start_1:
0x0: {  	(tag) =	ssettag $0x1  }
0x1: {  	s6 =	rddreg [dreg:$0x0]  }
0x2: {  	s1 =	srdreg.scid;
	s0 =	stileid.u32  }
0x3: {  	s2 =	rddreg [dreg:$0x1];
	s3 =	simm.s32 $0x0;
	s17 =	simm.s32 $0x80  }
0x4: {  	s18 =	simm.s32 $0x5000;
	s19 =	simm.s32 $0x1;
	s23 =	simm.s32 $0x0  }
0x5: {  	s7 =	sand.u32 $0x1, s1;
	s4 =	sshll.u32 s0, $0x1;
	s1 =	rddreg [dreg:$0x2]  }
0x6: {  	[smem:$0x7FF] =	sst s3;
	s9 =	smul.u32 $0x27800, s0;
	s12 =	sadd.s32 $0x85E00, s6  }
0x7: {  	s13 =	smul.u32 $0x13C0, s0;
	s15 =	sadd.s32 $0x9C400, s2;
	s20 =	sadd.s32 $0x94200, s2  }
0x8: {  	p0 =	sne.s32 s0, $0xF;
	p2 =	seq.s32 s0, $0xF;
	s4 =	sor.u32 s7, s4  }
0x9: {  	_ =	strace $0x8000004A;
	s10 =	ssub.s32 $0x2, s7;
	s11 =	smul.u32 $0x13880, s7  }
0xa: {  	s14 =	smul.u32 $0x9C400, s7;
	p1 =	sne.s32 @p0 s0, $0x0;
	s16 =	sshrl.u32 @!p0 s20, $0x3  }
0xb: {  	s20 =	sshrl.u32 @p2 s20, $0x3;
	s21 =	sshll.u32 @!p2 s0, $0x6;
	s5 =	smul.u32 $0x500, s4  }
0xc: {  	s4 =	sadd.s32 $0x72400, s6;
	s29 =	sshrl.u32 s10, $0x1;
	s9 =	sshrl.u32 s9, $0x2  }
0xd: {  	p1 =	por p1, !p0;
	s21 =	sor.u32 @!p2 $0x1C02, s21;
	s10 =	ssub.s32 s10, s29  }
0xe: {  	s22 =	sadd.s32 s9, s2;
	s30 =	sadd.s32 s13, s11;
	s31 =	sshrl.u32 s14, $0x3  }
0xf: {  	s11 =	simm.s32 $0x2;
	s13 =	sshll.u32 @p0 s0, $0x6;
	s15 =	sshrl.u32 @!p1 s15, $0x3  }
0x10: {  	s8 =	sadd.s32 s5, s6;
	s5 =	sadd.s32 $0xFA00, s6;
	s9 =	sadd.s32 s12, s31  }
0x11: {  	s10 =	smax.u32 s10, $0x1;
	s13 =	sor.u32 @p0 $0x1C02, s13;
	s14 =	sshrl.u32 @p0 s22, $0x3  }
0x12: {  	s22 =	sshrl.u32 @!p2 s22, $0x3;
	s6 =	sadd.s32 $0x1A000, s8;
	s7 =	sadd.s32 $0x5A00, s8  }
0x13: {  	s8 =	sadd.s32 s12, s30;
	s9 =	sadd.s32 $0x12840, s9;
	s12 =	simm.s32 $0x2800  }
.LBB2_1:
0x14: {  	[tilespmem:s3], [sflag:$0x2] =	stream.linear.gather [hbm4b:s6+s3], $0x2800, $0x38;
	[tilespmem:$0x10C80] =	vst v63  }
0x15: {  	_ =	swait.ge [sflag:s11], $0x2800  }
0x16: {  	[sflag:s11] =	ssyncset.done $0x0  }
0x17: {  	[sflag:s11] =	ssyncadd.s32 $0xFFFFD800  }
0x18: {  	[tilespmem:s12], [sflag:$0x2] =	stream.linear.gather [hbm4b:s7+s3], $0x2800, $0x38;
	[tilespmem:$0x10C80] =	vst v63  }
0x19: {  	_ =	swait.ge [sflag:s11], $0x2800  }
0x1a: {  	[sflag:s11] =	ssyncset.done $0x0  }
0x1b: {  	s24 =	simm.s32 @p0 $0x2;
	[sflag:s11] =	ssyncadd.s32 $0xFFFFD800  }
0x1c: {  	[spmem:s14], [sflag:s13] =	dma.local @p0 [hbm:s5], $0x13C0  }
0x1d: {  	_ =	swait.ge @p0 [sflag:s24], $0x13C0  }
0x1e: {  	[sflag:s24] =	ssyncset.done @p0 $0x0  }
0x1f: {  	[sflag:s24] =	ssyncadd.s32 @p0 $0xFFFFEC40;
	s24 =	simm.s32 @!p1 $0x1C02  }
0x20: {  	[spmem:s15], [sflag:s24] =	dma.local @!p1 [hbm:s5], $0x80  }
0x21: {  	s24 =	simm.s32 @!p1 $0x2  }
0x22: {  	_ =	swait.ge @!p1 [sflag:s24], $0x80  }
0x23: {  	[sflag:s24] =	ssyncset.done @!p1 $0x0  }
0x24: {  	[sflag:s24] =	ssyncadd.s32 @!p1 $0xFFFFFF80;
	s24 =	simm.s32 @!p0 $0x1FC2  }
0x25: {  	[spmem:s16], [sflag:s24] =	dma.local @!p0 [hbm:s5], $0x1040  }
0x26: {  	s24 =	simm.s32 @!p0 $0x2  }
0x27: {  	_ =	swait.ge @!p0 [sflag:s24], $0x1040  }
0x28: {  	[sflag:s24] =	ssyncset.done @!p0 $0x0  }
0x29: {  	[sflag:s24] =	ssyncadd.s32 @!p0 $0xFFFFEFC0  }
0x2a: {  	s30 =	simm.s32 $0x0;
	[bflag:$0x0] =	sbarrier.arrive $0xFFFF  }
0x2b: {  	[tilespmem:s18], [sflag:$0x1] =	stream.indirect.gather [hbm4b:s4+s17], $0x40, s30, s17, $0xb8;
	[tilespmem:$0x10C80] =	vst v63  }
0x2c: {  	_ =	swait.ge [sflag:s19], $0x2000  }
0x2d: {  	[sflag:s19] =	ssyncset.done $0x0  }
0x2e: {  	s31 =	simm.s32 $0x2800;
	[sflag:s19] =	ssyncadd.s32 $0xFFFFE000  }
0x2f: {  	[spmem:s2] =	stream.indirect.scatter.add.f32 [tilespmem:s18], [sflag:$0x2], $0x40, s31, s17, $0xb8;
	[tilespmem:$0x10C80] =	vst v63  }
0x30: {  	_ =	swait.ge [sflag:s11], $0x2000  }
0x31: {  	s25 =	simm.s32 $0x400;
	s24 =	simm.s32 $0x200;
	[sflag:s11] =	ssyncset.done $0x0  }
.LBB2_2:
0x32: {  	s26 =	sshra.s32 s24, $0x2  }
0x33: {  	[sflag:s11] =	ssyncadd.s32 $0xFFFFE000;
	s24 =	smov.u32 s25;
	s28 =	sadd.s32 $0x200, s25  }
0x34: {  	[tilespmem:s18], [sflag:$0x1] =	stream.indirect.gather [hbm4b:s4+s17], $0x40, s26, s17, $0xb8;
	[tilespmem:$0x10C80] =	vst v63  }
0x35: {  	p3 =	sne.s32 s25, $0x9E00;
	_ =	swait.ge [sflag:s19], $0x2000  }
.Ltmp0:
0x36: {  	[sflag:s19] =	ssyncset.done $0x0;
	(pc) =	sbr.rel @p3 .LBB2_2-.Ltmp0, $4  }
0x37: {  	s25 =	sadd.s32 $0x2800, s26;
	[sflag:s19] =	ssyncadd.s32 $0xFFFFE000  }
0x38: {  	[spmem:s2] =	stream.indirect.scatter.add.f32 [tilespmem:s18], [sflag:$0x2], $0x40, s25, s17, $0xb8;
	[tilespmem:$0x10C80] =	vst v63  }
0x39: {  	_ =	swait.ge [sflag:s11], $0x2000  }
0x3a: {  	s25 =	smov.u32 s28;
	[sflag:s11] =	ssyncset.done $0x0  }
0x3b: {  	s24 =	sshra.s32 s24, $0x2;
	[sflag:s11] =	ssyncadd.s32 $0xFFFFE000  }
0x3c: {  	[tilespmem:s18], [sflag:$0x1] =	stream.indirect.gather [hbm4b:s4+s17], $0x40, s24, s17, $0xb8;
	[tilespmem:$0x10C80] =	vst v63  }
0x3d: {  	_ =	swait.ge [sflag:s19], $0x2000  }
0x3e: {  	[sflag:s19] =	ssyncset.done $0x0  }
0x3f: {  	s24 =	sadd.s32 $0x2800, s24;
	[sflag:s19] =	ssyncadd.s32 $0xFFFFE000  }
0x40: {  	[spmem:s2] =	stream.indirect.scatter.add.f32 [tilespmem:s18], [sflag:$0x2], $0x40, s24, s17, $0xb8;
	[tilespmem:$0x10C80] =	vst v63  }
0x41: {  	_ =	swait.ge [sflag:s11], $0x2000  }
0x42: {  	[sflag:s11] =	ssyncset.done $0x0  }
0x43: {  	[sflag:s11] =	ssyncadd.s32 $0xFFFFE000  }
0x44: {  	s24 =	simm.s32 @p2 $0x1FC2;
	[bflag:$0x0] =	sbarrier.arrive $0xFFFF  }
0x45: {  	[hbm:s9], [sflag:s24] =	dma.local @p2 [spmem:s20], $0x1040  }
0x46: {  	s24 =	simm.s32 @p2 $0x2  }
0x47: {  	s23 =	sadd.s32 $0x1, s23;
	_ =	swait.ge @p2 [sflag:s24], $0x1040  }
0x48: {  	p3 =	sne.s32 s23, s10;
	[sflag:s24] =	ssyncset.done @p2 $0x0  }
.Ltmp1:
0x49: {  	[sflag:s24] =	ssyncadd.s32 @p2 $0xFFFFEFC0;
	s24 =	simm.s32 @!p2 $0x2;
	(pc) =	sbr.rel @p3 .LBB2_1-.Ltmp1, $4  }
0x4a: {  	[hbm:s8], [sflag:s21] =	dma.local @!p2 [spmem:s22], $0x13C0  }
0x4b: {  	_ =	swait.ge @!p2 [sflag:s24], $0x13C0  }
0x4c: {  	[sflag:s24] =	ssyncset.done @!p2 $0x0  }
0x4d: {  	[sflag:s24] =	ssyncadd.s32 @!p2 $0xFFFFEC40  }
0x4e: {  	_ =	sfence.sel $0x180000  }
0x4f: {  	[bflag:$0x0] =	sbarrier.arrive $0xFFFF  }
0x50: {  	p0 =	sne.s32 s0, $0x0;
	_ =	strace $0x9000004A  }
0x51: {  	s0 =	sadd.s32 @!p0 $0x100000, s1;
	[bflag:$0x2] =	sbarrier.arrive $0xFFFF  }
0x52: {  	[sflag:s0] =	ssyncadd.tile.s32 @!p0 $0x1;
	_ =	shalt  }
.Lfunc_end2:
_tile_overlayer_lowered:
.L_overlay_start_2:
0x53: {  	(tag) =	ssettag $0x2  }
0x54: {  	s0 =	rddreg [dreg:$0x0];
	s2 =	stileid.u32  }
0x55: {  	s1 =	rddreg [dreg:$0x1];
	p0 =	sne.s32 s2, $0x0  }
0x56: {  	s3 =	rddreg [dreg:$0x2];
	[bflag:$0x3] =	sbarrier.arrive $0xFFFF;
	s2 =	simm.s32 @!p0 $0x1C02  }
0x57: {  	[timem:s3], [sflag:s2] =	dma.local @!p0 [hbm:s0], s1  }
0x58: {  	s0 =	simm.s32 @!p0 $0x2  }
0x59: {  	_ =	swait.ge @!p0 [sflag:s0], s1  }
0x5a: {  	s1 =	ssub.s32 @!p0 $0x0, s1;
	[sflag:s0] =	ssyncset.done @!p0 $0x0  }
0x5b: {  	[sflag:s0] =	ssyncadd.s32 @!p0 s1  }
0x5c: {  	[bflag:$0x3] =	sbarrier.arrive $0xFFFF  }
0x5d: {  	_ =	shalt  }

// kernel: kernel.18.cloned.1.call-start
scs
__scs_entry_jumppad:
0x0: {  	(pc) =	sbr.rel $0x88, $3  }
0x1: {  	(tag) =	ssettag $0x0;
	lr =	simm.s32 $0x1  }
0x2: {  	[smem:$0x3F93] =	sst lr;
	_ =	strace $0xD0000000  }
0x3: {  	_ = 	snop  }
0x4: {  	_ = 	snop  }
0x5: {  	_ = 	snop  }
0x6: {  	_ = 	snop  }
0x7: {  	_ = 	snop  }
__scs_overlays_trampoline_lowered:
0x8: {  	[smem:$0x3FA2] =	sst s0  }
0x9: {  	[smem:$0x3FA3] =	sst s1  }
0xa: {  	[smem:$0x3FA4] =	sst s2  }
0xb: {  	[smem:$0x3FA5] =	sst s3  }
0xc: {  	[smem:$0x3FA6] =	sst s4  }
0xd: {  	[smem:$0x3FA7] =	sst s5  }
0xe: {  	[smem:$0x3FA8] =	sst s6  }
0xf: {  	[smem:$0x3FA9] =	sst s7  }
0x10: {  	[smem:$0x3FAA] =	sst s8  }
0x11: {  	[smem:$0x3FAB] =	sst s9;
	s0 =	simm.s32 @!p0 $0x0  }
0x12: {  	s1 =	sld [smem:$0x3F91];
	s0 =	simm.s32 @p0 $0x1  }
0x13: {  	[smem:$0x3FAC] =	sst s0;
	s0 =	simm.s32 @!p1 $0x0  }
0x14: {  	s2 =	sld [smem:$0x3F90];
	s0 =	simm.s32 @p1 $0x1  }
0x15: {  	[smem:$0x3FAD] =	sst s0;
	s0 =	simm.s32 @!p2 $0x0  }
0x16: {  	s3 =	sld [smem:$0x3FDB];
	s0 =	simm.s32 @p2 $0x1  }
0x17: {  	s4 =	simm.s32 $0x1BF5;
	[smem:$0x3FAF] =	sst s0  }
0x18: {  	s0 =	sld [smem:$0x3F92];
	_ =	swait.ge [sflag:s4], $0x0  }
0x19: {  	s7 =	sld [smem:$0x3F93]  }
0x1a: {  	s8 =	sadd.s32 $0xFFFFE003, lr  }
0x1b: {  	s9 =	sadd.s32 $0xFFFFFEF7, lr;
	s5 =	simm.s32 $0xFFFFFFFF;
	p2 =	slt.u32 s8, $0xFFFFF086  }
0x1c: {  	p1 =	slt.u32 s9, $0xF7A;
	s5 =	simm.s32 @!p2 $0x0  }
0x1d: {  	s5 =	simm.s32 @p1 $0x1;
	p0 =	seq.s32 s7, s2  }
0x1e: {  	s7 =	smul.u32 @!p0 $0xF7A, s2;
	p2 =	seq.s32 @!p0 s5, $0x0  }
0x1f: {  	s9 =	smul.u32 $0xF7A, s1;
	s8 =	simm.s32 @!p0 $0x1BF5;
	p2 =	por !p2, p0  }
0x20: {  	[sflag:s8] =	ssyncset.s32 @!p0 $0xFFFFF086;
	s6 =	sadd.s32 @!p0 s3, s7;
	s7 =	simm.s32 @!p0 $0x108  }
0x21: {  	s3 =	sadd.s32 s3, s9;
	s6 =	sadd.s32 @!p0 $0x88, s6;
	s7 =	simm.s32 @p2 $0x1082  }
0x22: {  	[simem:s7], [sflag:s8] =	dma.local @!p0 [hbm:s6], $0xF7A  }
0x23: {  	s9 =	sor.u32 $0xD0000000, s2;
	s6 =	simm.s32 $0x108;
	_ =	swait.ge @!p0 [sflag:s8], $0x0  }
0x24: {  	s3 =	sadd.s32 $0x88, s3;
	s6 =	simm.s32 @!p1 $0x1082;
	[sflag:s4] =	ssyncset.s32 $0xFFFFF086  }
0x25: {  	[simem:s6], [sflag:s4] =	dma.local [hbm:s3], $0xF7A  }
0x26: {  	[smem:$0x3F93] =	sst s1;
	(tag) =	ssettag s2;
	_ =	strace s9  }
0x27: {  	s1 =	sld [smem:$0x3FA3]  }
0x28: {  	s2 =	sld [smem:$0x3FA4]  }
0x29: {  	s4 =	sld [smem:$0x3FA6]  }
0x2a: {  	p0 =	seq.s32 s5, $0x0;
	s5 =	sld [smem:$0x3FA7]  }
0x2b: {  	s6 =	sld [smem:$0x3FA8]  }
0x2c: {  	s7 =	sld [smem:$0x3FA9]  }
0x2d: {  	s3 =	simm.s32 $0x108;
	s8 =	sld [smem:$0x3FAA]  }
0x2e: {  	s3 =	simm.s32 @!p0 $0x1082;
	s9 =	sld [smem:$0x3FAB]  }
0x2f: {  	lr =	sadd.s32 s0, s3;
	s0 =	sld [smem:$0x3FA2]  }
0x30: {  	s3 =	sld [smem:$0x3FA5]  }
0x31: {  	[smem:$0x3FAE] =	sst s10  }
0x32: {  	s10 =	sld [smem:$0x3FAC];
	_ =	sdelay $0x3  }
0x33: {  	p0 =	seq.s32 s10, $0x1;
	s10 =	sld [smem:$0x3FAE];
	_ =	sdelay $0x3  }
0x34: {  	[smem:$0x3FAE] =	sst s10  }
0x35: {  	s10 =	sld [smem:$0x3FAD];
	_ =	sdelay $0x3  }
0x36: {  	p1 =	seq.s32 s10, $0x1;
	s10 =	sld [smem:$0x3FAE];
	_ =	sdelay $0x3  }
0x37: {  	[smem:$0x3FAE] =	sst s10  }
0x38: {  	s10 =	sld [smem:$0x3FAF]  }
0x39: {  	_ = 	snop;
	(pc) =	sbr.ind lr, $3  }
0x3a: {  	_ = 	snop  }
0x3b: {  	_ = 	snop  }
0x3c: {  	p2 =	seq.s32 s10, $0x1;
	s10 =	sld [smem:$0x3FAE]  }
0x3d: {  	_ =	shalt  }
0x3e: {  	_ =	shalt  }
0x3f: {  	_ =	shalt  }
0x40: {  	_ =	shalt  }
0x41: {  	_ =	shalt  }
0x42: {  	_ =	shalt  }
0x43: {  	_ =	shalt  }
0x44: {  	_ =	shalt  }
0x45: {  	_ =	shalt  }
0x46: {  	_ =	shalt  }
0x47: {  	_ =	shalt  }
0x48: {  	_ =	shalt  }
0x49: {  	_ =	shalt  }
0x4a: {  	_ =	shalt  }
0x4b: {  	_ =	shalt  }
0x4c: {  	_ =	shalt  }
0x4d: {  	_ =	shalt  }
0x4e: {  	_ =	shalt  }
0x4f: {  	_ =	shalt  }
0x50: {  	_ =	shalt  }
0x51: {  	_ =	shalt  }
0x52: {  	_ =	shalt  }
0x53: {  	_ =	shalt  }
0x54: {  	_ =	shalt  }
0x55: {  	_ =	shalt  }
0x56: {  	_ =	shalt  }
0x57: {  	_ =	shalt  }
0x58: {  	_ =	shalt  }
0x59: {  	_ =	shalt  }
0x5a: {  	_ =	shalt  }
0x5b: {  	_ =	shalt  }
0x5c: {  	_ =	shalt  }
0x5d: {  	_ =	shalt  }
0x5e: {  	_ =	shalt  }
0x5f: {  	_ =	shalt  }
0x60: {  	_ =	shalt  }
0x61: {  	_ =	shalt  }
0x62: {  	_ =	shalt  }
0x63: {  	_ =	shalt  }
0x64: {  	_ =	shalt  }
0x65: {  	_ =	shalt  }
0x66: {  	_ =	shalt  }
0x67: {  	_ =	shalt  }
0x68: {  	_ =	shalt  }
0x69: {  	_ =	shalt  }
0x6a: {  	_ =	shalt  }
0x6b: {  	_ =	shalt  }
0x6c: {  	_ =	shalt  }
0x6d: {  	_ =	shalt  }
0x6e: {  	_ =	shalt  }
0x6f: {  	_ =	shalt  }
0x70: {  	_ =	shalt  }
0x71: {  	_ =	shalt  }
0x72: {  	_ =	shalt  }
0x73: {  	_ =	shalt  }
0x74: {  	_ =	shalt  }
0x75: {  	_ =	shalt  }
0x76: {  	_ =	shalt  }
0x77: {  	_ =	shalt  }
0x78: {  	_ =	shalt  }
0x79: {  	_ =	shalt  }
0x7a: {  	_ =	shalt  }
0x7b: {  	_ =	shalt  }
0x7c: {  	_ =	shalt  }
0x7d: {  	_ =	shalt  }
0x7e: {  	_ =	shalt  }
0x7f: {  	_ =	shalt  }
0x80: {  	_ =	shalt  }
0x81: {  	_ =	shalt  }
0x82: {  	_ =	shalt  }
0x83: {  	_ =	shalt  }
0x84: {  	_ =	shalt  }
0x85: {  	_ =	shalt  }
0x86: {  	_ =	shalt  }
0x87: {  	_ =	shalt  }
.Lfunc_end0:
.L_simem_size_0:
called_computation.2_lowered:
.L_overlay_start_0:
0x88: {  	s2 =	sld [smem:$0x3FD9]  }
0x89: {  	s3 =	sld [smem:$0x3FFE];
	_ =	sdelay $0x1  }
0x8a: {  	s1 =	srdreg.scid  }
0x8b: {  	s0 =	sand.u32 $0x1, s1  }
0x8c: {  	s16 =	sshll.u32 s0, $0xA;
	s2 =	sadd.s32 s3, s2  }
0x8d: {  	s2 =	sadd.s32 s2, s16  }
0x8e: {  	[smem:$0x3FBA] =	sst s2  }
0x8f: {  	_ = 	snop  }
0x90: {  	(tm) =	ssettm $0x1  }
0x91: {  	s17 =	sld [smem:$0x3FFB];
	_ =	sdelay $0x3  }
0x92: {  	_ =	strace s17  }
0x93: {  	s2 =	sld [smem:$0x3FFC];
	_ =	sdelay $0x3  }
0x94: {  	_ =	strace s2  }
0x95: {  	s2 =	sld [smem:$0x3FFD];
	_ =	sdelay $0x3  }
0x96: {  	_ =	strace s2  }
0x97: {  	_ =	strace $0x8FFFFFFF  }
0x98: {  	s18 =	sld [smem:$0x3FDB];
	_ =	sdelay $0x1  }
0x99: {  	s19 =	simm.s32 $_scs_section_size  }
0x9a: {  	s4 =	simm.s32 $_size__tile_overlayer_lowered;
	s5 =	simm.s32 $_tile_overlayer_lowered  }
0x9b: {  	s22 =	simm.s32 $0x1BFF;
	s21 =	sshll.u32 s5, $0x1;
	s2 =	sadd.s32 s19, s18  }
0x9c: {  	s6 =	simm.s32 $0x0;
	s20 =	sshll.u32 s4, $0x1;
	s4 =	sadd.s32 s21, s2  }
0x9d: {  	[timem:s6], [sflag:s22] =	dma.local [hbm:s4], s20  }
0x9e: {  	_ =	swait.ge [sflag:s22], s20  }
0x9f: {  	s3 =	ssub.s32 $0x0, s20;
	[sflag:s22] =	ssyncset.done $0x0  }
0xa0: {  	[sflag:s22] =	ssyncadd.s32 s3;
	_ =	sdelay $0x1  }
0xa1: {  	s23 =	simm.s32 $0x1B8B  }
0xa2: {  	_ =	swait.ge [sflag:s23], $0x1  }
0xa3: {  	[sflag:s23] =	ssyncset.done $0x0  }
0xa4: {  	s25 =	simm.s32 $0x1B8E;
	s24 =	sld [smem:$0x3FFE];
	[sflag:s23] =	ssyncadd.s32 $0xFFFFFFFF  }
0xa5: {  	s26 =	simm.s32 $execute0_lowered;
	[smem:$0x3FD2] =	sst s25  }
0xa6: {  	s4 =	sshll.u32 s26, $0x1;
	_ =	strace $0x8000004C;
	[dreg:$0x1] =	wrdreg $0xFFFFFFFF  }
0xa7: {  	s28 =	simm.s32 $_size_execute0_lowered;
	s2 =	sadd.s32 s2, s4;
	[dreg:$0x0] =	wrdreg $0x0  }
0xa8: {  	s4 =	sshll.u32 s28, $0x1;
	[dreg:$0x2] =	wrdreg s2  }
0xa9: {  	[dreg:$0x3] =	wrdreg s4  }
0xaa: {  	[dreg:$0x4] =	wrdreg $0xC0  }
0xab: {  	_ =	task [dreg:s6], $0x5FFFF  }
0xac: {  	[dreg:$0x1] =	wrdreg $0xFFFFFFFF  }
0xad: {  	[dreg:$0x0] =	wrdreg $0x60  }
0xae: {  	[dreg:$0x2] =	wrdreg s24  }
0xaf: {  	[dreg:$0x3] =	wrdreg $0x70000  }
0xb0: {  	[dreg:$0x4] =	wrdreg $0x9  }
0xb1: {  	_ =	task.clear_ibuf [dreg:s6], $0x5FFFF;
	_ =	strace $0x9000004C  }
0xb2: {  	s29 =	simm.s32 $0x9;
	_ =	strace $0x8000004E  }
0xb3: {  	_ =	swait.ge [sflag:s29], $0x1  }
0xb4: {  	[sflag:s29] =	ssyncadd.s32 $0xFFFFFFFF  }
0xb5: {  	_ =	strace $0x9000004E  }
0xb6: {  	_ =	sfence  }
0xb7: {  	s30 =	sld [smem:$0x0];
	_ =	sdelay $0x2  }
0xb8: {  	s31 =	sshll.u32 s1, $0xD;
	s1 =	sshrl.u32 s1, $0x2  }
0xb9: {  	s3 =	sand.u32 $0x4000, s31;
	s1 =	sadd.s32 s1, s30  }
0xba: {  	s0 =	sor.u32 s3, s0;
	s1 =	sshll.u32 s1, $0x11  }
0xbb: {  	s0 =	sor.u32 s1, s0  }
0xbc: {  	s0 =	sadd.s32 $0x8F2B, s0  }
0xbd: {  	[sflag:s0] =	ssyncadd.remote.s32 $0x1  }
0xbe: {  	_ =	sfence.sel $0xFFFF  }
0xbf: {  	[dreg:$0x0] =	wrdreg $0xFFFFFFFF;
	(pc) =	sbr.abs _section_cstart, $3  }
0xc0: {  	[dreg:$0x1] =	wrdreg $0xFFFFFFFF  }
0xc1: {  	_ =	task.clear_ibuf [dreg:s6], $0x2FFFF;
	_ =	strace $0x9FFFFFFF  }
0xc2: {  	(tm) =	ssettm $0x7FFFFFFF  }
0xc3: {  	_ =	shalt  }
tec
execute0_lowered:
.L_overlay_start_1:
0x0: {  	(tag) =	ssettag $0x1  }
0x1: {  	s6 =	rddreg [dreg:$0x0]  }
0x2: {  	s1 =	srdreg.scid;
	s0 =	stileid.u32  }
0x3: {  	s2 =	rddreg [dreg:$0x1];
	s3 =	simm.s32 $0x0;
	s17 =	simm.s32 $0x80  }
0x4: {  	s18 =	simm.s32 $0x5000;
	s19 =	simm.s32 $0x1;
	s23 =	simm.s32 $0x0  }
0x5: {  	s7 =	sand.u32 $0x1, s1;
	s4 =	sshll.u32 s0, $0x1;
	s1 =	rddreg [dreg:$0x2]  }
0x6: {  	[smem:$0x7FF] =	sst s3;
	s9 =	smul.u32 $0x27800, s0;
	s12 =	sadd.s32 $0x85E00, s6  }
0x7: {  	s13 =	smul.u32 $0x13C0, s0;
	s15 =	sadd.s32 $0x9C400, s2;
	s20 =	sadd.s32 $0x94200, s2  }
0x8: {  	p0 =	sne.s32 s0, $0xF;
	p2 =	seq.s32 s0, $0xF;
	s4 =	sor.u32 s7, s4  }
0x9: {  	_ =	strace $0x8000004D;
	s10 =	ssub.s32 $0x2, s7;
	s11 =	smul.u32 $0x13880, s7  }
0xa: {  	s14 =	smul.u32 $0x9C400, s7;
	p1 =	sne.s32 @p0 s0, $0x0;
	s16 =	sshrl.u32 @!p0 s20, $0x3  }
0xb: {  	s20 =	sshrl.u32 @p2 s20, $0x3;
	s21 =	sshll.u32 @!p2 s0, $0x6;
	s5 =	smul.u32 $0x500, s4  }
0xc: {  	s4 =	sadd.s32 $0x72400, s6;
	s29 =	sshrl.u32 s10, $0x1;
	s9 =	sshrl.u32 s9, $0x2  }
0xd: {  	p1 =	por p1, !p0;
	s21 =	sor.u32 @!p2 $0x1C02, s21;
	s10 =	ssub.s32 s10, s29  }
0xe: {  	s22 =	sadd.s32 s9, s2;
	s30 =	sadd.s32 s13, s11;
	s31 =	sshrl.u32 s14, $0x3  }
0xf: {  	s11 =	simm.s32 $0x2;
	s13 =	sshll.u32 @p0 s0, $0x6;
	s15 =	sshrl.u32 @!p1 s15, $0x3  }
0x10: {  	s8 =	sadd.s32 s5, s6;
	s5 =	sadd.s32 $0xFA00, s6;
	s9 =	sadd.s32 s12, s31  }
0x11: {  	s10 =	smax.u32 s10, $0x1;
	s13 =	sor.u32 @p0 $0x1C02, s13;
	s14 =	sshrl.u32 @p0 s22, $0x3  }
0x12: {  	s22 =	sshrl.u32 @!p2 s22, $0x3;
	s6 =	sadd.s32 $0x1A000, s8;
	s7 =	sadd.s32 $0x5A00, s8  }
0x13: {  	s8 =	sadd.s32 s12, s30;
	s9 =	sadd.s32 $0x12840, s9;
	s12 =	simm.s32 $0x2800  }
.LBB2_1:
0x14: {  	[tilespmem:s3], [sflag:$0x2] =	stream.linear.gather [hbm4b:s6+s3], $0x2800, $0x38;
	[tilespmem:$0x10C80] =	vst v63  }
0x15: {  	_ =	swait.ge [sflag:s11], $0x2800  }
0x16: {  	[sflag:s11] =	ssyncset.done $0x0  }
0x17: {  	[sflag:s11] =	ssyncadd.s32 $0xFFFFD800  }
0x18: {  	[tilespmem:s12], [sflag:$0x2] =	stream.linear.gather [hbm4b:s7+s3], $0x2800, $0x38;
	[tilespmem:$0x10C80] =	vst v63  }
0x19: {  	_ =	swait.ge [sflag:s11], $0x2800  }
0x1a: {  	[sflag:s11] =	ssyncset.done $0x0  }
0x1b: {  	s24 =	simm.s32 @p0 $0x2;
	[sflag:s11] =	ssyncadd.s32 $0xFFFFD800  }
0x1c: {  	[spmem:s14], [sflag:s13] =	dma.local @p0 [hbm:s5], $0x13C0  }
0x1d: {  	_ =	swait.ge @p0 [sflag:s24], $0x13C0  }
0x1e: {  	[sflag:s24] =	ssyncset.done @p0 $0x0  }
0x1f: {  	[sflag:s24] =	ssyncadd.s32 @p0 $0xFFFFEC40;
	s24 =	simm.s32 @!p1 $0x1C02  }
0x20: {  	[spmem:s15], [sflag:s24] =	dma.local @!p1 [hbm:s5], $0x80  }
0x21: {  	s24 =	simm.s32 @!p1 $0x2  }
0x22: {  	_ =	swait.ge @!p1 [sflag:s24], $0x80  }
0x23: {  	[sflag:s24] =	ssyncset.done @!p1 $0x0  }
0x24: {  	[sflag:s24] =	ssyncadd.s32 @!p1 $0xFFFFFF80;
	s24 =	simm.s32 @!p0 $0x1FC2  }
0x25: {  	[spmem:s16], [sflag:s24] =	dma.local @!p0 [hbm:s5], $0x1040  }
0x26: {  	s24 =	simm.s32 @!p0 $0x2  }
0x27: {  	_ =	swait.ge @!p0 [sflag:s24], $0x1040  }
0x28: {  	[sflag:s24] =	ssyncset.done @!p0 $0x0  }
0x29: {  	[sflag:s24] =	ssyncadd.s32 @!p0 $0xFFFFEFC0  }
0x2a: {  	s30 =	simm.s32 $0x0;
	[bflag:$0x0] =	sbarrier.arrive $0xFFFF  }
0x2b: {  	[tilespmem:s18], [sflag:$0x1] =	stream.indirect.gather [hbm4b:s4+s17], $0x40, s30, s17, $0xb8;
	[tilespmem:$0x10C80] =	vst v63  }
0x2c: {  	_ =	swait.ge [sflag:s19], $0x2000  }
0x2d: {  	[sflag:s19] =	ssyncset.done $0x0  }
0x2e: {  	s31 =	simm.s32 $0x2800;
	[sflag:s19] =	ssyncadd.s32 $0xFFFFE000  }
0x2f: {  	[spmem:s2] =	stream.indirect.scatter.add.f32 [tilespmem:s18], [sflag:$0x2], $0x40, s31, s17, $0xb8;
	[tilespmem:$0x10C80] =	vst v63  }
0x30: {  	_ =	swait.ge [sflag:s11], $0x2000  }
0x31: {  	s25 =	simm.s32 $0x400;
	s24 =	simm.s32 $0x200;
	[sflag:s11] =	ssyncset.done $0x0  }
.LBB2_2:
0x32: {  	s26 =	sshra.s32 s24, $0x2  }
0x33: {  	[sflag:s11] =	ssyncadd.s32 $0xFFFFE000;
	s24 =	smov.u32 s25;
	s28 =	sadd.s32 $0x200, s25  }
0x34: {  	[tilespmem:s18], [sflag:$0x1] =	stream.indirect.gather [hbm4b:s4+s17], $0x40, s26, s17, $0xb8;
	[tilespmem:$0x10C80] =	vst v63  }
0x35: {  	p3 =	sne.s32 s25, $0x9E00;
	_ =	swait.ge [sflag:s19], $0x2000  }
.Ltmp0:
0x36: {  	[sflag:s19] =	ssyncset.done $0x0;
	(pc) =	sbr.rel @p3 .LBB2_2-.Ltmp0, $4  }
0x37: {  	s25 =	sadd.s32 $0x2800, s26;
	[sflag:s19] =	ssyncadd.s32 $0xFFFFE000  }
0x38: {  	[spmem:s2] =	stream.indirect.scatter.add.f32 [tilespmem:s18], [sflag:$0x2], $0x40, s25, s17, $0xb8;
	[tilespmem:$0x10C80] =	vst v63  }
0x39: {  	_ =	swait.ge [sflag:s11], $0x2000  }
0x3a: {  	s25 =	smov.u32 s28;
	[sflag:s11] =	ssyncset.done $0x0  }
0x3b: {  	s24 =	sshra.s32 s24, $0x2;
	[sflag:s11] =	ssyncadd.s32 $0xFFFFE000  }
0x3c: {  	[tilespmem:s18], [sflag:$0x1] =	stream.indirect.gather [hbm4b:s4+s17], $0x40, s24, s17, $0xb8;
	[tilespmem:$0x10C80] =	vst v63  }
0x3d: {  	_ =	swait.ge [sflag:s19], $0x2000  }
0x3e: {  	[sflag:s19] =	ssyncset.done $0x0  }
0x3f: {  	s24 =	sadd.s32 $0x2800, s24;
	[sflag:s19] =	ssyncadd.s32 $0xFFFFE000  }
0x40: {  	[spmem:s2] =	stream.indirect.scatter.add.f32 [tilespmem:s18], [sflag:$0x2], $0x40, s24, s17, $0xb8;
	[tilespmem:$0x10C80] =	vst v63  }
0x41: {  	_ =	swait.ge [sflag:s11], $0x2000  }
0x42: {  	[sflag:s11] =	ssyncset.done $0x0  }
0x43: {  	[sflag:s11] =	ssyncadd.s32 $0xFFFFE000  }
0x44: {  	s24 =	simm.s32 @p2 $0x1FC2;
	[bflag:$0x0] =	sbarrier.arrive $0xFFFF  }
0x45: {  	[hbm:s9], [sflag:s24] =	dma.local @p2 [spmem:s20], $0x1040  }
0x46: {  	s24 =	simm.s32 @p2 $0x2  }
0x47: {  	s23 =	sadd.s32 $0x1, s23;
	_ =	swait.ge @p2 [sflag:s24], $0x1040  }
0x48: {  	p3 =	sne.s32 s23, s10;
	[sflag:s24] =	ssyncset.done @p2 $0x0  }
.Ltmp1:
0x49: {  	[sflag:s24] =	ssyncadd.s32 @p2 $0xFFFFEFC0;
	s24 =	simm.s32 @!p2 $0x2;
	(pc) =	sbr.rel @p3 .LBB2_1-.Ltmp1, $4  }
0x4a: {  	[hbm:s8], [sflag:s21] =	dma.local @!p2 [spmem:s22], $0x13C0  }
0x4b: {  	_ =	swait.ge @!p2 [sflag:s24], $0x13C0  }
0x4c: {  	[sflag:s24] =	ssyncset.done @!p2 $0x0  }
0x4d: {  	[sflag:s24] =	ssyncadd.s32 @!p2 $0xFFFFEC40  }
0x4e: {  	_ =	sfence.sel $0x180000  }
0x4f: {  	[bflag:$0x0] =	sbarrier.arrive $0xFFFF  }
0x50: {  	p0 =	sne.s32 s0, $0x0;
	_ =	strace $0x9000004D  }
0x51: {  	s0 =	sadd.s32 @!p0 $0x100000, s1;
	[bflag:$0x2] =	sbarrier.arrive $0xFFFF  }
0x52: {  	[sflag:s0] =	ssyncadd.tile.s32 @!p0 $0x1;
	_ =	shalt  }
.Lfunc_end2:
_tile_overlayer_lowered:
.L_overlay_start_2:
0x53: {  	(tag) =	ssettag $0x2  }
0x54: {  	s0 =	rddreg [dreg:$0x0];
	s2 =	stileid.u32  }
0x55: {  	s1 =	rddreg [dreg:$0x1];
	p0 =	sne.s32 s2, $0x0  }
0x56: {  	s3 =	rddreg [dreg:$0x2];
	[bflag:$0x3] =	sbarrier.arrive $0xFFFF;
	s2 =	simm.s32 @!p0 $0x1C02  }
0x57: {  	[timem:s3], [sflag:s2] =	dma.local @!p0 [hbm:s0], s1  }
0x58: {  	s0 =	simm.s32 @!p0 $0x2  }
0x59: {  	_ =	swait.ge @!p0 [sflag:s0], s1  }
0x5a: {  	s1 =	ssub.s32 @!p0 $0x0, s1;
	[sflag:s0] =	ssyncset.done @!p0 $0x0  }
0x5b: {  	[sflag:s0] =	ssyncadd.s32 @!p0 s1  }
0x5c: {  	[bflag:$0x3] =	sbarrier.arrive $0xFFFF  }
0x5d: {  	_ =	shalt  }

// kernel: kernel.21.cloned.1.call-start
scs
__scs_entry_jumppad:
0x0: {  	(pc) =	sbr.rel $0x88, $3  }
0x1: {  	(tag) =	ssettag $0x0;
	lr =	simm.s32 $0x1  }
0x2: {  	[smem:$0x3F93] =	sst lr;
	_ =	strace $0xD0000000  }
0x3: {  	_ = 	snop  }
0x4: {  	_ = 	snop  }
0x5: {  	_ = 	snop  }
0x6: {  	_ = 	snop  }
0x7: {  	_ = 	snop  }
__scs_overlays_trampoline_lowered:
0x8: {  	[smem:$0x3FA2] =	sst s0  }
0x9: {  	[smem:$0x3FA3] =	sst s1  }
0xa: {  	[smem:$0x3FA4] =	sst s2  }
0xb: {  	[smem:$0x3FA5] =	sst s3  }
0xc: {  	[smem:$0x3FA6] =	sst s4  }
0xd: {  	[smem:$0x3FA7] =	sst s5  }
0xe: {  	[smem:$0x3FA8] =	sst s6  }
0xf: {  	[smem:$0x3FA9] =	sst s7  }
0x10: {  	[smem:$0x3FAA] =	sst s8  }
0x11: {  	[smem:$0x3FAB] =	sst s9;
	s0 =	simm.s32 @!p0 $0x0  }
0x12: {  	s1 =	sld [smem:$0x3F91];
	s0 =	simm.s32 @p0 $0x1  }
0x13: {  	[smem:$0x3FAC] =	sst s0;
	s0 =	simm.s32 @!p1 $0x0  }
0x14: {  	s2 =	sld [smem:$0x3F90];
	s0 =	simm.s32 @p1 $0x1  }
0x15: {  	[smem:$0x3FAD] =	sst s0;
	s0 =	simm.s32 @!p2 $0x0  }
0x16: {  	s3 =	sld [smem:$0x3FDB];
	s0 =	simm.s32 @p2 $0x1  }
0x17: {  	s4 =	simm.s32 $0x1BF5;
	[smem:$0x3FAF] =	sst s0  }
0x18: {  	s0 =	sld [smem:$0x3F92];
	_ =	swait.ge [sflag:s4], $0x0  }
0x19: {  	s7 =	sld [smem:$0x3F93]  }
0x1a: {  	s8 =	sadd.s32 $0xFFFFE003, lr  }
0x1b: {  	s9 =	sadd.s32 $0xFFFFFEF7, lr;
	s5 =	simm.s32 $0xFFFFFFFF;
	p2 =	slt.u32 s8, $0xFFFFF086  }
0x1c: {  	p1 =	slt.u32 s9, $0xF7A;
	s5 =	simm.s32 @!p2 $0x0  }
0x1d: {  	s5 =	simm.s32 @p1 $0x1;
	p0 =	seq.s32 s7, s2  }
0x1e: {  	s7 =	smul.u32 @!p0 $0xF7A, s2;
	p2 =	seq.s32 @!p0 s5, $0x0  }
0x1f: {  	s9 =	smul.u32 $0xF7A, s1;
	s8 =	simm.s32 @!p0 $0x1BF5;
	p2 =	por !p2, p0  }
0x20: {  	[sflag:s8] =	ssyncset.s32 @!p0 $0xFFFFF086;
	s6 =	sadd.s32 @!p0 s3, s7;
	s7 =	simm.s32 @!p0 $0x108  }
0x21: {  	s3 =	sadd.s32 s3, s9;
	s6 =	sadd.s32 @!p0 $0x88, s6;
	s7 =	simm.s32 @p2 $0x1082  }
0x22: {  	[simem:s7], [sflag:s8] =	dma.local @!p0 [hbm:s6], $0xF7A  }
0x23: {  	s9 =	sor.u32 $0xD0000000, s2;
	s6 =	simm.s32 $0x108;
	_ =	swait.ge @!p0 [sflag:s8], $0x0  }
0x24: {  	s3 =	sadd.s32 $0x88, s3;
	s6 =	simm.s32 @!p1 $0x1082;
	[sflag:s4] =	ssyncset.s32 $0xFFFFF086  }
0x25: {  	[simem:s6], [sflag:s4] =	dma.local [hbm:s3], $0xF7A  }
0x26: {  	[smem:$0x3F93] =	sst s1;
	(tag) =	ssettag s2;
	_ =	strace s9  }
0x27: {  	s1 =	sld [smem:$0x3FA3]  }
0x28: {  	s2 =	sld [smem:$0x3FA4]  }
0x29: {  	s4 =	sld [smem:$0x3FA6]  }
0x2a: {  	p0 =	seq.s32 s5, $0x0;
	s5 =	sld [smem:$0x3FA7]  }
0x2b: {  	s6 =	sld [smem:$0x3FA8]  }
0x2c: {  	s7 =	sld [smem:$0x3FA9]  }
0x2d: {  	s3 =	simm.s32 $0x108;
	s8 =	sld [smem:$0x3FAA]  }
0x2e: {  	s3 =	simm.s32 @!p0 $0x1082;
	s9 =	sld [smem:$0x3FAB]  }
0x2f: {  	lr =	sadd.s32 s0, s3;
	s0 =	sld [smem:$0x3FA2]  }
0x30: {  	s3 =	sld [smem:$0x3FA5]  }
0x31: {  	[smem:$0x3FAE] =	sst s10  }
0x32: {  	s10 =	sld [smem:$0x3FAC];
	_ =	sdelay $0x3  }
0x33: {  	p0 =	seq.s32 s10, $0x1;
	s10 =	sld [smem:$0x3FAE];
	_ =	sdelay $0x3  }
0x34: {  	[smem:$0x3FAE] =	sst s10  }
0x35: {  	s10 =	sld [smem:$0x3FAD];
	_ =	sdelay $0x3  }
0x36: {  	p1 =	seq.s32 s10, $0x1;
	s10 =	sld [smem:$0x3FAE];
	_ =	sdelay $0x3  }
0x37: {  	[smem:$0x3FAE] =	sst s10  }
0x38: {  	s10 =	sld [smem:$0x3FAF]  }
0x39: {  	_ = 	snop;
	(pc) =	sbr.ind lr, $3  }
0x3a: {  	_ = 	snop  }
0x3b: {  	_ = 	snop  }
0x3c: {  	p2 =	seq.s32 s10, $0x1;
	s10 =	sld [smem:$0x3FAE]  }
0x3d: {  	_ =	shalt  }
0x3e: {  	_ =	shalt  }
0x3f: {  	_ =	shalt  }
0x40: {  	_ =	shalt  }
0x41: {  	_ =	shalt  }
0x42: {  	_ =	shalt  }
0x43: {  	_ =	shalt  }
0x44: {  	_ =	shalt  }
0x45: {  	_ =	shalt  }
0x46: {  	_ =	shalt  }
0x47: {  	_ =	shalt  }
0x48: {  	_ =	shalt  }
0x49: {  	_ =	shalt  }
0x4a: {  	_ =	shalt  }
0x4b: {  	_ =	shalt  }
0x4c: {  	_ =	shalt  }
0x4d: {  	_ =	shalt  }
0x4e: {  	_ =	shalt  }
0x4f: {  	_ =	shalt  }
0x50: {  	_ =	shalt  }
0x51: {  	_ =	shalt  }
0x52: {  	_ =	shalt  }
0x53: {  	_ =	shalt  }
0x54: {  	_ =	shalt  }
0x55: {  	_ =	shalt  }
0x56: {  	_ =	shalt  }
0x57: {  	_ =	shalt  }
0x58: {  	_ =	shalt  }
0x59: {  	_ =	shalt  }
0x5a: {  	_ =	shalt  }
0x5b: {  	_ =	shalt  }
0x5c: {  	_ =	shalt  }
0x5d: {  	_ =	shalt  }
0x5e: {  	_ =	shalt  }
0x5f: {  	_ =	shalt  }
0x60: {  	_ =	shalt  }
0x61: {  	_ =	shalt  }
0x62: {  	_ =	shalt  }
0x63: {  	_ =	shalt  }
0x64: {  	_ =	shalt  }
0x65: {  	_ =	shalt  }
0x66: {  	_ =	shalt  }
0x67: {  	_ =	shalt  }
0x68: {  	_ =	shalt  }
0x69: {  	_ =	shalt  }
0x6a: {  	_ =	shalt  }
0x6b: {  	_ =	shalt  }
0x6c: {  	_ =	shalt  }
0x6d: {  	_ =	shalt  }
0x6e: {  	_ =	shalt  }
0x6f: {  	_ =	shalt  }
0x70: {  	_ =	shalt  }
0x71: {  	_ =	shalt  }
0x72: {  	_ =	shalt  }
0x73: {  	_ =	shalt  }
0x74: {  	_ =	shalt  }
0x75: {  	_ =	shalt  }
0x76: {  	_ =	shalt  }
0x77: {  	_ =	shalt  }
0x78: {  	_ =	shalt  }
0x79: {  	_ =	shalt  }
0x7a: {  	_ =	shalt  }
0x7b: {  	_ =	shalt  }
0x7c: {  	_ =	shalt  }
0x7d: {  	_ =	shalt  }
0x7e: {  	_ =	shalt  }
0x7f: {  	_ =	shalt  }
0x80: {  	_ =	shalt  }
0x81: {  	_ =	shalt  }
0x82: {  	_ =	shalt  }
0x83: {  	_ =	shalt  }
0x84: {  	_ =	shalt  }
0x85: {  	_ =	shalt  }
0x86: {  	_ =	shalt  }
0x87: {  	_ =	shalt  }
.Lfunc_end0:
.L_simem_size_0:
called_computation.3_lowered:
.L_overlay_start_0:
0x88: {  	s2 =	sld [smem:$0x3FD9]  }
0x89: {  	s3 =	sld [smem:$0x3FFE];
	_ =	sdelay $0x1  }
0x8a: {  	s1 =	srdreg.scid  }
0x8b: {  	s0 =	sand.u32 $0x1, s1  }
0x8c: {  	s16 =	sshll.u32 s0, $0xA;
	s2 =	sadd.s32 s3, s2  }
0x8d: {  	s2 =	sadd.s32 s2, s16  }
0x8e: {  	[smem:$0x3FBA] =	sst s2  }
0x8f: {  	_ = 	snop  }
0x90: {  	(tm) =	ssettm $0x1  }
0x91: {  	s17 =	sld [smem:$0x3FFB];
	_ =	sdelay $0x3  }
0x92: {  	_ =	strace s17  }
0x93: {  	s2 =	sld [smem:$0x3FFC];
	_ =	sdelay $0x3  }
0x94: {  	_ =	strace s2  }
0x95: {  	s2 =	sld [smem:$0x3FFD];
	_ =	sdelay $0x3  }
0x96: {  	_ =	strace s2  }
0x97: {  	_ =	strace $0x8FFFFFFF  }
0x98: {  	s18 =	sld [smem:$0x3FDB];
	_ =	sdelay $0x1  }
0x99: {  	s19 =	simm.s32 $_scs_section_size  }
0x9a: {  	s4 =	simm.s32 $_size__tile_overlayer_lowered;
	s5 =	simm.s32 $_tile_overlayer_lowered  }
0x9b: {  	s22 =	simm.s32 $0x1BFF;
	s21 =	sshll.u32 s5, $0x1;
	s2 =	sadd.s32 s19, s18  }
0x9c: {  	s6 =	simm.s32 $0x0;
	s20 =	sshll.u32 s4, $0x1;
	s4 =	sadd.s32 s21, s2  }
0x9d: {  	[timem:s6], [sflag:s22] =	dma.local [hbm:s4], s20  }
0x9e: {  	_ =	swait.ge [sflag:s22], s20  }
0x9f: {  	s3 =	ssub.s32 $0x0, s20;
	[sflag:s22] =	ssyncset.done $0x0  }
0xa0: {  	[sflag:s22] =	ssyncadd.s32 s3;
	_ =	sdelay $0x1  }
0xa1: {  	s23 =	simm.s32 $0x1B8B  }
0xa2: {  	_ =	swait.ge [sflag:s23], $0x1  }
0xa3: {  	[sflag:s23] =	ssyncset.done $0x0  }
0xa4: {  	s25 =	simm.s32 $0x1B8E;
	s24 =	sld [smem:$0x3FFE];
	[sflag:s23] =	ssyncadd.s32 $0xFFFFFFFF  }
0xa5: {  	s26 =	simm.s32 $execute0_lowered;
	[smem:$0x3FD2] =	sst s25  }
0xa6: {  	s4 =	sshll.u32 s26, $0x1;
	_ =	strace $0x8000004F;
	[dreg:$0x1] =	wrdreg $0xFFFFFFFF  }
0xa7: {  	s28 =	simm.s32 $_size_execute0_lowered;
	s2 =	sadd.s32 s2, s4;
	[dreg:$0x0] =	wrdreg $0x0  }
0xa8: {  	s4 =	sshll.u32 s28, $0x1;
	[dreg:$0x2] =	wrdreg s2  }
0xa9: {  	[dreg:$0x3] =	wrdreg s4  }
0xaa: {  	[dreg:$0x4] =	wrdreg $0xC0  }
0xab: {  	_ =	task [dreg:s6], $0x5FFFF  }
0xac: {  	[dreg:$0x1] =	wrdreg $0xFFFFFFFF  }
0xad: {  	[dreg:$0x0] =	wrdreg $0x60  }
0xae: {  	[dreg:$0x2] =	wrdreg s24  }
0xaf: {  	[dreg:$0x3] =	wrdreg $0x90000  }
0xb0: {  	[dreg:$0x4] =	wrdreg $0x9  }
0xb1: {  	_ =	task.clear_ibuf [dreg:s6], $0x5FFFF;
	_ =	strace $0x9000004F  }
0xb2: {  	s29 =	simm.s32 $0x9;
	_ =	strace $0x80000051  }
0xb3: {  	_ =	swait.ge [sflag:s29], $0x1  }
0xb4: {  	[sflag:s29] =	ssyncadd.s32 $0xFFFFFFFF  }
0xb5: {  	_ =	strace $0x90000051  }
0xb6: {  	_ =	sfence  }
0xb7: {  	s30 =	sld [smem:$0x0];
	_ =	sdelay $0x2  }
0xb8: {  	s31 =	sshll.u32 s1, $0xD;
	s1 =	sshrl.u32 s1, $0x2  }
0xb9: {  	s3 =	sand.u32 $0x4000, s31;
	s1 =	sadd.s32 s1, s30  }
0xba: {  	s0 =	sor.u32 s3, s0;
	s1 =	sshll.u32 s1, $0x11  }
0xbb: {  	s0 =	sor.u32 s1, s0  }
0xbc: {  	s0 =	sadd.s32 $0x8F2B, s0  }
0xbd: {  	[sflag:s0] =	ssyncadd.remote.s32 $0x1  }
0xbe: {  	_ =	sfence.sel $0xFFFF  }
0xbf: {  	[dreg:$0x0] =	wrdreg $0xFFFFFFFF;
	(pc) =	sbr.abs _section_cstart, $3  }
0xc0: {  	[dreg:$0x1] =	wrdreg $0xFFFFFFFF  }
0xc1: {  	_ =	task.clear_ibuf [dreg:s6], $0x2FFFF;
	_ =	strace $0x9FFFFFFF  }
0xc2: {  	(tm) =	ssettm $0x7FFFFFFF  }
0xc3: {  	_ =	shalt  }
tec
execute0_lowered:
.L_overlay_start_1:
0x0: {  	(tag) =	ssettag $0x1  }
0x1: {  	s6 =	rddreg [dreg:$0x0]  }
0x2: {  	s1 =	srdreg.scid;
	s0 =	stileid.u32  }
0x3: {  	s2 =	rddreg [dreg:$0x1];
	s3 =	simm.s32 $0x0;
	s17 =	simm.s32 $0x80  }
0x4: {  	s18 =	simm.s32 $0x5000;
	s19 =	simm.s32 $0x1;
	s23 =	simm.s32 $0x0  }
0x5: {  	s7 =	sand.u32 $0x1, s1;
	s4 =	sshll.u32 s0, $0x1;
	s9 =	smul.u32 $0x4F000, s0  }
0x6: {  	[smem:$0x7FF] =	sst s3;
	s12 =	sadd.s32 $0x99600, s6;
	s13 =	smul.u32 $0x2780, s0  }
0x7: {  	s1 =	rddreg [dreg:$0x2];
	s15 =	sadd.s32 $0x138800, s2;
	s20 =	sadd.s32 $0x128400, s2  }
0x8: {  	p0 =	sne.s32 s0, $0xF;
	p2 =	seq.s32 s0, $0xF;
	s4 =	sor.u32 s7, s4  }
0x9: {  	_ =	strace $0x80000050;
	s10 =	ssub.s32 $0x2, s7;
	s11 =	smul.u32 $0x27100, s7  }
0xa: {  	s14 =	smul.u32 $0x138800, s7;
	p1 =	sne.s32 @p0 s0, $0x0;
	s16 =	sshrl.u32 @!p0 s20, $0x3  }
0xb: {  	s20 =	sshrl.u32 @p2 s20, $0x3;
	s21 =	sshll.u32 @!p2 s0, $0x6;
	s5 =	smul.u32 $0x500, s4  }
0xc: {  	s4 =	sadd.s32 $0x4B200, s6;
	s29 =	sshrl.u32 s10, $0x1;
	s9 =	sshrl.u32 s9, $0x2  }
0xd: {  	p1 =	por p1, !p0;
	s21 =	sor.u32 @!p2 $0x1C02, s21;
	s10 =	ssub.s32 s10, s29  }
0xe: {  	s22 =	sadd.s32 s9, s2;
	s30 =	sadd.s32 s13, s11;
	s31 =	sshrl.u32 s14, $0x3  }
0xf: {  	s11 =	simm.s32 $0x2;
	s13 =	sshll.u32 @p0 s0, $0x6;
	s15 =	sshrl.u32 @!p1 s15, $0x3  }
0x10: {  	s8 =	sadd.s32 s5, s6;
	s5 =	sadd.s32 $0xFC00, s6;
	s9 =	sadd.s32 s12, s31  }
0x11: {  	s10 =	smax.u32 s10, $0x1;
	s13 =	sor.u32 @p0 $0x1C02, s13;
	s14 =	sshrl.u32 @p0 s22, $0x3  }
0x12: {  	s22 =	sshrl.u32 @!p2 s22, $0x3;
	s6 =	sadd.s32 $0x1A000, s8;
	s7 =	sadd.s32 $0x5A00, s8  }
0x13: {  	s8 =	sadd.s32 s12, s30;
	s9 =	sadd.s32 $0x25080, s9;
	s12 =	simm.s32 $0x2800  }
.LBB2_1:
0x14: {  	[tilespmem:s3], [sflag:$0x2] =	stream.linear.gather [hbm4b:s6+s3], $0x2800, $0x38;
	[tilespmem:$0x1C900] =	vst v63  }
0x15: {  	_ =	swait.ge [sflag:s11], $0x2800  }
0x16: {  	[sflag:s11] =	ssyncset.done $0x0  }
0x17: {  	[sflag:s11] =	ssyncadd.s32 $0xFFFFD800  }
0x18: {  	[tilespmem:s12], [sflag:$0x2] =	stream.linear.gather [hbm4b:s7+s3], $0x2800, $0x38;
	[tilespmem:$0x1C900] =	vst v63  }
0x19: {  	_ =	swait.ge [sflag:s11], $0x2800  }
0x1a: {  	[sflag:s11] =	ssyncset.done $0x0  }
0x1b: {  	s24 =	simm.s32 @p0 $0x2;
	[sflag:s11] =	ssyncadd.s32 $0xFFFFD800  }
0x1c: {  	[spmem:s14], [sflag:s13] =	dma.local @p0 [hbm:s5], $0x2780  }
0x1d: {  	_ =	swait.ge @p0 [sflag:s24], $0x2780  }
0x1e: {  	[sflag:s24] =	ssyncset.done @p0 $0x0  }
0x1f: {  	[sflag:s24] =	ssyncadd.s32 @p0 $0xFFFFD880;
	s24 =	simm.s32 @!p1 $0x1C02  }
0x20: {  	[spmem:s15], [sflag:s24] =	dma.local @!p1 [hbm:s5], $0x100  }
0x21: {  	s24 =	simm.s32 @!p1 $0x2  }
0x22: {  	_ =	swait.ge @!p1 [sflag:s24], $0x100  }
0x23: {  	[sflag:s24] =	ssyncset.done @!p1 $0x0  }
0x24: {  	[sflag:s24] =	ssyncadd.s32 @!p1 $0xFFFFFF00;
	s24 =	simm.s32 @!p0 $0x1FC2  }
0x25: {  	[spmem:s16], [sflag:s24] =	dma.local @!p0 [hbm:s5], $0x2080  }
0x26: {  	s24 =	simm.s32 @!p0 $0x2  }
0x27: {  	_ =	swait.ge @!p0 [sflag:s24], $0x2080  }
0x28: {  	[sflag:s24] =	ssyncset.done @!p0 $0x0  }
0x29: {  	[sflag:s24] =	ssyncadd.s32 @!p0 $0xFFFFDF80  }
0x2a: {  	s30 =	simm.s32 $0x0;
	[bflag:$0x0] =	sbarrier.arrive $0xFFFF  }
0x2b: {  	[tilespmem:s18], [sflag:$0x1] =	stream.indirect.gather [hbm4b:s4+s17], $0x80, s30, s17, $0xb8;
	[tilespmem:$0x1C900] =	vst v63  }
0x2c: {  	_ =	swait.ge [sflag:s19], $0x4000  }
0x2d: {  	[sflag:s19] =	ssyncset.done $0x0  }
0x2e: {  	s31 =	simm.s32 $0x2800;
	[sflag:s19] =	ssyncadd.s32 $0xFFFFC000  }
0x2f: {  	[spmem:s2] =	stream.indirect.scatter.add.f32 [tilespmem:s18], [sflag:$0x2], $0x80, s31, s17, $0xb8;
	[tilespmem:$0x1C900] =	vst v63  }
0x30: {  	_ =	swait.ge [sflag:s11], $0x4000  }
0x31: {  	s25 =	simm.s32 $0x400;
	s24 =	simm.s32 $0x200;
	[sflag:s11] =	ssyncset.done $0x0  }
.LBB2_2:
0x32: {  	s26 =	sshra.s32 s24, $0x2  }
0x33: {  	[sflag:s11] =	ssyncadd.s32 $0xFFFFC000;
	s24 =	smov.u32 s25;
	s28 =	sadd.s32 $0x200, s25  }
0x34: {  	[tilespmem:s18], [sflag:$0x1] =	stream.indirect.gather [hbm4b:s4+s17], $0x80, s26, s17, $0xb8;
	[tilespmem:$0x1C900] =	vst v63  }
0x35: {  	p3 =	sne.s32 s25, $0x9E00;
	_ =	swait.ge [sflag:s19], $0x4000  }
.Ltmp0:
0x36: {  	[sflag:s19] =	ssyncset.done $0x0;
	(pc) =	sbr.rel @p3 .LBB2_2-.Ltmp0, $4  }
0x37: {  	s25 =	sadd.s32 $0x2800, s26;
	[sflag:s19] =	ssyncadd.s32 $0xFFFFC000  }
0x38: {  	[spmem:s2] =	stream.indirect.scatter.add.f32 [tilespmem:s18], [sflag:$0x2], $0x80, s25, s17, $0xb8;
	[tilespmem:$0x1C900] =	vst v63  }
0x39: {  	_ =	swait.ge [sflag:s11], $0x4000  }
0x3a: {  	s25 =	smov.u32 s28;
	[sflag:s11] =	ssyncset.done $0x0  }
0x3b: {  	s24 =	sshra.s32 s24, $0x2;
	[sflag:s11] =	ssyncadd.s32 $0xFFFFC000  }
0x3c: {  	[tilespmem:s18], [sflag:$0x1] =	stream.indirect.gather [hbm4b:s4+s17], $0x80, s24, s17, $0xb8;
	[tilespmem:$0x1C900] =	vst v63  }
0x3d: {  	_ =	swait.ge [sflag:s19], $0x4000  }
0x3e: {  	[sflag:s19] =	ssyncset.done $0x0  }
0x3f: {  	s24 =	sadd.s32 $0x2800, s24;
	[sflag:s19] =	ssyncadd.s32 $0xFFFFC000  }
0x40: {  	[spmem:s2] =	stream.indirect.scatter.add.f32 [tilespmem:s18], [sflag:$0x2], $0x80, s24, s17, $0xb8;
	[tilespmem:$0x1C900] =	vst v63  }
0x41: {  	_ =	swait.ge [sflag:s11], $0x4000  }
0x42: {  	[sflag:s11] =	ssyncset.done $0x0  }
0x43: {  	[sflag:s11] =	ssyncadd.s32 $0xFFFFC000  }
0x44: {  	s24 =	simm.s32 @p2 $0x1FC2;
	[bflag:$0x0] =	sbarrier.arrive $0xFFFF  }
0x45: {  	[hbm:s9], [sflag:s24] =	dma.local @p2 [spmem:s20], $0x2080  }
0x46: {  	s24 =	simm.s32 @p2 $0x2  }
0x47: {  	s23 =	sadd.s32 $0x1, s23;
	_ =	swait.ge @p2 [sflag:s24], $0x2080  }
0x48: {  	p3 =	sne.s32 s23, s10;
	[sflag:s24] =	ssyncset.done @p2 $0x0  }
.Ltmp1:
0x49: {  	[sflag:s24] =	ssyncadd.s32 @p2 $0xFFFFDF80;
	s24 =	simm.s32 @!p2 $0x2;
	(pc) =	sbr.rel @p3 .LBB2_1-.Ltmp1, $4  }
0x4a: {  	[hbm:s8], [sflag:s21] =	dma.local @!p2 [spmem:s22], $0x2780  }
0x4b: {  	_ =	swait.ge @!p2 [sflag:s24], $0x2780  }
0x4c: {  	[sflag:s24] =	ssyncset.done @!p2 $0x0  }
0x4d: {  	[sflag:s24] =	ssyncadd.s32 @!p2 $0xFFFFD880  }
0x4e: {  	_ =	sfence.sel $0x180000  }
0x4f: {  	[bflag:$0x0] =	sbarrier.arrive $0xFFFF  }
0x50: {  	p0 =	sne.s32 s0, $0x0;
	_ =	strace $0x90000050  }
0x51: {  	s0 =	sadd.s32 @!p0 $0x100000, s1;
	[bflag:$0x2] =	sbarrier.arrive $0xFFFF  }
0x52: {  	[sflag:s0] =	ssyncadd.tile.s32 @!p0 $0x1;
	_ =	shalt  }
.Lfunc_end2:
_tile_overlayer_lowered:
.L_overlay_start_2:
0x53: {  	(tag) =	ssettag $0x2  }
0x54: {  	s0 =	rddreg [dreg:$0x0];
	s2 =	stileid.u32  }
0x55: {  	s1 =	rddreg [dreg:$0x1];
	p0 =	sne.s32 s2, $0x0  }
0x56: {  	s3 =	rddreg [dreg:$0x2];
	[bflag:$0x3] =	sbarrier.arrive $0xFFFF;
	s2 =	simm.s32 @!p0 $0x1C02  }
0x57: {  	[timem:s3], [sflag:s2] =	dma.local @!p0 [hbm:s0], s1  }
0x58: {  	s0 =	simm.s32 @!p0 $0x2  }
0x59: {  	_ =	swait.ge @!p0 [sflag:s0], s1  }
0x5a: {  	s1 =	ssub.s32 @!p0 $0x0, s1;
	[sflag:s0] =	ssyncset.done @!p0 $0x0  }
0x5b: {  	[sflag:s0] =	ssyncadd.s32 @!p0 s1  }
0x5c: {  	[bflag:$0x3] =	sbarrier.arrive $0xFFFF  }
0x5d: {  	_ =	shalt  }

// kernel: kernel.24.cloned.1.call-start
scs
__scs_entry_jumppad:
0x0: {  	(pc) =	sbr.rel $0x88, $3  }
0x1: {  	(tag) =	ssettag $0x0;
	lr =	simm.s32 $0x1  }
0x2: {  	[smem:$0x3F93] =	sst lr;
	_ =	strace $0xD0000000  }
0x3: {  	_ = 	snop  }
0x4: {  	_ = 	snop  }
0x5: {  	_ = 	snop  }
0x6: {  	_ = 	snop  }
0x7: {  	_ = 	snop  }
__scs_overlays_trampoline_lowered:
0x8: {  	[smem:$0x3FA2] =	sst s0  }
0x9: {  	[smem:$0x3FA3] =	sst s1  }
0xa: {  	[smem:$0x3FA4] =	sst s2  }
0xb: {  	[smem:$0x3FA5] =	sst s3  }
0xc: {  	[smem:$0x3FA6] =	sst s4  }
0xd: {  	[smem:$0x3FA7] =	sst s5  }
0xe: {  	[smem:$0x3FA8] =	sst s6  }
0xf: {  	[smem:$0x3FA9] =	sst s7  }
0x10: {  	[smem:$0x3FAA] =	sst s8  }
0x11: {  	[smem:$0x3FAB] =	sst s9;
	s0 =	simm.s32 @!p0 $0x0  }
0x12: {  	s1 =	sld [smem:$0x3F91];
	s0 =	simm.s32 @p0 $0x1  }
0x13: {  	[smem:$0x3FAC] =	sst s0;
	s0 =	simm.s32 @!p1 $0x0  }
0x14: {  	s2 =	sld [smem:$0x3F90];
	s0 =	simm.s32 @p1 $0x1  }
0x15: {  	[smem:$0x3FAD] =	sst s0;
	s0 =	simm.s32 @!p2 $0x0  }
0x16: {  	s3 =	sld [smem:$0x3FDB];
	s0 =	simm.s32 @p2 $0x1  }
0x17: {  	s4 =	simm.s32 $0x1BF5;
	[smem:$0x3FAF] =	sst s0  }
0x18: {  	s0 =	sld [smem:$0x3F92];
	_ =	swait.ge [sflag:s4], $0x0  }
0x19: {  	s7 =	sld [smem:$0x3F93]  }
0x1a: {  	s8 =	sadd.s32 $0xFFFFE003, lr  }
0x1b: {  	s9 =	sadd.s32 $0xFFFFFEF7, lr;
	s5 =	simm.s32 $0xFFFFFFFF;
	p2 =	slt.u32 s8, $0xFFFFF086  }
0x1c: {  	p1 =	slt.u32 s9, $0xF7A;
	s5 =	simm.s32 @!p2 $0x0  }
0x1d: {  	s5 =	simm.s32 @p1 $0x1;
	p0 =	seq.s32 s7, s2  }
0x1e: {  	s7 =	smul.u32 @!p0 $0xF7A, s2;
	p2 =	seq.s32 @!p0 s5, $0x0  }
0x1f: {  	s9 =	smul.u32 $0xF7A, s1;
	s8 =	simm.s32 @!p0 $0x1BF5;
	p2 =	por !p2, p0  }
0x20: {  	[sflag:s8] =	ssyncset.s32 @!p0 $0xFFFFF086;
	s6 =	sadd.s32 @!p0 s3, s7;
	s7 =	simm.s32 @!p0 $0x108  }
0x21: {  	s3 =	sadd.s32 s3, s9;
	s6 =	sadd.s32 @!p0 $0x88, s6;
	s7 =	simm.s32 @p2 $0x1082  }
0x22: {  	[simem:s7], [sflag:s8] =	dma.local @!p0 [hbm:s6], $0xF7A  }
0x23: {  	s9 =	sor.u32 $0xD0000000, s2;
	s6 =	simm.s32 $0x108;
	_ =	swait.ge @!p0 [sflag:s8], $0x0  }
0x24: {  	s3 =	sadd.s32 $0x88, s3;
	s6 =	simm.s32 @!p1 $0x1082;
	[sflag:s4] =	ssyncset.s32 $0xFFFFF086  }
0x25: {  	[simem:s6], [sflag:s4] =	dma.local [hbm:s3], $0xF7A  }
0x26: {  	[smem:$0x3F93] =	sst s1;
	(tag) =	ssettag s2;
	_ =	strace s9  }
0x27: {  	s1 =	sld [smem:$0x3FA3]  }
0x28: {  	s2 =	sld [smem:$0x3FA4]  }
0x29: {  	s4 =	sld [smem:$0x3FA6]  }
0x2a: {  	p0 =	seq.s32 s5, $0x0;
	s5 =	sld [smem:$0x3FA7]  }
0x2b: {  	s6 =	sld [smem:$0x3FA8]  }
0x2c: {  	s7 =	sld [smem:$0x3FA9]  }
0x2d: {  	s3 =	simm.s32 $0x108;
	s8 =	sld [smem:$0x3FAA]  }
0x2e: {  	s3 =	simm.s32 @!p0 $0x1082;
	s9 =	sld [smem:$0x3FAB]  }
0x2f: {  	lr =	sadd.s32 s0, s3;
	s0 =	sld [smem:$0x3FA2]  }
0x30: {  	s3 =	sld [smem:$0x3FA5]  }
0x31: {  	[smem:$0x3FAE] =	sst s10  }
0x32: {  	s10 =	sld [smem:$0x3FAC];
	_ =	sdelay $0x3  }
0x33: {  	p0 =	seq.s32 s10, $0x1;
	s10 =	sld [smem:$0x3FAE];
	_ =	sdelay $0x3  }
0x34: {  	[smem:$0x3FAE] =	sst s10  }
0x35: {  	s10 =	sld [smem:$0x3FAD];
	_ =	sdelay $0x3  }
0x36: {  	p1 =	seq.s32 s10, $0x1;
	s10 =	sld [smem:$0x3FAE];
	_ =	sdelay $0x3  }
0x37: {  	[smem:$0x3FAE] =	sst s10  }
0x38: {  	s10 =	sld [smem:$0x3FAF]  }
0x39: {  	_ = 	snop;
	(pc) =	sbr.ind lr, $3  }
0x3a: {  	_ = 	snop  }
0x3b: {  	_ = 	snop  }
0x3c: {  	p2 =	seq.s32 s10, $0x1;
	s10 =	sld [smem:$0x3FAE]  }
0x3d: {  	_ =	shalt  }
0x3e: {  	_ =	shalt  }
0x3f: {  	_ =	shalt  }
0x40: {  	_ =	shalt  }
0x41: {  	_ =	shalt  }
0x42: {  	_ =	shalt  }
0x43: {  	_ =	shalt  }
0x44: {  	_ =	shalt  }
0x45: {  	_ =	shalt  }
0x46: {  	_ =	shalt  }
0x47: {  	_ =	shalt  }
0x48: {  	_ =	shalt  }
0x49: {  	_ =	shalt  }
0x4a: {  	_ =	shalt  }
0x4b: {  	_ =	shalt  }
0x4c: {  	_ =	shalt  }
0x4d: {  	_ =	shalt  }
0x4e: {  	_ =	shalt  }
0x4f: {  	_ =	shalt  }
0x50: {  	_ =	shalt  }
0x51: {  	_ =	shalt  }
0x52: {  	_ =	shalt  }
0x53: {  	_ =	shalt  }
0x54: {  	_ =	shalt  }
0x55: {  	_ =	shalt  }
0x56: {  	_ =	shalt  }
0x57: {  	_ =	shalt  }
0x58: {  	_ =	shalt  }
0x59: {  	_ =	shalt  }
0x5a: {  	_ =	shalt  }
0x5b: {  	_ =	shalt  }
0x5c: {  	_ =	shalt  }
0x5d: {  	_ =	shalt  }
0x5e: {  	_ =	shalt  }
0x5f: {  	_ =	shalt  }
0x60: {  	_ =	shalt  }
0x61: {  	_ =	shalt  }
0x62: {  	_ =	shalt  }
0x63: {  	_ =	shalt  }
0x64: {  	_ =	shalt  }
0x65: {  	_ =	shalt  }
0x66: {  	_ =	shalt  }
0x67: {  	_ =	shalt  }
0x68: {  	_ =	shalt  }
0x69: {  	_ =	shalt  }
0x6a: {  	_ =	shalt  }
0x6b: {  	_ =	shalt  }
0x6c: {  	_ =	shalt  }
0x6d: {  	_ =	shalt  }
0x6e: {  	_ =	shalt  }
0x6f: {  	_ =	shalt  }
0x70: {  	_ =	shalt  }
0x71: {  	_ =	shalt  }
0x72: {  	_ =	shalt  }
0x73: {  	_ =	shalt  }
0x74: {  	_ =	shalt  }
0x75: {  	_ =	shalt  }
0x76: {  	_ =	shalt  }
0x77: {  	_ =	shalt  }
0x78: {  	_ =	shalt  }
0x79: {  	_ =	shalt  }
0x7a: {  	_ =	shalt  }
0x7b: {  	_ =	shalt  }
0x7c: {  	_ =	shalt  }
0x7d: {  	_ =	shalt  }
0x7e: {  	_ =	shalt  }
0x7f: {  	_ =	shalt  }
0x80: {  	_ =	shalt  }
0x81: {  	_ =	shalt  }
0x82: {  	_ =	shalt  }
0x83: {  	_ =	shalt  }
0x84: {  	_ =	shalt  }
0x85: {  	_ =	shalt  }
0x86: {  	_ =	shalt  }
0x87: {  	_ =	shalt  }
.Lfunc_end0:
.L_simem_size_0:
called_computation.4_lowered:
.L_overlay_start_0:
0x88: {  	s2 =	sld [smem:$0x3FD9]  }
0x89: {  	s3 =	sld [smem:$0x3FFE];
	_ =	sdelay $0x1  }
0x8a: {  	s1 =	srdreg.scid  }
0x8b: {  	s0 =	sand.u32 $0x1, s1  }
0x8c: {  	s16 =	sshll.u32 s0, $0xA;
	s2 =	sadd.s32 s3, s2  }
0x8d: {  	s2 =	sadd.s32 s2, s16  }
0x8e: {  	[smem:$0x3FBA] =	sst s2  }
0x8f: {  	_ = 	snop  }
0x90: {  	(tm) =	ssettm $0x1  }
0x91: {  	s17 =	sld [smem:$0x3FFB];
	_ =	sdelay $0x3  }
0x92: {  	_ =	strace s17  }
0x93: {  	s2 =	sld [smem:$0x3FFC];
	_ =	sdelay $0x3  }
0x94: {  	_ =	strace s2  }
0x95: {  	s2 =	sld [smem:$0x3FFD];
	_ =	sdelay $0x3  }
0x96: {  	_ =	strace s2  }
0x97: {  	_ =	strace $0x8FFFFFFF  }
0x98: {  	s18 =	sld [smem:$0x3FDB];
	_ =	sdelay $0x1  }
0x99: {  	s19 =	simm.s32 $_scs_section_size  }
0x9a: {  	s4 =	simm.s32 $_size__tile_overlayer_lowered;
	s5 =	simm.s32 $_tile_overlayer_lowered  }
0x9b: {  	s22 =	simm.s32 $0x1BFF;
	s21 =	sshll.u32 s5, $0x1;
	s2 =	sadd.s32 s19, s18  }
0x9c: {  	s6 =	simm.s32 $0x0;
	s20 =	sshll.u32 s4, $0x1;
	s4 =	sadd.s32 s21, s2  }
0x9d: {  	[timem:s6], [sflag:s22] =	dma.local [hbm:s4], s20  }
0x9e: {  	_ =	swait.ge [sflag:s22], s20  }
0x9f: {  	s3 =	ssub.s32 $0x0, s20;
	[sflag:s22] =	ssyncset.done $0x0  }
0xa0: {  	[sflag:s22] =	ssyncadd.s32 s3;
	_ =	sdelay $0x1  }
0xa1: {  	s23 =	simm.s32 $0x1B8B  }
0xa2: {  	_ =	swait.ge [sflag:s23], $0x1  }
0xa3: {  	[sflag:s23] =	ssyncset.done $0x0  }
0xa4: {  	s25 =	simm.s32 $0x1B8E;
	s24 =	sld [smem:$0x3FFE];
	[sflag:s23] =	ssyncadd.s32 $0xFFFFFFFF  }
0xa5: {  	s26 =	simm.s32 $execute0_lowered;
	[smem:$0x3FD2] =	sst s25  }
0xa6: {  	s4 =	sshll.u32 s26, $0x1;
	_ =	strace $0x80000052;
	[dreg:$0x1] =	wrdreg $0xFFFFFFFF  }
0xa7: {  	s28 =	simm.s32 $_size_execute0_lowered;
	s2 =	sadd.s32 s2, s4;
	[dreg:$0x0] =	wrdreg $0x0  }
0xa8: {  	s4 =	sshll.u32 s28, $0x1;
	[dreg:$0x2] =	wrdreg s2  }
0xa9: {  	[dreg:$0x3] =	wrdreg s4  }
0xaa: {  	[dreg:$0x4] =	wrdreg $0xC0  }
0xab: {  	_ =	task [dreg:s6], $0x5FFFF  }
0xac: {  	[dreg:$0x1] =	wrdreg $0xFFFFFFFF  }
0xad: {  	[dreg:$0x0] =	wrdreg $0x60  }
0xae: {  	[dreg:$0x2] =	wrdreg s24  }
0xaf: {  	[dreg:$0x3] =	wrdreg $0x90000  }
0xb0: {  	[dreg:$0x4] =	wrdreg $0x9  }
0xb1: {  	_ =	task.clear_ibuf [dreg:s6], $0x5FFFF;
	_ =	strace $0x90000052  }
0xb2: {  	s29 =	simm.s32 $0x9;
	_ =	strace $0x80000054  }
0xb3: {  	_ =	swait.ge [sflag:s29], $0x1  }
0xb4: {  	[sflag:s29] =	ssyncadd.s32 $0xFFFFFFFF  }
0xb5: {  	_ =	strace $0x90000054  }
0xb6: {  	_ =	sfence  }
0xb7: {  	s30 =	sld [smem:$0x0];
	_ =	sdelay $0x2  }
0xb8: {  	s31 =	sshll.u32 s1, $0xD;
	s1 =	sshrl.u32 s1, $0x2  }
0xb9: {  	s3 =	sand.u32 $0x4000, s31;
	s1 =	sadd.s32 s1, s30  }
0xba: {  	s0 =	sor.u32 s3, s0;
	s1 =	sshll.u32 s1, $0x11  }
0xbb: {  	s0 =	sor.u32 s1, s0  }
0xbc: {  	s0 =	sadd.s32 $0x8F2B, s0  }
0xbd: {  	[sflag:s0] =	ssyncadd.remote.s32 $0x1  }
0xbe: {  	_ =	sfence.sel $0xFFFF  }
0xbf: {  	[dreg:$0x0] =	wrdreg $0xFFFFFFFF;
	(pc) =	sbr.abs _section_cstart, $3  }
0xc0: {  	[dreg:$0x1] =	wrdreg $0xFFFFFFFF  }
0xc1: {  	_ =	task.clear_ibuf [dreg:s6], $0x2FFFF;
	_ =	strace $0x9FFFFFFF  }
0xc2: {  	(tm) =	ssettm $0x7FFFFFFF  }
0xc3: {  	_ =	shalt  }
tec
execute0_lowered:
.L_overlay_start_1:
0x0: {  	(tag) =	ssettag $0x1  }
0x1: {  	s6 =	rddreg [dreg:$0x0]  }
0x2: {  	s1 =	srdreg.scid;
	s0 =	stileid.u32  }
0x3: {  	s2 =	rddreg [dreg:$0x1];
	s3 =	simm.s32 $0x0;
	s17 =	simm.s32 $0x80  }
0x4: {  	s18 =	simm.s32 $0x5000;
	s19 =	simm.s32 $0x1;
	s23 =	simm.s32 $0x0  }
0x5: {  	s7 =	sand.u32 $0x1, s1;
	s4 =	sshll.u32 s0, $0x1;
	s9 =	smul.u32 $0x4F000, s0  }
0x6: {  	[smem:$0x7FF] =	sst s3;
	s12 =	sadd.s32 $0x4B200, s6;
	s13 =	smul.u32 $0x2780, s0  }
0x7: {  	s1 =	rddreg [dreg:$0x2];
	s15 =	sadd.s32 $0x138800, s2;
	s20 =	sadd.s32 $0x128400, s2  }
0x8: {  	p0 =	sne.s32 s0, $0xF;
	p2 =	seq.s32 s0, $0xF;
	s4 =	sor.u32 s7, s4  }
0x9: {  	_ =	strace $0x80000053;
	s10 =	ssub.s32 $0x2, s7;
	s11 =	smul.u32 $0x27100, s7  }
0xa: {  	s14 =	smul.u32 $0x138800, s7;
	p1 =	sne.s32 @p0 s0, $0x0;
	s16 =	sshrl.u32 @!p0 s20, $0x3  }
0xb: {  	s20 =	sshrl.u32 @p2 s20, $0x3;
	s21 =	sshll.u32 @!p2 s0, $0x6;
	s5 =	smul.u32 $0x500, s4  }
0xc: {  	s4 =	sadd.s32 $0x24000, s6;
	s29 =	sshrl.u32 s10, $0x1;
	s9 =	sshrl.u32 s9, $0x2  }
0xd: {  	p1 =	por p1, !p0;
	s21 =	sor.u32 @!p2 $0x1C02, s21;
	s10 =	ssub.s32 s10, s29  }
0xe: {  	s22 =	sadd.s32 s9, s2;
	s30 =	sadd.s32 s13, s11;
	s31 =	sshrl.u32 s14, $0x3  }
0xf: {  	s11 =	simm.s32 $0x2;
	s13 =	sshll.u32 @p0 s0, $0x6;
	s15 =	sshrl.u32 @!p1 s15, $0x3  }
0x10: {  	s8 =	sadd.s32 s5, s6;
	s5 =	sadd.s32 $0xFC00, s6;
	s9 =	sadd.s32 s12, s31  }
0x11: {  	s10 =	smax.u32 s10, $0x1;
	s13 =	sor.u32 @p0 $0x1C02, s13;
	s14 =	sshrl.u32 @p0 s22, $0x3  }
0x12: {  	s22 =	sshrl.u32 @!p2 s22, $0x3;
	s6 =	sadd.s32 $0x1A000, s8;
	s7 =	sadd.s32 $0x5A00, s8  }
0x13: {  	s8 =	sadd.s32 s12, s30;
	s9 =	sadd.s32 $0x25080, s9;
	s12 =	simm.s32 $0x2800  }
.LBB2_1:
0x14: {  	[tilespmem:s3], [sflag:$0x2] =	stream.linear.gather [hbm4b:s6+s3], $0x2800, $0x38;
	[tilespmem:$0x1C900] =	vst v63  }
0x15: {  	_ =	swait.ge [sflag:s11], $0x2800  }
0x16: {  	[sflag:s11] =	ssyncset.done $0x0  }
0x17: {  	[sflag:s11] =	ssyncadd.s32 $0xFFFFD800  }
0x18: {  	[tilespmem:s12], [sflag:$0x2] =	stream.linear.gather [hbm4b:s7+s3], $0x2800, $0x38;
	[tilespmem:$0x1C900] =	vst v63  }
0x19: {  	_ =	swait.ge [sflag:s11], $0x2800  }
0x1a: {  	[sflag:s11] =	ssyncset.done $0x0  }
0x1b: {  	s24 =	simm.s32 @p0 $0x2;
	[sflag:s11] =	ssyncadd.s32 $0xFFFFD800  }
0x1c: {  	[spmem:s14], [sflag:s13] =	dma.local @p0 [hbm:s5], $0x2780  }
0x1d: {  	_ =	swait.ge @p0 [sflag:s24], $0x2780  }
0x1e: {  	[sflag:s24] =	ssyncset.done @p0 $0x0  }
0x1f: {  	[sflag:s24] =	ssyncadd.s32 @p0 $0xFFFFD880;
	s24 =	simm.s32 @!p1 $0x1C02  }
0x20: {  	[spmem:s15], [sflag:s24] =	dma.local @!p1 [hbm:s5], $0x100  }
0x21: {  	s24 =	simm.s32 @!p1 $0x2  }
0x22: {  	_ =	swait.ge @!p1 [sflag:s24], $0x100  }
0x23: {  	[sflag:s24] =	ssyncset.done @!p1 $0x0  }
0x24: {  	[sflag:s24] =	ssyncadd.s32 @!p1 $0xFFFFFF00;
	s24 =	simm.s32 @!p0 $0x1FC2  }
0x25: {  	[spmem:s16], [sflag:s24] =	dma.local @!p0 [hbm:s5], $0x2080  }
0x26: {  	s24 =	simm.s32 @!p0 $0x2  }
0x27: {  	_ =	swait.ge @!p0 [sflag:s24], $0x2080  }
0x28: {  	[sflag:s24] =	ssyncset.done @!p0 $0x0  }
0x29: {  	[sflag:s24] =	ssyncadd.s32 @!p0 $0xFFFFDF80  }
0x2a: {  	s30 =	simm.s32 $0x0;
	[bflag:$0x0] =	sbarrier.arrive $0xFFFF  }
0x2b: {  	[tilespmem:s18], [sflag:$0x1] =	stream.indirect.gather [hbm4b:s4+s17], $0x80, s30, s17, $0xb8;
	[tilespmem:$0x1C900] =	vst v63  }
0x2c: {  	_ =	swait.ge [sflag:s19], $0x4000  }
0x2d: {  	[sflag:s19] =	ssyncset.done $0x0  }
0x2e: {  	s31 =	simm.s32 $0x2800;
	[sflag:s19] =	ssyncadd.s32 $0xFFFFC000  }
0x2f: {  	[spmem:s2] =	stream.indirect.scatter.add.f32 [tilespmem:s18], [sflag:$0x2], $0x80, s31, s17, $0xb8;
	[tilespmem:$0x1C900] =	vst v63  }
0x30: {  	_ =	swait.ge [sflag:s11], $0x4000  }
0x31: {  	s25 =	simm.s32 $0x400;
	s24 =	simm.s32 $0x200;
	[sflag:s11] =	ssyncset.done $0x0  }
.LBB2_2:
0x32: {  	s26 =	sshra.s32 s24, $0x2  }
0x33: {  	[sflag:s11] =	ssyncadd.s32 $0xFFFFC000;
	s24 =	smov.u32 s25;
	s28 =	sadd.s32 $0x200, s25  }
0x34: {  	[tilespmem:s18], [sflag:$0x1] =	stream.indirect.gather [hbm4b:s4+s17], $0x80, s26, s17, $0xb8;
	[tilespmem:$0x1C900] =	vst v63  }
0x35: {  	p3 =	sne.s32 s25, $0x9E00;
	_ =	swait.ge [sflag:s19], $0x4000  }
.Ltmp0:
0x36: {  	[sflag:s19] =	ssyncset.done $0x0;
	(pc) =	sbr.rel @p3 .LBB2_2-.Ltmp0, $4  }
0x37: {  	s25 =	sadd.s32 $0x2800, s26;
	[sflag:s19] =	ssyncadd.s32 $0xFFFFC000  }
0x38: {  	[spmem:s2] =	stream.indirect.scatter.add.f32 [tilespmem:s18], [sflag:$0x2], $0x80, s25, s17, $0xb8;
	[tilespmem:$0x1C900] =	vst v63  }
0x39: {  	_ =	swait.ge [sflag:s11], $0x4000  }
0x3a: {  	s25 =	smov.u32 s28;
	[sflag:s11] =	ssyncset.done $0x0  }
0x3b: {  	s24 =	sshra.s32 s24, $0x2;
	[sflag:s11] =	ssyncadd.s32 $0xFFFFC000  }
0x3c: {  	[tilespmem:s18], [sflag:$0x1] =	stream.indirect.gather [hbm4b:s4+s17], $0x80, s24, s17, $0xb8;
	[tilespmem:$0x1C900] =	vst v63  }
0x3d: {  	_ =	swait.ge [sflag:s19], $0x4000  }
0x3e: {  	[sflag:s19] =	ssyncset.done $0x0  }
0x3f: {  	s24 =	sadd.s32 $0x2800, s24;
	[sflag:s19] =	ssyncadd.s32 $0xFFFFC000  }
0x40: {  	[spmem:s2] =	stream.indirect.scatter.add.f32 [tilespmem:s18], [sflag:$0x2], $0x80, s24, s17, $0xb8;
	[tilespmem:$0x1C900] =	vst v63  }
0x41: {  	_ =	swait.ge [sflag:s11], $0x4000  }
0x42: {  	[sflag:s11] =	ssyncset.done $0x0  }
0x43: {  	[sflag:s11] =	ssyncadd.s32 $0xFFFFC000  }
0x44: {  	s24 =	simm.s32 @p2 $0x1FC2;
	[bflag:$0x0] =	sbarrier.arrive $0xFFFF  }
0x45: {  	[hbm:s9], [sflag:s24] =	dma.local @p2 [spmem:s20], $0x2080  }
0x46: {  	s24 =	simm.s32 @p2 $0x2  }
0x47: {  	s23 =	sadd.s32 $0x1, s23;
	_ =	swait.ge @p2 [sflag:s24], $0x2080  }
0x48: {  	p3 =	sne.s32 s23, s10;
	[sflag:s24] =	ssyncset.done @p2 $0x0  }
.Ltmp1:
0x49: {  	[sflag:s24] =	ssyncadd.s32 @p2 $0xFFFFDF80;
	s24 =	simm.s32 @!p2 $0x2;
	(pc) =	sbr.rel @p3 .LBB2_1-.Ltmp1, $4  }
0x4a: {  	[hbm:s8], [sflag:s21] =	dma.local @!p2 [spmem:s22], $0x2780  }
0x4b: {  	_ =	swait.ge @!p2 [sflag:s24], $0x2780  }
0x4c: {  	[sflag:s24] =	ssyncset.done @!p2 $0x0  }
0x4d: {  	[sflag:s24] =	ssyncadd.s32 @!p2 $0xFFFFD880  }
0x4e: {  	_ =	sfence.sel $0x180000  }
0x4f: {  	[bflag:$0x0] =	sbarrier.arrive $0xFFFF  }
0x50: {  	p0 =	sne.s32 s0, $0x0;
	_ =	strace $0x90000053  }
0x51: {  	s0 =	sadd.s32 @!p0 $0x100000, s1;
	[bflag:$0x2] =	sbarrier.arrive $0xFFFF  }
0x52: {  	[sflag:s0] =	ssyncadd.tile.s32 @!p0 $0x1;
	_ =	shalt  }
.Lfunc_end2:
_tile_overlayer_lowered:
.L_overlay_start_2:
0x53: {  	(tag) =	ssettag $0x2  }
0x54: {  	s0 =	rddreg [dreg:$0x0];
	s2 =	stileid.u32  }
0x55: {  	s1 =	rddreg [dreg:$0x1];
	p0 =	sne.s32 s2, $0x0  }
0x56: {  	s3 =	rddreg [dreg:$0x2];
	[bflag:$0x3] =	sbarrier.arrive $0xFFFF;
	s2 =	simm.s32 @!p0 $0x1C02  }
0x57: {  	[timem:s3], [sflag:s2] =	dma.local @!p0 [hbm:s0], s1  }
0x58: {  	s0 =	simm.s32 @!p0 $0x2  }
0x59: {  	_ =	swait.ge @!p0 [sflag:s0], s1  }
0x5a: {  	s1 =	ssub.s32 @!p0 $0x0, s1;
	[sflag:s0] =	ssyncset.done @!p0 $0x0  }
0x5b: {  	[sflag:s0] =	ssyncadd.s32 @!p0 s1  }
0x5c: {  	[bflag:$0x3] =	sbarrier.arrive $0xFFFF  }
0x5d: {  	_ =	shalt  }

</sc_bundles>
